<compile_context>
chip_gen: v7x
topology: tpu7x:2x2x1
jax: 0.10.2.dev20260603
libtpu: 0.0.44.dev20260713+nightly
codegen_flags: <defaults>
</compile_context>

<pallas_src>
import functools

import jax
import jax.numpy as jnp
from jax import lax
from jax.experimental import pallas as pl
from jax.experimental.pallas import tpu as pltpu
from jax.experimental.pallas import tpu_sc as plsc

_L = 16


def _lane_permute(v, idx):
    dnums = lax.GatherDimensionNumbers(
        offset_dims=(), collapsed_slice_dims=(0,), start_index_map=(0,))
    return lax.gather(v, idx[:, None], dnums, (1,),
                      mode=lax.GatherScatterMode.PROMISE_IN_BOUNDS)


def _lane_max(v):
    for sh in (8, 4, 2, 1):
        idx = lax.iota(jnp.int32, _L) ^ sh
        v = jnp.maximum(v, _lane_permute(v, idx))
    return v


def _lane_sum(v):
    for sh in (8, 4, 2, 1):
        idx = lax.iota(jnp.int32, _L) ^ sh
        v = v + _lane_permute(v, idx)
    return v


def _make_sc_kernel(N, F, B, K):
    info = plsc.get_sparse_core_info()
    NC, NS = info.num_cores, info.num_subcores
    assert NC * NS == B, (NC, NS, B)
    n_chunks = N // _L
    k_vecs = K // _L
    mesh = plsc.VectorSubcoreMesh(core_axis_name="c", subcore_axis_name="s")

    def body(cp_hbm, ct_hbm, bw_hbm, out_hbm, tab_v, idx_v, w_v, bw_v):
        b = lax.axis_index("s") * NC + lax.axis_index("c")
        pltpu.sync_copy(cp_hbm.at[b], tab_v)
        pltpu.sync_copy(ct_hbm, idx_v)
        pltpu.sync_copy(bw_hbm, bw_v)

        c_acc = jnp.zeros((_L,), jnp.float32)
        for i in range(F):
            base = i * K
            m = tab_v[pl.ds(base, _L)]
            for j in range(1, k_vecs):
                m = jnp.maximum(m, tab_v[pl.ds(base + j * _L, _L)])
            m_b = _lane_max(m)
            se = jnp.zeros((_L,), jnp.float32)
            se2 = jnp.zeros((_L,), jnp.float32)
            for j in range(k_vecs):
                e = jnp.exp(tab_v[pl.ds(base + j * _L, _L)] - m_b)
                tab_v[pl.ds(base + j * _L, _L)] = e
                se = se + e
                se2 = se2 + e * e
            inv_b = jnp.float32(1.0) / _lane_sum(se)
            for j in range(k_vecs):
                tab_v[pl.ds(base + j * _L, _L)] = (
                    tab_v[pl.ds(base + j * _L, _L)] * inv_b
                )
            c_acc = c_acc + _lane_sum(se2) * inv_b * inv_b + jnp.float32(1.0)

        inv_bw = jnp.float32(1.0) / jnp.clip(bw_v[...], 0.1, 10.0)
        a_v = jnp.float32(2.0) * inv_bw
        c_v = c_acc * inv_bw

        def chunk(j, sacc):
            off = pl.multiple_of(j * _L, _L)
            g = plsc.load_gather(tab_v, [idx_v[0, pl.ds(off, _L)]])
            for i in range(1, F):
                g = g + plsc.load_gather(
                    tab_v, [idx_v[i, pl.ds(off, _L)] + jnp.int32(i * K)]
                )
            w = jnp.exp(g * a_v - c_v)
            w_v[pl.ds(off, _L)] = w
            return sacc + w

        sacc = lax.fori_loop(0, n_chunks, chunk,
                             jnp.zeros((_L,), jnp.float32))
        s_b = _lane_sum(sacc)
        norm_b = jnp.where(s_b < jnp.float32(1e-13),
                           jnp.float32(0.0), jnp.float32(1.0) / s_b)

        def nrm(j, carry):
            off = pl.multiple_of(j * _L, _L)
            w_v[pl.ds(off, _L)] = w_v[pl.ds(off, _L)] * norm_b
            return carry

        lax.fori_loop(0, n_chunks, nrm, jnp.int32(0))
        pltpu.sync_copy(w_v, out_hbm.at[b])

    return pl.kernel(
        body,
        out_type=jax.ShapeDtypeStruct((B, N), jnp.float32),
        mesh=mesh,
        compiler_params=pltpu.CompilerParams(needs_layout_passes=False),
        scratch_types=[
            pltpu.VMEM((F * K,), jnp.float32),
            pltpu.VMEM((F, N), jnp.int32),
            pltpu.VMEM((N,), jnp.float32),
            pltpu.VMEM((_L,), jnp.float32),
        ],
    )


@jax.jit
def kernel(c_in, c_p, bandwidth):
    F, B, K = c_p.shape
    N = c_in.shape[0]
    cp_t = jnp.transpose(c_p, (1, 0, 2)).reshape(B, F * K)
    ct = c_in.T.astype(jnp.int32)
    bw16 = jnp.broadcast_to(bandwidth.astype(jnp.float32), (_L,))
    out = _make_sc_kernel(N, F, B, K)(cp_t, ct, bw16)
    return out[:, :, None]

# --- scband reference (transcript-rebuilt; emitter-appended) ---
"""Pipeline reference for scband-simple-gauss-54150947668144 (READ-ONLY COPY).

The authoritative reference and input builder live on the scoring server;
editing this copy changes nothing except your own understanding.
"""

import jax, jax.numpy as jnp
import numpy as np


def setup_inputs(seed: int = 0) -> dict:
    key = jax.random.key(seed)
    k1, k2 = jax.random.split(key)
    N, F, B, K = 4096, 4, 32, 256
    c_in = jax.random.randint(k1, (N, F), 0, K, dtype=jnp.int32)
    c_p = jax.random.normal(k2, (F, B, K), dtype=jnp.float32)
    bandwidth = jnp.array([1.0], dtype=jnp.float32)
    return {"c_in": c_in, "c_p": c_p, "bandwidth": bandwidth}


def reference(c_in, c_p, bandwidth):
    # c_in: int[N, F] category indices; c_p: float[F, B, K] logits per feature
    F, B, K = c_p.shape
    N = c_in.shape[0]
    results = []
    for i in range(F):
        proba = jnp.broadcast_to(jax.nn.softmax(c_p[i], axis=-1)[:, None, :], (B, N, K))
        idx = c_in[:, i]
        # scatter_reduce_(-1, idx, -1, reduce='sum') with include_self=True:
        # add -1 at position idx[n] for every (b, n)
        q = proba.at[:, jnp.arange(N), idx].add(-1.0)
        results.append(jnp.sum(q ** 2, axis=-1))  # [B, N]
    metric = jnp.sum(jnp.stack(results, axis=-1), axis=-1, keepdims=True)  # [B, N, 1]
    bw = jnp.clip(bandwidth, 0.1, 10.0)
    weights = jnp.exp(-metric / bw)
    s = jnp.broadcast_to(jnp.sum(weights, axis=-2, keepdims=True), weights.shape)
    bad = s < 1e-13
    s_safe = jnp.where(bad, 1.0, s)
    norm_weights = jnp.where(bad, 0.0, weights / s_safe)
    return norm_weights

if __name__ == "__main__":
    import jax
    _d = setup_inputs()
    print(jax.jit(kernel)(*tuple(_d.values())))

</pallas_src>

<mosaic_0001>
#map = affine_map<(d0, d1) -> (0, 0)>
#map1 = affine_map<(d0, d1) -> (0)>
module attributes {stable_mosaic.version = 14 : i64} {
  func.func @body(%arg0: i32, %arg1: i32, %arg2: memref<32x1024xf32, #tpu.memory_space<hbm>>, %arg3: memref<4x4096xi32, #tpu.memory_space<hbm>>, %arg4: memref<16xf32, #tpu.memory_space<hbm>>, %arg5: memref<32x4096xf32, #tpu.memory_space<hbm>>, %arg6: memref<1024xf32, #tpu.memory_space<vmem>>, %arg7: memref<4x4096xi32, #tpu.memory_space<vmem>>, %arg8: memref<4096xf32, #tpu.memory_space<vmem>>, %arg9: memref<16xf32, #tpu.memory_space<vmem>>) attributes {dimension_semantics = [#tpu.dimension_semantics<core_parallel>, #tpu.dimension_semantics<subcore_parallel>], iteration_bounds = array<i64: 2, 16>, scalar_prefetch = 0 : i64, scratch_operands = 4 : i64, tpu.core_type = #tpu.core_type<sc_vector_subcore>, window_params = [{transform_indices = #map}, {transform_indices = #map}, {transform_indices = #map1}, {transform_indices = #map}]} {
    %mul3A = arith.constant 2 : i32
    %mul3A_0 = arith.muli %arg1, %mul3A : i32
    %add3A = arith.addi %mul3A_0, %arg0 : i32
    "tpu.region"() ({
      %run_scoped3A = tpu.sem_alloc : memref<!tpu.dma_semaphore, #tpu.memory_space<semaphore_mem>>
      %dma_start3A = arith.constant 0 : i32
      %dma_start3A_1578 = tpu.memref_slice %arg2[%add3A, %dma_start3A] : memref<32x1024xf32, #tpu.memory_space<hbm>> -> memref<1x1024xf32, #tpu.memory_space<hbm>>
      %dma_start3A_1579 = tpu.memref_squeeze %dma_start3A_1578 : memref<1x1024xf32, #tpu.memory_space<hbm>> -> memref<1024xf32, #tpu.memory_space<hbm>>
      %dma_start3A_1580 = arith.constant 0 : i32
      %dma_start3A_1581 = tpu.memref_slice %arg2[%add3A, %dma_start3A_1580] : memref<32x1024xf32, #tpu.memory_space<hbm>> -> memref<1x1024xf32, #tpu.memory_space<hbm>>
      %dma_start3A_1582 = tpu.memref_squeeze %dma_start3A_1581 : memref<1x1024xf32, #tpu.memory_space<hbm>> -> memref<1024xf32, #tpu.memory_space<hbm>>
      tpu.enqueue_dma source(%dma_start3A_1582 : memref<1024xf32, #tpu.memory_space<hbm>>) target(%arg6 : memref<1024xf32, #tpu.memory_space<vmem>>) target_semaphore(%run_scoped3A : memref<!tpu.dma_semaphore, #tpu.memory_space<semaphore_mem>>)
      %dma_wait3A = arith.constant 0 : i32
      %dma_wait3A_1583 = tpu.memref_slice %arg2[%add3A, %dma_wait3A] : memref<32x1024xf32, #tpu.memory_space<hbm>> -> memref<1x1024xf32, #tpu.memory_space<hbm>>
      %dma_wait3A_1584 = tpu.memref_squeeze %dma_wait3A_1583 : memref<1x1024xf32, #tpu.memory_space<hbm>> -> memref<1024xf32, #tpu.memory_space<hbm>>
      %dma_wait3A_1585 = arith.constant 0 : i32
      %dma_wait3A_1586 = tpu.memref_slice %arg2[%add3A, %dma_wait3A_1585] : memref<32x1024xf32, #tpu.memory_space<hbm>> -> memref<1x1024xf32, #tpu.memory_space<hbm>>
      %dma_wait3A_1587 = tpu.memref_squeeze %dma_wait3A_1586 : memref<1x1024xf32, #tpu.memory_space<hbm>> -> memref<1024xf32, #tpu.memory_space<hbm>>
      tpu.wait_dma2 semaphore(%run_scoped3A : memref<!tpu.dma_semaphore, #tpu.memory_space<semaphore_mem>>) src(%dma_wait3A_1587 : memref<1024xf32, #tpu.memory_space<hbm>>) dst(%arg6 : memref<1024xf32, #tpu.memory_space<vmem>>)
      tpu.yield
    }) : () -> ()
    "tpu.region"() ({
      %run_scoped3A = tpu.sem_alloc : memref<!tpu.dma_semaphore, #tpu.memory_space<semaphore_mem>>
      tpu.enqueue_dma source(%arg3 : memref<4x4096xi32, #tpu.memory_space<hbm>>) target(%arg7 : memref<4x4096xi32, #tpu.memory_space<vmem>>) target_semaphore(%run_scoped3A : memref<!tpu.dma_semaphore, #tpu.memory_space<semaphore_mem>>)
      tpu.wait_dma2 semaphore(%run_scoped3A : memref<!tpu.dma_semaphore, #tpu.memory_space<semaphore_mem>>) src(%arg3 : memref<4x4096xi32, #tpu.memory_space<hbm>>) dst(%arg7 : memref<4x4096xi32, #tpu.memory_space<vmem>>)
      tpu.yield
    }) : () -> ()
    "tpu.region"() ({
      %run_scoped3A = tpu.sem_alloc : memref<!tpu.dma_semaphore, #tpu.memory_space<semaphore_mem>>
      tpu.enqueue_dma source(%arg4 : memref<16xf32, #tpu.memory_space<hbm>>) target(%arg9 : memref<16xf32, #tpu.memory_space<vmem>>) target_semaphore(%run_scoped3A : memref<!tpu.dma_semaphore, #tpu.memory_space<semaphore_mem>>)
      tpu.wait_dma2 semaphore(%run_scoped3A : memref<!tpu.dma_semaphore, #tpu.memory_space<semaphore_mem>>) src(%arg4 : memref<16xf32, #tpu.memory_space<hbm>>) dst(%arg9 : memref<16xf32, #tpu.memory_space<vmem>>)
      tpu.yield
    }) : () -> ()
    %broadcast_in_dim3A = arith.constant 0.000000e+00 : f32
    %broadcast_in_dim3A_1 = vector.broadcast %broadcast_in_dim3A : f32 to vector<16xf32>
    %get3A = arith.constant 0 : index
    %get3A_2 = tpu.vector_load %arg6[%get3A] {strides = array<i32>} : memref<1024xf32, #tpu.memory_space<vmem>>, vector<16xf32>,
    %get3A_3 = arith.constant 16 : index
    %get3A_4 = tpu.vector_load %arg6[%get3A_3] {strides = array<i32>} : memref<1024xf32, #tpu.memory_space<vmem>>, vector<16xf32>,
    %max3A = arith.maximumf %get3A_2, %get3A_4 : vector<16xf32>
    %get3A_5 = arith.constant 32 : index
    %get3A_6 = tpu.vector_load %arg6[%get3A_5] {strides = array<i32>} : memref<1024xf32, #tpu.memory_space<vmem>>, vector<16xf32>,
    %max3A_7 = arith.maximumf %max3A, %get3A_6 : vector<16xf32>
    %get3A_8 = arith.constant 48 : index
    %get3A_9 = tpu.vector_load %arg6[%get3A_8] {strides = array<i32>} : memref<1024xf32, #tpu.memory_space<vmem>>, vector<16xf32>,
    %max3A_10 = arith.maximumf %max3A_7, %get3A_9 : vector<16xf32>
    %get3A_11 = arith.constant 64 : index
    %get3A_12 = tpu.vector_load %arg6[%get3A_11] {strides = array<i32>} : memref<1024xf32, #tpu.memory_space<vmem>>, vector<16xf32>,
    %max3A_13 = arith.maximumf %max3A_10, %get3A_12 : vector<16xf32>
    %get3A_14 = arith.constant 80 : index
    %get3A_15 = tpu.vector_load %arg6[%get3A_14] {strides = array<i32>} : memref<1024xf32, #tpu.memory_space<vmem>>, vector<16xf32>,
    %max3A_16 = arith.maximumf %max3A_13, %get3A_15 : vector<16xf32>
    %get3A_17 = arith.constant 96 : index
    %get3A_18 = tpu.vector_load %arg6[%get3A_17] {strides = array<i32>} : memref<1024xf32, #tpu.memory_space<vmem>>, vector<16xf32>,
    %max3A_19 = arith.maximumf %max3A_16, %get3A_18 : vector<16xf32>
    %get3A_20 = arith.constant 112 : index
    %get3A_21 = tpu.vector_load %arg6[%get3A_20] {strides = array<i32>} : memref<1024xf32, #tpu.memory_space<vmem>>, vector<16xf32>,
    %max3A_22 = arith.maximumf %max3A_19, %get3A_21 : vector<16xf32>
    %get3A_23 = arith.constant 128 : index
    %get3A_24 = tpu.vector_load %arg6[%get3A_23] {strides = array<i32>} : memref<1024xf32, #tpu.memory_space<vmem>>, vector<16xf32>,
    %max3A_25 = arith.maximumf %max3A_22, %get3A_24 : vector<16xf32>
    %get3A_26 = arith.constant 144 : index
    %get3A_27 = tpu.vector_load %arg6[%get3A_26] {strides = array<i32>} : memref<1024xf32, #tpu.memory_space<vmem>>, vector<16xf32>,
    %max3A_28 = arith.maximumf %max3A_25, %get3A_27 : vector<16xf32>
    %get3A_29 = arith.constant 160 : index
    %get3A_30 = tpu.vector_load %arg6[%get3A_29] {strides = array<i32>} : memref<1024xf32, #tpu.memory_space<vmem>>, vector<16xf32>,
    %max3A_31 = arith.maximumf %max3A_28, %get3A_30 : vector<16xf32>
    %get3A_32 = arith.constant 176 : index
    %get3A_33 = tpu.vector_load %arg6[%get3A_32] {strides = array<i32>} : memref<1024xf32, #tpu.memory_space<vmem>>, vector<16xf32>,
    %max3A_34 = arith.maximumf %max3A_31, %get3A_33 : vector<16xf32>
    %get3A_35 = arith.constant 192 : index
    %get3A_36 = tpu.vector_load %arg6[%get3A_35] {strides = array<i32>} : memref<1024xf32, #tpu.memory_space<vmem>>, vector<16xf32>,
    %max3A_37 = arith.maximumf %max3A_34, %get3A_36 : vector<16xf32>
    %get3A_38 = arith.constant 208 : index
    %get3A_39 = tpu.vector_load %arg6[%get3A_38] {strides = array<i32>} : memref<1024xf32, #tpu.memory_space<vmem>>, vector<16xf32>,
    %max3A_40 = arith.maximumf %max3A_37, %get3A_39 : vector<16xf32>
    %get3A_41 = arith.constant 224 : index
    %get3A_42 = tpu.vector_load %arg6[%get3A_41] {strides = array<i32>} : memref<1024xf32, #tpu.memory_space<vmem>>, vector<16xf32>,
    %max3A_43 = arith.maximumf %max3A_40, %get3A_42 : vector<16xf32>
    %get3A_44 = arith.constant 240 : index
    %get3A_45 = tpu.vector_load %arg6[%get3A_44] {strides = array<i32>} : memref<1024xf32, #tpu.memory_space<vmem>>, vector<16xf32>,
    %max3A_46 = arith.maximumf %max3A_43, %get3A_45 : vector<16xf32>
    %iota3A = tpu.iota {dimensions = array<i32: 0>} : vector<16xi32>
    %xor3A = arith.constant 8 : i32
    %xor3A_47 = vector.broadcast %xor3A : i32 to vector<16xi32>
    %xor3A_48 = arith.xori %iota3A, %xor3A_47 : vector<16xi32>
    %broadcast_in_dim3A_49 = vector.shape_cast %xor3A_48 : vector<16xi32> to vector<16x1xi32>
    %gather3A = vector.shape_cast %broadcast_in_dim3A_49 : vector<16x1xi32> to vector<16xi32>
    %gather3A_50 = tpu.dynamic_gather %max3A_46[%gather3A] in [0] : vector<16xf32>, vector<16xi32> -> vector<16xf32>
    %max3A_51 = arith.maximumf %max3A_46, %gather3A_50 : vector<16xf32>
    %iota3A_52 = tpu.iota {dimensions = array<i32: 0>} : vector<16xi32>
    %xor3A_53 = arith.constant 4 : i32
    %xor3A_54 = vector.broadcast %xor3A_53 : i32 to vector<16xi32>
    %xor3A_55 = arith.xori %iota3A_52, %xor3A_54 : vector<16xi32>
    %broadcast_in_dim3A_56 = vector.shape_cast %xor3A_55 : vector<16xi32> to vector<16x1xi32>
    %gather3A_57 = vector.shape_cast %broadcast_in_dim3A_56 : vector<16x1xi32> to vector<16xi32>
    %gather3A_58 = tpu.dynamic_gather %max3A_51[%gather3A_57] in [0] : vector<16xf32>, vector<16xi32> -> vector<16xf32>
    %max3A_59 = arith.maximumf %max3A_51, %gather3A_58 : vector<16xf32>
    %iota3A_60 = tpu.iota {dimensions = array<i32: 0>} : vector<16xi32>
    %xor3A_61 = arith.constant 2 : i32
    %xor3A_62 = vector.broadcast %xor3A_61 : i32 to vector<16xi32>
    %xor3A_63 = arith.xori %iota3A_60, %xor3A_62 : vector<16xi32>
    %broadcast_in_dim3A_64 = vector.shape_cast %xor3A_63 : vector<16xi32> to vector<16x1xi32>
    %gather3A_65 = vector.shape_cast %broadcast_in_dim3A_64 : vector<16x1xi32> to vector<16xi32>
    %gather3A_66 = tpu.dynamic_gather %max3A_59[%gather3A_65] in [0] : vector<16xf32>, vector<16xi32> -> vector<16xf32>
    %max3A_67 = arith.maximumf %max3A_59, %gather3A_66 : vector<16xf32>
    %iota3A_68 = tpu.iota {dimensions = array<i32: 0>} : vector<16xi32>
    %xor3A_69 = arith.constant 1 : i32
    %xor3A_70 = vector.broadcast %xor3A_69 : i32 to vector<16xi32>
    %xor3A_71 = arith.xori %iota3A_68, %xor3A_70 : vector<16xi32>
    %broadcast_in_dim3A_72 = vector.shape_cast %xor3A_71 : vector<16xi32> to vector<16x1xi32>
    %gather3A_73 = vector.shape_cast %broadcast_in_dim3A_72 : vector<16x1xi32> to vector<16xi32>
    %gather3A_74 = tpu.dynamic_gather %max3A_67[%gather3A_73] in [0] : vector<16xf32>, vector<16xi32> -> vector<16xf32>
    %max3A_75 = arith.maximumf %max3A_67, %gather3A_74 : vector<16xf32>
    %broadcast_in_dim3A_76 = arith.constant 0.000000e+00 : f32
    %broadcast_in_dim3A_77 = vector.broadcast %broadcast_in_dim3A_76 : f32 to vector<16xf32>
    %broadcast_in_dim3A_78 = arith.constant 0.000000e+00 : f32
    %broadcast_in_dim3A_79 = vector.broadcast %broadcast_in_dim3A_78 : f32 to vector<16xf32>
    %get3A_80 = arith.constant 0 : index
    %get3A_81 = tpu.vector_load %arg6[%get3A_80] {strides = array<i32>} : memref<1024xf32, #tpu.memory_space<vmem>>, vector<16xf32>,
    %sub3A = arith.subf %get3A_81, %max3A_75 : vector<16xf32>
    %exp3A = math.exp %sub3A : vector<16xf32>
    %swap3A = arith.constant 0 : index
    %swap3A_82 = tpu.vector_load %arg6[%swap3A] {strides = array<i32>} : memref<1024xf32, #tpu.memory_space<vmem>>, vector<16xf32>,
    tpu.vector_store %arg6[%swap3A], %exp3A {strides = array<i32>} : memref<1024xf32, #tpu.memory_space<vmem>>, vector<16xf32>,
    %add3A_83 = arith.addf %broadcast_in_dim3A_77, %exp3A : vector<16xf32>
    %mul3A_84 = arith.mulf %exp3A, %exp3A : vector<16xf32>
    %add3A_85 = arith.addf %broadcast_in_dim3A_79, %mul3A_84 : vector<16xf32>
    %get3A_86 = arith.constant 16 : index
    %get3A_87 = tpu.vector_load %arg6[%get3A_86] {strides = array<i32>} : memref<1024xf32, #tpu.memory_space<vmem>>, vector<16xf32>,
    %sub3A_88 = arith.subf %get3A_87, %max3A_75 : vector<16xf32>
    %exp3A_89 = math.exp %sub3A_88 : vector<16xf32>
    %swap3A_90 = arith.constant 16 : index
    %swap3A_91 = tpu.vector_load %arg6[%swap3A_90] {strides = array<i32>} : memref<1024xf32, #tpu.memory_space<vmem>>, vector<16xf32>,
    tpu.vector_store %arg6[%swap3A_90], %exp3A_89 {strides = array<i32>} : memref<1024xf32, #tpu.memory_space<vmem>>, vector<16xf32>,
    %add3A_92 = arith.addf %add3A_83, %exp3A_89 : vector<16xf32>
    %mul3A_93 = arith.mulf %exp3A_89, %exp3A_89 : vector<16xf32>
    %add3A_94 = arith.addf %add3A_85, %mul3A_93 : vector<16xf32>
    %get3A_95 = arith.constant 32 : index
    %get3A_96 = tpu.vector_load %arg6[%get3A_95] {strides = array<i32>} : memref<1024xf32, #tpu.memory_space<vmem>>, vector<16xf32>,
    %sub3A_97 = arith.subf %get3A_96, %max3A_75 : vector<16xf32>
    %exp3A_98 = math.exp %sub3A_97 : vector<16xf32>
    %swap3A_99 = arith.constant 32 : index
    %swap3A_100 = tpu.vector_load %arg6[%swap3A_99] {strides = array<i32>} : memref<1024xf32, #tpu.memory_space<vmem>>, vector<16xf32>,
    tpu.vector_store %arg6[%swap3A_99], %exp3A_98 {strides = array<i32>} : memref<1024xf32, #tpu.memory_space<vmem>>, vector<16xf32>,
    %add3A_101 = arith.addf %add3A_92, %exp3A_98 : vector<16xf32>
    %mul3A_102 = arith.mulf %exp3A_98, %exp3A_98 : vector<16xf32>
    %add3A_103 = arith.addf %add3A_94, %mul3A_102 : vector<16xf32>
    %get3A_104 = arith.constant 48 : index
    %get3A_105 = tpu.vector_load %arg6[%get3A_104] {strides = array<i32>} : memref<1024xf32, #tpu.memory_space<vmem>>, vector<16xf32>,
    %sub3A_106 = arith.subf %get3A_105, %max3A_75 : vector<16xf32>
    %exp3A_107 = math.exp %sub3A_106 : vector<16xf32>
    %swap3A_108 = arith.constant 48 : index
    %swap3A_109 = tpu.vector_load %arg6[%swap3A_108] {strides = array<i32>} : memref<1024xf32, #tpu.memory_space<vmem>>, vector<16xf32>,
    tpu.vector_store %arg6[%swap3A_108], %exp3A_107 {strides = array<i32>} : memref<1024xf32, #tpu.memory_space<vmem>>, vector<16xf32>,
    %add3A_110 = arith.addf %add3A_101, %exp3A_107 : vector<16xf32>
    %mul3A_111 = arith.mulf %exp3A_107, %exp3A_107 : vector<16xf32>
    %add3A_112 = arith.addf %add3A_103, %mul3A_111 : vector<16xf32>
    %get3A_113 = arith.constant 64 : index
    %get3A_114 = tpu.vector_load %arg6[%get3A_113] {strides = array<i32>} : memref<1024xf32, #tpu.memory_space<vmem>>, vector<16xf32>,
    %sub3A_115 = arith.subf %get3A_114, %max3A_75 : vector<16xf32>
    %exp3A_116 = math.exp %sub3A_115 : vector<16xf32>
    %swap3A_117 = arith.constant 64 : index
    %swap3A_118 = tpu.vector_load %arg6[%swap3A_117] {strides = array<i32>} : memref<1024xf32, #tpu.memory_space<vmem>>, vector<16xf32>,
    tpu.vector_store %arg6[%swap3A_117], %exp3A_116 {strides = array<i32>} : memref<1024xf32, #tpu.memory_space<vmem>>, vector<16xf32>,
    %add3A_119 = arith.addf %add3A_110, %exp3A_116 : vector<16xf32>
    %mul3A_120 = arith.mulf %exp3A_116, %exp3A_116 : vector<16xf32>
    %add3A_121 = arith.addf %add3A_112, %mul3A_120 : vector<16xf32>
    %get3A_122 = arith.constant 80 : index
    %get3A_123 = tpu.vector_load %arg6[%get3A_122] {strides = array<i32>} : memref<1024xf32, #tpu.memory_space<vmem>>, vector<16xf32>,
    %sub3A_124 = arith.subf %get3A_123, %max3A_75 : vector<16xf32>
    %exp3A_125 = math.exp %sub3A_124 : vector<16xf32>
    %swap3A_126 = arith.constant 80 : index
    %swap3A_127 = tpu.vector_load %arg6[%swap3A_126] {strides = array<i32>} : memref<1024xf32, #tpu.memory_space<vmem>>, vector<16xf32>,
    tpu.vector_store %arg6[%swap3A_126], %exp3A_125 {strides = array<i32>} : memref<1024xf32, #tpu.memory_space<vmem>>, vector<16xf32>,
    %add3A_128 = arith.addf %add3A_119, %exp3A_125 : vector<16xf32>
    %mul3A_129 = arith.mulf %exp3A_125, %exp3A_125 : vector<16xf32>
    %add3A_130 = arith.addf %add3A_121, %mul3A_129 : vector<16xf32>
    %get3A_131 = arith.constant 96 : index
    %get3A_132 = tpu.vector_load %arg6[%get3A_131] {strides = array<i32>} : memref<1024xf32, #tpu.memory_space<vmem>>, vector<16xf32>,
    %sub3A_133 = arith.subf %get3A_132, %max3A_75 : vector<16xf32>
    %exp3A_134 = math.exp %sub3A_133 : vector<16xf32>
    %swap3A_135 = arith.constant 96 : index
    %swap3A_136 = tpu.vector_load %arg6[%swap3A_135] {strides = array<i32>} : memref<1024xf32, #tpu.memory_space<vmem>>, vector<16xf32>,
    tpu.vector_store %arg6[%swap3A_135], %exp3A_134 {strides = array<i32>} : memref<1024xf32, #tpu.memory_space<vmem>>, vector<16xf32>,
    %add3A_137 = arith.addf %add3A_128, %exp3A_134 : vector<16xf32>
    %mul3A_138 = arith.mulf %exp3A_134, %exp3A_134 : vector<16xf32>
    %add3A_139 = arith.addf %add3A_130, %mul3A_138 : vector<16xf32>
    %get3A_140 = arith.constant 112 : index
    %get3A_141 = tpu.vector_load %arg6[%get3A_140] {strides = array<i32>} : memref<1024xf32, #tpu.memory_space<vmem>>, vector<16xf32>,
    %sub3A_142 = arith.subf %get3A_141, %max3A_75 : vector<16xf32>
    %exp3A_143 = math.exp %sub3A_142 : vector<16xf32>
    %swap3A_144 = arith.constant 112 : index
    %swap3A_145 = tpu.vector_load %arg6[%swap3A_144] {strides = array<i32>} : memref<1024xf32, #tpu.memory_space<vmem>>, vector<16xf32>,
    tpu.vector_store %arg6[%swap3A_144], %exp3A_143 {strides = array<i32>} : memref<1024xf32, #tpu.memory_space<vmem>>, vector<16xf32>,
    %add3A_146 = arith.addf %add3A_137, %exp3A_143 : vector<16xf32>
    %mul3A_147 = arith.mulf %exp3A_143, %exp3A_143 : vector<16xf32>
    %add3A_148 = arith.addf %add3A_139, %mul3A_147 : vector<16xf32>
    %get3A_149 = arith.constant 128 : index
    %get3A_150 = tpu.vector_load %arg6[%get3A_149] {strides = array<i32>} : memref<1024xf32, #tpu.memory_space<vmem>>, vector<16xf32>,
    %sub3A_151 = arith.subf %get3A_150, %max3A_75 : vector<16xf32>
    %exp3A_152 = math.exp %sub3A_151 : vector<16xf32>
    %swap3A_153 = arith.constant 128 : index
    %swap3A_154 = tpu.vector_load %arg6[%swap3A_153] {strides = array<i32>} : memref<1024xf32, #tpu.memory_space<vmem>>, vector<16xf32>,
    tpu.vector_store %arg6[%swap3A_153], %exp3A_152 {strides = array<i32>} : memref<1024xf32, #tpu.memory_space<vmem>>, vector<16xf32>,
    %add3A_155 = arith.addf %add3A_146, %exp3A_152 : vector<16xf32>
    %mul3A_156 = arith.mulf %exp3A_152, %exp3A_152 : vector<16xf32>
    %add3A_157 = arith.addf %add3A_148, %mul3A_156 : vector<16xf32>
    %get3A_158 = arith.constant 144 : index
    %get3A_159 = tpu.vector_load %arg6[%get3A_158] {strides = array<i32>} : memref<1024xf32, #tpu.memory_space<vmem>>, vector<16xf32>,
    %sub3A_160 = arith.subf %get3A_159, %max3A_75 : vector<16xf32>
    %exp3A_161 = math.exp %sub3A_160 : vector<16xf32>
    %swap3A_162 = arith.constant 144 : index
    %swap3A_163 = tpu.vector_load %arg6[%swap3A_162] {strides = array<i32>} : memref<1024xf32, #tpu.memory_space<vmem>>, vector<16xf32>,
    tpu.vector_store %arg6[%swap3A_162], %exp3A_161 {strides = array<i32>} : memref<1024xf32, #tpu.memory_space<vmem>>, vector<16xf32>,
    %add3A_164 = arith.addf %add3A_155, %exp3A_161 : vector<16xf32>
    %mul3A_165 = arith.mulf %exp3A_161, %exp3A_161 : vector<16xf32>
    %add3A_166 = arith.addf %add3A_157, %mul3A_165 : vector<16xf32>
    %get3A_167 = arith.constant 160 : index
    %get3A_168 = tpu.vector_load %arg6[%get3A_167] {strides = array<i32>} : memref<1024xf32, #tpu.memory_space<vmem>>, vector<16xf32>,
    %sub3A_169 = arith.subf %get3A_168, %max3A_75 : vector<16xf32>
    %exp3A_170 = math.exp %sub3A_169 : vector<16xf32>
    %swap3A_171 = arith.constant 160 : index
    %swap3A_172 = tpu.vector_load %arg6[%swap3A_171] {strides = array<i32>} : memref<1024xf32, #tpu.memory_space<vmem>>, vector<16xf32>,
    tpu.vector_store %arg6[%swap3A_171], %exp3A_170 {strides = array<i32>} : memref<1024xf32, #tpu.memory_space<vmem>>, vector<16xf32>,
    %add3A_173 = arith.addf %add3A_164, %exp3A_170 : vector<16xf32>
    %mul3A_174 = arith.mulf %exp3A_170, %exp3A_170 : vector<16xf32>
    %add3A_175 = arith.addf %add3A_166, %mul3A_174 : vector<16xf32>
    %get3A_176 = arith.constant 176 : index
    %get3A_177 = tpu.vector_load %arg6[%get3A_176] {strides = array<i32>} : memref<1024xf32, #tpu.memory_space<vmem>>, vector<16xf32>,
    %sub3A_178 = arith.subf %get3A_177, %max3A_75 : vector<16xf32>
    %exp3A_179 = math.exp %sub3A_178 : vector<16xf32>
    %swap3A_180 = arith.constant 176 : index
    %swap3A_181 = tpu.vector_load %arg6[%swap3A_180] {strides = array<i32>} : memref<1024xf32, #tpu.memory_space<vmem>>, vector<16xf32>,
    tpu.vector_store %arg6[%swap3A_180], %exp3A_179 {strides = array<i32>} : memref<1024xf32, #tpu.memory_space<vmem>>, vector<16xf32>,
    %add3A_182 = arith.addf %add3A_173, %exp3A_179 : vector<16xf32>
    %mul3A_183 = arith.mulf %exp3A_179, %exp3A_179 : vector<16xf32>
    %add3A_184 = arith.addf %add3A_175, %mul3A_183 : vector<16xf32>
    %get3A_185 = arith.constant 192 : index
    %get3A_186 = tpu.vector_load %arg6[%get3A_185] {strides = array<i32>} : memref<1024xf32, #tpu.memory_space<vmem>>, vector<16xf32>,
    %sub3A_187 = arith.subf %get3A_186, %max3A_75 : vector<16xf32>
    %exp3A_188 = math.exp %sub3A_187 : vector<16xf32>
    %swap3A_189 = arith.constant 192 : index
    %swap3A_190 = tpu.vector_load %arg6[%swap3A_189] {strides = array<i32>} : memref<1024xf32, #tpu.memory_space<vmem>>, vector<16xf32>,
    tpu.vector_store %arg6[%swap3A_189], %exp3A_188 {strides = array<i32>} : memref<1024xf32, #tpu.memory_space<vmem>>, vector<16xf32>,
    %add3A_191 = arith.addf %add3A_182, %exp3A_188 : vector<16xf32>
    %mul3A_192 = arith.mulf %exp3A_188, %exp3A_188 : vector<16xf32>
    %add3A_193 = arith.addf %add3A_184, %mul3A_192 : vector<16xf32>
    %get3A_194 = arith.constant 208 : index
    %get3A_195 = tpu.vector_load %arg6[%get3A_194] {strides = array<i32>} : memref<1024xf32, #tpu.memory_space<vmem>>, vector<16xf32>,
    %sub3A_196 = arith.subf %get3A_195, %max3A_75 : vector<16xf32>
    %exp3A_197 = math.exp %sub3A_196 : vector<16xf32>
    %swap3A_198 = arith.constant 208 : index
    %swap3A_199 = tpu.vector_load %arg6[%swap3A_198] {strides = array<i32>} : memref<1024xf32, #tpu.memory_space<vmem>>, vector<16xf32>,
    tpu.vector_store %arg6[%swap3A_198], %exp3A_197 {strides = array<i32>} : memref<1024xf32, #tpu.memory_space<vmem>>, vector<16xf32>,
    %add3A_200 = arith.addf %add3A_191, %exp3A_197 : vector<16xf32>
    %mul3A_201 = arith.mulf %exp3A_197, %exp3A_197 : vector<16xf32>
    %add3A_202 = arith.addf %add3A_193, %mul3A_201 : vector<16xf32>
    %get3A_203 = arith.constant 224 : index
    %get3A_204 = tpu.vector_load %arg6[%get3A_203] {strides = array<i32>} : memref<1024xf32, #tpu.memory_space<vmem>>, vector<16xf32>,
    %sub3A_205 = arith.subf %get3A_204, %max3A_75 : vector<16xf32>
    %exp3A_206 = math.exp %sub3A_205 : vector<16xf32>
    %swap3A_207 = arith.constant 224 : index
    %swap3A_208 = tpu.vector_load %arg6[%swap3A_207] {strides = array<i32>} : memref<1024xf32, #tpu.memory_space<vmem>>, vector<16xf32>,
    tpu.vector_store %arg6[%swap3A_207], %exp3A_206 {strides = array<i32>} : memref<1024xf32, #tpu.memory_space<vmem>>, vector<16xf32>,
    %add3A_209 = arith.addf %add3A_200, %exp3A_206 : vector<16xf32>
    %mul3A_210 = arith.mulf %exp3A_206, %exp3A_206 : vector<16xf32>
    %add3A_211 = arith.addf %add3A_202, %mul3A_210 : vector<16xf32>
    %get3A_212 = arith.constant 240 : index
    %get3A_213 = tpu.vector_load %arg6[%get3A_212] {strides = array<i32>} : memref<1024xf32, #tpu.memory_space<vmem>>, vector<16xf32>,
    %sub3A_214 = arith.subf %get3A_213, %max3A_75 : vector<16xf32>
    %exp3A_215 = math.exp %sub3A_214 : vector<16xf32>
    %swap3A_216 = arith.constant 240 : index
    %swap3A_217 = tpu.vector_load %arg6[%swap3A_216] {strides = array<i32>} : memref<1024xf32, #tpu.memory_space<vmem>>, vector<16xf32>,
    tpu.vector_store %arg6[%swap3A_216], %exp3A_215 {strides = array<i32>} : memref<1024xf32, #tpu.memory_space<vmem>>, vector<16xf32>,
    %add3A_218 = arith.addf %add3A_209, %exp3A_215 : vector<16xf32>
    %mul3A_219 = arith.mulf %exp3A_215, %exp3A_215 : vector<16xf32>
    %add3A_220 = arith.addf %add3A_211, %mul3A_219 : vector<16xf32>
    %iota3A_221 = tpu.iota {dimensions = array<i32: 0>} : vector<16xi32>
    %xor3A_222 = arith.constant 8 : i32
    %xor3A_223 = vector.broadcast %xor3A_222 : i32 to vector<16xi32>
    %xor3A_224 = arith.xori %iota3A_221, %xor3A_223 : vector<16xi32>
    %broadcast_in_dim3A_225 = vector.shape_cast %xor3A_224 : vector<16xi32> to vector<16x1xi32>
    %gather3A_226 = vector.shape_cast %broadcast_in_dim3A_225 : vector<16x1xi32> to vector<16xi32>
    %gather3A_227 = tpu.dynamic_gather %add3A_218[%gather3A_226] in [0] : vector<16xf32>, vector<16xi32> -> vector<16xf32>
    %add3A_228 = arith.addf %add3A_218, %gather3A_227 : vector<16xf32>
    %iota3A_229 = tpu.iota {dimensions = array<i32: 0>} : vector<16xi32>
    %xor3A_230 = arith.constant 4 : i32
    %xor3A_231 = vector.broadcast %xor3A_230 : i32 to vector<16xi32>
    %xor3A_232 = arith.xori %iota3A_229, %xor3A_231 : vector<16xi32>
    %broadcast_in_dim3A_233 = vector.shape_cast %xor3A_232 : vector<16xi32> to vector<16x1xi32>
    %gather3A_234 = vector.shape_cast %broadcast_in_dim3A_233 : vector<16x1xi32> to vector<16xi32>
    %gather3A_235 = tpu.dynamic_gather %add3A_228[%gather3A_234] in [0] : vector<16xf32>, vector<16xi32> -> vector<16xf32>
    %add3A_236 = arith.addf %add3A_228, %gather3A_235 : vector<16xf32>
    %iota3A_237 = tpu.iota {dimensions = array<i32: 0>} : vector<16xi32>
    %xor3A_238 = arith.constant 2 : i32
    %xor3A_239 = vector.broadcast %xor3A_238 : i32 to vector<16xi32>
    %xor3A_240 = arith.xori %iota3A_237, %xor3A_239 : vector<16xi32>
    %broadcast_in_dim3A_241 = vector.shape_cast %xor3A_240 : vector<16xi32> to vector<16x1xi32>
    %gather3A_242 = vector.shape_cast %broadcast_in_dim3A_241 : vector<16x1xi32> to vector<16xi32>
    %gather3A_243 = tpu.dynamic_gather %add3A_236[%gather3A_242] in [0] : vector<16xf32>, vector<16xi32> -> vector<16xf32>
    %add3A_244 = arith.addf %add3A_236, %gather3A_243 : vector<16xf32>
    %iota3A_245 = tpu.iota {dimensions = array<i32: 0>} : vector<16xi32>
    %xor3A_246 = arith.constant 1 : i32
    %xor3A_247 = vector.broadcast %xor3A_246 : i32 to vector<16xi32>
    %xor3A_248 = arith.xori %iota3A_245, %xor3A_247 : vector<16xi32>
    %broadcast_in_dim3A_249 = vector.shape_cast %xor3A_248 : vector<16xi32> to vector<16x1xi32>
    %gather3A_250 = vector.shape_cast %broadcast_in_dim3A_249 : vector<16x1xi32> to vector<16xi32>
    %gather3A_251 = tpu.dynamic_gather %add3A_244[%gather3A_250] in [0] : vector<16xf32>, vector<16xi32> -> vector<16xf32>
    %add3A_252 = arith.addf %add3A_244, %gather3A_251 : vector<16xf32>
    %div3A = arith.constant 1.000000e+00 : f32
    %div3A_253 = vector.broadcast %div3A : f32 to vector<16xf32>
    %div3A_254 = arith.divf %div3A_253, %add3A_252 : vector<16xf32>
    %get3A_255 = arith.constant 0 : index
    %get3A_256 = tpu.vector_load %arg6[%get3A_255] {strides = array<i32>} : memref<1024xf32, #tpu.memory_space<vmem>>, vector<16xf32>,
    %mul3A_257 = arith.mulf %get3A_256, %div3A_254 : vector<16xf32>
    %swap3A_258 = arith.constant 0 : index
    %swap3A_259 = tpu.vector_load %arg6[%swap3A_258] {strides = array<i32>} : memref<1024xf32, #tpu.memory_space<vmem>>, vector<16xf32>,
    tpu.vector_store %arg6[%swap3A_258], %mul3A_257 {strides = array<i32>} : memref<1024xf32, #tpu.memory_space<vmem>>, vector<16xf32>,
    %get3A_260 = arith.constant 16 : index
    %get3A_261 = tpu.vector_load %arg6[%get3A_260] {strides = array<i32>} : memref<1024xf32, #tpu.memory_space<vmem>>, vector<16xf32>,
    %mul3A_262 = arith.mulf %get3A_261, %div3A_254 : vector<16xf32>
    %swap3A_263 = arith.constant 16 : index
    %swap3A_264 = tpu.vector_load %arg6[%swap3A_263] {strides = array<i32>} : memref<1024xf32, #tpu.memory_space<vmem>>, vector<16xf32>,
    tpu.vector_store %arg6[%swap3A_263], %mul3A_262 {strides = array<i32>} : memref<1024xf32, #tpu.memory_space<vmem>>, vector<16xf32>,
    %get3A_265 = arith.constant 32 : index
    %get3A_266 = tpu.vector_load %arg6[%get3A_265] {strides = array<i32>} : memref<1024xf32, #tpu.memory_space<vmem>>, vector<16xf32>,
    %mul3A_267 = arith.mulf %get3A_266, %div3A_254 : vector<16xf32>
    %swap3A_268 = arith.constant 32 : index
    %swap3A_269 = tpu.vector_load %arg6[%swap3A_268] {strides = array<i32>} : memref<1024xf32, #tpu.memory_space<vmem>>, vector<16xf32>,
    tpu.vector_store %arg6[%swap3A_268], %mul3A_267 {strides = array<i32>} : memref<1024xf32, #tpu.memory_space<vmem>>, vector<16xf32>,
    %get3A_270 = arith.constant 48 : index
    %get3A_271 = tpu.vector_load %arg6[%get3A_270] {strides = array<i32>} : memref<1024xf32, #tpu.memory_space<vmem>>, vector<16xf32>,
    %mul3A_272 = arith.mulf %get3A_271, %div3A_254 : vector<16xf32>
    %swap3A_273 = arith.constant 48 : index
    %swap3A_274 = tpu.vector_load %arg6[%swap3A_273] {strides = array<i32>} : memref<1024xf32, #tpu.memory_space<vmem>>, vector<16xf32>,
    tpu.vector_store %arg6[%swap3A_273], %mul3A_272 {strides = array<i32>} : memref<1024xf32, #tpu.memory_space<vmem>>, vector<16xf32>,
    %get3A_275 = arith.constant 64 : index
    %get3A_276 = tpu.vector_load %arg6[%get3A_275] {strides = array<i32>} : memref<1024xf32, #tpu.memory_space<vmem>>, vector<16xf32>,
    %mul3A_277 = arith.mulf %get3A_276, %div3A_254 : vector<16xf32>
    %swap3A_278 = arith.constant 64 : index
    %swap3A_279 = tpu.vector_load %arg6[%swap3A_278] {strides = array<i32>} : memref<1024xf32, #tpu.memory_space<vmem>>, vector<16xf32>,
    tpu.vector_store %arg6[%swap3A_278], %mul3A_277 {strides = array<i32>} : memref<1024xf32, #tpu.memory_space<vmem>>, vector<16xf32>,
    %get3A_280 = arith.constant 80 : index
    %get3A_281 = tpu.vector_load %arg6[%get3A_280] {strides = array<i32>} : memref<1024xf32, #tpu.memory_space<vmem>>, vector<16xf32>,
    %mul3A_282 = arith.mulf %get3A_281, %div3A_254 : vector<16xf32>
    %swap3A_283 = arith.constant 80 : index
    %swap3A_284 = tpu.vector_load %arg6[%swap3A_283] {strides = array<i32>} : memref<1024xf32, #tpu.memory_space<vmem>>, vector<16xf32>,
    tpu.vector_store %arg6[%swap3A_283], %mul3A_282 {strides = array<i32>} : memref<1024xf32, #tpu.memory_space<vmem>>, vector<16xf32>,
    %get3A_285 = arith.constant 96 : index
    %get3A_286 = tpu.vector_load %arg6[%get3A_285] {strides = array<i32>} : memref<1024xf32, #tpu.memory_space<vmem>>, vector<16xf32>,
    %mul3A_287 = arith.mulf %get3A_286, %div3A_254 : vector<16xf32>
    %swap3A_288 = arith.constant 96 : index
    %swap3A_289 = tpu.vector_load %arg6[%swap3A_288] {strides = array<i32>} : memref<1024xf32, #tpu.memory_space<vmem>>, vector<16xf32>,
    tpu.vector_store %arg6[%swap3A_288], %mul3A_287 {strides = array<i32>} : memref<1024xf32, #tpu.memory_space<vmem>>, vector<16xf32>,
    %get3A_290 = arith.constant 112 : index
    %get3A_291 = tpu.vector_load %arg6[%get3A_290] {strides = array<i32>} : memref<1024xf32, #tpu.memory_space<vmem>>, vector<16xf32>,
    %mul3A_292 = arith.mulf %get3A_291, %div3A_254 : vector<16xf32>
    %swap3A_293 = arith.constant 112 : index
    %swap3A_294 = tpu.vector_load %arg6[%swap3A_293] {strides = array<i32>} : memref<1024xf32, #tpu.memory_space<vmem>>, vector<16xf32>,
    tpu.vector_store %arg6[%swap3A_293], %mul3A_292 {strides = array<i32>} : memref<1024xf32, #tpu.memory_space<vmem>>, vector<16xf32>,
    %get3A_295 = arith.constant 128 : index
    %get3A_296 = tpu.vector_load %arg6[%get3A_295] {strides = array<i32>} : memref<1024xf32, #tpu.memory_space<vmem>>, vector<16xf32>,
    %mul3A_297 = arith.mulf %get3A_296, %div3A_254 : vector<16xf32>
    %swap3A_298 = arith.constant 128 : index
    %swap3A_299 = tpu.vector_load %arg6[%swap3A_298] {strides = array<i32>} : memref<1024xf32, #tpu.memory_space<vmem>>, vector<16xf32>,
    tpu.vector_store %arg6[%swap3A_298], %mul3A_297 {strides = array<i32>} : memref<1024xf32, #tpu.memory_space<vmem>>, vector<16xf32>,
    %get3A_300 = arith.constant 144 : index
    %get3A_301 = tpu.vector_load %arg6[%get3A_300] {strides = array<i32>} : memref<1024xf32, #tpu.memory_space<vmem>>, vector<16xf32>,
    %mul3A_302 = arith.mulf %get3A_301, %div3A_254 : vector<16xf32>
    %swap3A_303 = arith.constant 144 : index
    %swap3A_304 = tpu.vector_load %arg6[%swap3A_303] {strides = array<i32>} : memref<1024xf32, #tpu.memory_space<vmem>>, vector<16xf32>,
    tpu.vector_store %arg6[%swap3A_303], %mul3A_302 {strides = array<i32>} : memref<1024xf32, #tpu.memory_space<vmem>>, vector<16xf32>,
    %get3A_305 = arith.constant 160 : index
    %get3A_306 = tpu.vector_load %arg6[%get3A_305] {strides = array<i32>} : memref<1024xf32, #tpu.memory_space<vmem>>, vector<16xf32>,
    %mul3A_307 = arith.mulf %get3A_306, %div3A_254 : vector<16xf32>
    %swap3A_308 = arith.constant 160 : index
    %swap3A_309 = tpu.vector_load %arg6[%swap3A_308] {strides = array<i32>} : memref<1024xf32, #tpu.memory_space<vmem>>, vector<16xf32>,
    tpu.vector_store %arg6[%swap3A_308], %mul3A_307 {strides = array<i32>} : memref<1024xf32, #tpu.memory_space<vmem>>, vector<16xf32>,
    %get3A_310 = arith.constant 176 : index
    %get3A_311 = tpu.vector_load %arg6[%get3A_310] {strides = array<i32>} : memref<1024xf32, #tpu.memory_space<vmem>>, vector<16xf32>,
    %mul3A_312 = arith.mulf %get3A_311, %div3A_254 : vector<16xf32>
    %swap3A_313 = arith.constant 176 : index
    %swap3A_314 = tpu.vector_load %arg6[%swap3A_313] {strides = array<i32>} : memref<1024xf32, #tpu.memory_space<vmem>>, vector<16xf32>,
    tpu.vector_store %arg6[%swap3A_313], %mul3A_312 {strides = array<i32>} : memref<1024xf32, #tpu.memory_space<vmem>>, vector<16xf32>,
    %get3A_315 = arith.constant 192 : index
    %get3A_316 = tpu.vector_load %arg6[%get3A_315] {strides = array<i32>} : memref<1024xf32, #tpu.memory_space<vmem>>, vector<16xf32>,
    %mul3A_317 = arith.mulf %get3A_316, %div3A_254 : vector<16xf32>
    %swap3A_318 = arith.constant 192 : index
    %swap3A_319 = tpu.vector_load %arg6[%swap3A_318] {strides = array<i32>} : memref<1024xf32, #tpu.memory_space<vmem>>, vector<16xf32>,
    tpu.vector_store %arg6[%swap3A_318], %mul3A_317 {strides = array<i32>} : memref<1024xf32, #tpu.memory_space<vmem>>, vector<16xf32>,
    %get3A_320 = arith.constant 208 : index
    %get3A_321 = tpu.vector_load %arg6[%get3A_320] {strides = array<i32>} : memref<1024xf32, #tpu.memory_space<vmem>>, vector<16xf32>,
    %mul3A_322 = arith.mulf %get3A_321, %div3A_254 : vector<16xf32>
    %swap3A_323 = arith.constant 208 : index
    %swap3A_324 = tpu.vector_load %arg6[%swap3A_323] {strides = array<i32>} : memref<1024xf32, #tpu.memory_space<vmem>>, vector<16xf32>,
    tpu.vector_store %arg6[%swap3A_323], %mul3A_322 {strides = array<i32>} : memref<1024xf32, #tpu.memory_space<vmem>>, vector<16xf32>,
    %get3A_325 = arith.constant 224 : index
    %get3A_326 = tpu.vector_load %arg6[%get3A_325] {strides = array<i32>} : memref<1024xf32, #tpu.memory_space<vmem>>, vector<16xf32>,
    %mul3A_327 = arith.mulf %get3A_326, %div3A_254 : vector<16xf32>
    %swap3A_328 = arith.constant 224 : index
    %swap3A_329 = tpu.vector_load %arg6[%swap3A_328] {strides = array<i32>} : memref<1024xf32, #tpu.memory_space<vmem>>, vector<16xf32>,
    tpu.vector_store %arg6[%swap3A_328], %mul3A_327 {strides = array<i32>} : memref<1024xf32, #tpu.memory_space<vmem>>, vector<16xf32>,
    %get3A_330 = arith.constant 240 : index
    %get3A_331 = tpu.vector_load %arg6[%get3A_330] {strides = array<i32>} : memref<1024xf32, #tpu.memory_space<vmem>>, vector<16xf32>,
    %mul3A_332 = arith.mulf %get3A_331, %div3A_254 : vector<16xf32>
    %swap3A_333 = arith.constant 240 : index
    %swap3A_334 = tpu.vector_load %arg6[%swap3A_333] {strides = array<i32>} : memref<1024xf32, #tpu.memory_space<vmem>>, vector<16xf32>,
    tpu.vector_store %arg6[%swap3A_333], %mul3A_332 {strides = array<i32>} : memref<1024xf32, #tpu.memory_space<vmem>>, vector<16xf32>,
    %iota3A_335 = tpu.iota {dimensions = array<i32: 0>} : vector<16xi32>
    %xor3A_336 = arith.constant 8 : i32
    %xor3A_337 = vector.broadcast %xor3A_336 : i32 to vector<16xi32>
    %xor3A_338 = arith.xori %iota3A_335, %xor3A_337 : vector<16xi32>
    %broadcast_in_dim3A_339 = vector.shape_cast %xor3A_338 : vector<16xi32> to vector<16x1xi32>
    %gather3A_340 = vector.shape_cast %broadcast_in_dim3A_339 : vector<16x1xi32> to vector<16xi32>
    %gather3A_341 = tpu.dynamic_gather %add3A_220[%gather3A_340] in [0] : vector<16xf32>, vector<16xi32> -> vector<16xf32>
    %add3A_342 = arith.addf %add3A_220, %gather3A_341 : vector<16xf32>
    %iota3A_343 = tpu.iota {dimensions = array<i32: 0>} : vector<16xi32>
    %xor3A_344 = arith.constant 4 : i32
    %xor3A_345 = vector.broadcast %xor3A_344 : i32 to vector<16xi32>
    %xor3A_346 = arith.xori %iota3A_343, %xor3A_345 : vector<16xi32>
    %broadcast_in_dim3A_347 = vector.shape_cast %xor3A_346 : vector<16xi32> to vector<16x1xi32>
    %gather3A_348 = vector.shape_cast %broadcast_in_dim3A_347 : vector<16x1xi32> to vector<16xi32>
    %gather3A_349 = tpu.dynamic_gather %add3A_342[%gather3A_348] in [0] : vector<16xf32>, vector<16xi32> -> vector<16xf32>
    %add3A_350 = arith.addf %add3A_342, %gather3A_349 : vector<16xf32>
    %iota3A_351 = tpu.iota {dimensions = array<i32: 0>} : vector<16xi32>
    %xor3A_352 = arith.constant 2 : i32
    %xor3A_353 = vector.broadcast %xor3A_352 : i32 to vector<16xi32>
    %xor3A_354 = arith.xori %iota3A_351, %xor3A_353 : vector<16xi32>
    %broadcast_in_dim3A_355 = vector.shape_cast %xor3A_354 : vector<16xi32> to vector<16x1xi32>
    %gather3A_356 = vector.shape_cast %broadcast_in_dim3A_355 : vector<16x1xi32> to vector<16xi32>
    %gather3A_357 = tpu.dynamic_gather %add3A_350[%gather3A_356] in [0] : vector<16xf32>, vector<16xi32> -> vector<16xf32>
    %add3A_358 = arith.addf %add3A_350, %gather3A_357 : vector<16xf32>
    %iota3A_359 = tpu.iota {dimensions = array<i32: 0>} : vector<16xi32>
    %xor3A_360 = arith.constant 1 : i32
    %xor3A_361 = vector.broadcast %xor3A_360 : i32 to vector<16xi32>
    %xor3A_362 = arith.xori %iota3A_359, %xor3A_361 : vector<16xi32>
    %broadcast_in_dim3A_363 = vector.shape_cast %xor3A_362 : vector<16xi32> to vector<16x1xi32>
    %gather3A_364 = vector.shape_cast %broadcast_in_dim3A_363 : vector<16x1xi32> to vector<16xi32>
    %gather3A_365 = tpu.dynamic_gather %add3A_358[%gather3A_364] in [0] : vector<16xf32>, vector<16xi32> -> vector<16xf32>
    %add3A_366 = arith.addf %add3A_358, %gather3A_365 : vector<16xf32>
    %mul3A_367 = arith.mulf %add3A_366, %div3A_254 : vector<16xf32>
    %mul3A_368 = arith.mulf %mul3A_367, %div3A_254 : vector<16xf32>
    %add3A_369 = arith.addf %broadcast_in_dim3A_1, %mul3A_368 : vector<16xf32>
    %add3A_370 = arith.constant 1.000000e+00 : f32
    %add3A_371 = vector.broadcast %add3A_370 : f32 to vector<16xf32>
    %add3A_372 = arith.addf %add3A_369, %add3A_371 : vector<16xf32>
    %get3A_373 = arith.constant 256 : index
    %get3A_374 = tpu.vector_load %arg6[%get3A_373] {strides = array<i32>} : memref<1024xf32, #tpu.memory_space<vmem>>, vector<16xf32>,
    %get3A_375 = arith.constant 272 : index
    %get3A_376 = tpu.vector_load %arg6[%get3A_375] {strides = array<i32>} : memref<1024xf32, #tpu.memory_space<vmem>>, vector<16xf32>,
    %max3A_377 = arith.maximumf %get3A_374, %get3A_376 : vector<16xf32>
    %get3A_378 = arith.constant 288 : index
    %get3A_379 = tpu.vector_load %arg6[%get3A_378] {strides = array<i32>} : memref<1024xf32, #tpu.memory_space<vmem>>, vector<16xf32>,
    %max3A_380 = arith.maximumf %max3A_377, %get3A_379 : vector<16xf32>
    %get3A_381 = arith.constant 304 : index
    %get3A_382 = tpu.vector_load %arg6[%get3A_381] {strides = array<i32>} : memref<1024xf32, #tpu.memory_space<vmem>>, vector<16xf32>,
    %max3A_383 = arith.maximumf %max3A_380, %get3A_382 : vector<16xf32>
    %get3A_384 = arith.constant 320 : index
    %get3A_385 = tpu.vector_load %arg6[%get3A_384] {strides = array<i32>} : memref<1024xf32, #tpu.memory_space<vmem>>, vector<16xf32>,
    %max3A_386 = arith.maximumf %max3A_383, %get3A_385 : vector<16xf32>
    %get3A_387 = arith.constant 336 : index
    %get3A_388 = tpu.vector_load %arg6[%get3A_387] {strides = array<i32>} : memref<1024xf32, #tpu.memory_space<vmem>>, vector<16xf32>,
    %max3A_389 = arith.maximumf %max3A_386, %get3A_388 : vector<16xf32>
    %get3A_390 = arith.constant 352 : index
    %get3A_391 = tpu.vector_load %arg6[%get3A_390] {strides = array<i32>} : memref<1024xf32, #tpu.memory_space<vmem>>, vector<16xf32>,
    %max3A_392 = arith.maximumf %max3A_389, %get3A_391 : vector<16xf32>
    %get3A_393 = arith.constant 368 : index
    %get3A_394 = tpu.vector_load %arg6[%get3A_393] {strides = array<i32>} : memref<1024xf32, #tpu.memory_space<vmem>>, vector<16xf32>,
    %max3A_395 = arith.maximumf %max3A_392, %get3A_394 : vector<16xf32>
    %get3A_396 = arith.constant 384 : index
    %get3A_397 = tpu.vector_load %arg6[%get3A_396] {strides = array<i32>} : memref<1024xf32, #tpu.memory_space<vmem>>, vector<16xf32>,
    %max3A_398 = arith.maximumf %max3A_395, %get3A_397 : vector<16xf32>
    %get3A_399 = arith.constant 400 : index
    %get3A_400 = tpu.vector_load %arg6[%get3A_399] {strides = array<i32>} : memref<1024xf32, #tpu.memory_space<vmem>>, vector<16xf32>,
    %max3A_401 = arith.maximumf %max3A_398, %get3A_400 : vector<16xf32>
    %get3A_402 = arith.constant 416 : index
    %get3A_403 = tpu.vector_load %arg6[%get3A_402] {strides = array<i32>} : memref<1024xf32, #tpu.memory_space<vmem>>, vector<16xf32>,
    %max3A_404 = arith.maximumf %max3A_401, %get3A_403 : vector<16xf32>
    %get3A_405 = arith.constant 432 : index
    %get3A_406 = tpu.vector_load %arg6[%get3A_405] {strides = array<i32>} : memref<1024xf32, #tpu.memory_space<vmem>>, vector<16xf32>,
    %max3A_407 = arith.maximumf %max3A_404, %get3A_406 : vector<16xf32>
    %get3A_408 = arith.constant 448 : index
    %get3A_409 = tpu.vector_load %arg6[%get3A_408] {strides = array<i32>} : memref<1024xf32, #tpu.memory_space<vmem>>, vector<16xf32>,
    %max3A_410 = arith.maximumf %max3A_407, %get3A_409 : vector<16xf32>
    %get3A_411 = arith.constant 464 : index
    %get3A_412 = tpu.vector_load %arg6[%get3A_411] {strides = array<i32>} : memref<1024xf32, #tpu.memory_space<vmem>>, vector<16xf32>,
    %max3A_413 = arith.maximumf %max3A_410, %get3A_412 : vector<16xf32>
    %get3A_414 = arith.constant 480 : index
    %get3A_415 = tpu.vector_load %arg6[%get3A_414] {strides = array<i32>} : memref<1024xf32, #tpu.memory_space<vmem>>, vector<16xf32>,
    %max3A_416 = arith.maximumf %max3A_413, %get3A_415 : vector<16xf32>
    %get3A_417 = arith.constant 496 : index
    %get3A_418 = tpu.vector_load %arg6[%get3A_417] {strides = array<i32>} : memref<1024xf32, #tpu.memory_space<vmem>>, vector<16xf32>,
    %max3A_419 = arith.maximumf %max3A_416, %get3A_418 : vector<16xf32>
    %iota3A_420 = tpu.iota {dimensions = array<i32: 0>} : vector<16xi32>
    %xor3A_421 = arith.constant 8 : i32
    %xor3A_422 = vector.broadcast %xor3A_421 : i32 to vector<16xi32>
    %xor3A_423 = arith.xori %iota3A_420, %xor3A_422 : vector<16xi32>
    %broadcast_in_dim3A_424 = vector.shape_cast %xor3A_423 : vector<16xi32> to vector<16x1xi32>
    %gather3A_425 = vector.shape_cast %broadcast_in_dim3A_424 : vector<16x1xi32> to vector<16xi32>
    %gather3A_426 = tpu.dynamic_gather %max3A_419[%gather3A_425] in [0] : vector<16xf32>, vector<16xi32> -> vector<16xf32>
    %max3A_427 = arith.maximumf %max3A_419, %gather3A_426 : vector<16xf32>
    %iota3A_428 = tpu.iota {dimensions = array<i32: 0>} : vector<16xi32>
    %xor3A_429 = arith.constant 4 : i32
    %xor3A_430 = vector.broadcast %xor3A_429 : i32 to vector<16xi32>
    %xor3A_431 = arith.xori %iota3A_428, %xor3A_430 : vector<16xi32>
    %broadcast_in_dim3A_432 = vector.shape_cast %xor3A_431 : vector<16xi32> to vector<16x1xi32>
    %gather3A_433 = vector.shape_cast %broadcast_in_dim3A_432 : vector<16x1xi32> to vector<16xi32>
    %gather3A_434 = tpu.dynamic_gather %max3A_427[%gather3A_433] in [0] : vector<16xf32>, vector<16xi32> -> vector<16xf32>
    %max3A_435 = arith.maximumf %max3A_427, %gather3A_434 : vector<16xf32>
    %iota3A_436 = tpu.iota {dimensions = array<i32: 0>} : vector<16xi32>
    %xor3A_437 = arith.constant 2 : i32
    %xor3A_438 = vector.broadcast %xor3A_437 : i32 to vector<16xi32>
    %xor3A_439 = arith.xori %iota3A_436, %xor3A_438 : vector<16xi32>
    %broadcast_in_dim3A_440 = vector.shape_cast %xor3A_439 : vector<16xi32> to vector<16x1xi32>
    %gather3A_441 = vector.shape_cast %broadcast_in_dim3A_440 : vector<16x1xi32> to vector<16xi32>
    %gather3A_442 = tpu.dynamic_gather %max3A_435[%gather3A_441] in [0] : vector<16xf32>, vector<16xi32> -> vector<16xf32>
    %max3A_443 = arith.maximumf %max3A_435, %gather3A_442 : vector<16xf32>
    %iota3A_444 = tpu.iota {dimensions = array<i32: 0>} : vector<16xi32>
    %xor3A_445 = arith.constant 1 : i32
    %xor3A_446 = vector.broadcast %xor3A_445 : i32 to vector<16xi32>
    %xor3A_447 = arith.xori %iota3A_444, %xor3A_446 : vector<16xi32>
    %broadcast_in_dim3A_448 = vector.shape_cast %xor3A_447 : vector<16xi32> to vector<16x1xi32>
    %gather3A_449 = vector.shape_cast %broadcast_in_dim3A_448 : vector<16x1xi32> to vector<16xi32>
    %gather3A_450 = tpu.dynamic_gather %max3A_443[%gather3A_449] in [0] : vector<16xf32>, vector<16xi32> -> vector<16xf32>
    %max3A_451 = arith.maximumf %max3A_443, %gather3A_450 : vector<16xf32>
    %broadcast_in_dim3A_452 = arith.constant 0.000000e+00 : f32
    %broadcast_in_dim3A_453 = vector.broadcast %broadcast_in_dim3A_452 : f32 to vector<16xf32>
    %broadcast_in_dim3A_454 = arith.constant 0.000000e+00 : f32
    %broadcast_in_dim3A_455 = vector.broadcast %broadcast_in_dim3A_454 : f32 to vector<16xf32>
    %get3A_456 = arith.constant 256 : index
    %get3A_457 = tpu.vector_load %arg6[%get3A_456] {strides = array<i32>} : memref<1024xf32, #tpu.memory_space<vmem>>, vector<16xf32>,
    %sub3A_458 = arith.subf %get3A_457, %max3A_451 : vector<16xf32>
    %exp3A_459 = math.exp %sub3A_458 : vector<16xf32>
    %swap3A_460 = arith.constant 256 : index
    %swap3A_461 = tpu.vector_load %arg6[%swap3A_460] {strides = array<i32>} : memref<1024xf32, #tpu.memory_space<vmem>>, vector<16xf32>,
    tpu.vector_store %arg6[%swap3A_460], %exp3A_459 {strides = array<i32>} : memref<1024xf32, #tpu.memory_space<vmem>>, vector<16xf32>,
    %add3A_462 = arith.addf %broadcast_in_dim3A_453, %exp3A_459 : vector<16xf32>
    %mul3A_463 = arith.mulf %exp3A_459, %exp3A_459 : vector<16xf32>
    %add3A_464 = arith.addf %broadcast_in_dim3A_455, %mul3A_463 : vector<16xf32>
    %get3A_465 = arith.constant 272 : index
    %get3A_466 = tpu.vector_load %arg6[%get3A_465] {strides = array<i32>} : memref<1024xf32, #tpu.memory_space<vmem>>, vector<16xf32>,
    %sub3A_467 = arith.subf %get3A_466, %max3A_451 : vector<16xf32>
    %exp3A_468 = math.exp %sub3A_467 : vector<16xf32>
    %swap3A_469 = arith.constant 272 : index
    %swap3A_470 = tpu.vector_load %arg6[%swap3A_469] {strides = array<i32>} : memref<1024xf32, #tpu.memory_space<vmem>>, vector<16xf32>,
    tpu.vector_store %arg6[%swap3A_469], %exp3A_468 {strides = array<i32>} : memref<1024xf32, #tpu.memory_space<vmem>>, vector<16xf32>,
    %add3A_471 = arith.addf %add3A_462, %exp3A_468 : vector<16xf32>
    %mul3A_472 = arith.mulf %exp3A_468, %exp3A_468 : vector<16xf32>
    %add3A_473 = arith.addf %add3A_464, %mul3A_472 : vector<16xf32>
    %get3A_474 = arith.constant 288 : index
    %get3A_475 = tpu.vector_load %arg6[%get3A_474] {strides = array<i32>} : memref<1024xf32, #tpu.memory_space<vmem>>, vector<16xf32>,
    %sub3A_476 = arith.subf %get3A_475, %max3A_451 : vector<16xf32>
    %exp3A_477 = math.exp %sub3A_476 : vector<16xf32>
    %swap3A_478 = arith.constant 288 : index
    %swap3A_479 = tpu.vector_load %arg6[%swap3A_478] {strides = array<i32>} : memref<1024xf32, #tpu.memory_space<vmem>>, vector<16xf32>,
    tpu.vector_store %arg6[%swap3A_478], %exp3A_477 {strides = array<i32>} : memref<1024xf32, #tpu.memory_space<vmem>>, vector<16xf32>,
    %add3A_480 = arith.addf %add3A_471, %exp3A_477 : vector<16xf32>
    %mul3A_481 = arith.mulf %exp3A_477, %exp3A_477 : vector<16xf32>
    %add3A_482 = arith.addf %add3A_473, %mul3A_481 : vector<16xf32>
    %get3A_483 = arith.constant 304 : index
    %get3A_484 = tpu.vector_load %arg6[%get3A_483] {strides = array<i32>} : memref<1024xf32, #tpu.memory_space<vmem>>, vector<16xf32>,
    %sub3A_485 = arith.subf %get3A_484, %max3A_451 : vector<16xf32>
    %exp3A_486 = math.exp %sub3A_485 : vector<16xf32>
    %swap3A_487 = arith.constant 304 : index
    %swap3A_488 = tpu.vector_load %arg6[%swap3A_487] {strides = array<i32>} : memref<1024xf32, #tpu.memory_space<vmem>>, vector<16xf32>,
    tpu.vector_store %arg6[%swap3A_487], %exp3A_486 {strides = array<i32>} : memref<1024xf32, #tpu.memory_space<vmem>>, vector<16xf32>,
    %add3A_489 = arith.addf %add3A_480, %exp3A_486 : vector<16xf32>
    %mul3A_490 = arith.mulf %exp3A_486, %exp3A_486 : vector<16xf32>
    %add3A_491 = arith.addf %add3A_482, %mul3A_490 : vector<16xf32>
    %get3A_492 = arith.constant 320 : index
    %get3A_493 = tpu.vector_load %arg6[%get3A_492] {strides = array<i32>} : memref<1024xf32, #tpu.memory_space<vmem>>, vector<16xf32>,
    %sub3A_494 = arith.subf %get3A_493, %max3A_451 : vector<16xf32>
    %exp3A_495 = math.exp %sub3A_494 : vector<16xf32>
    %swap3A_496 = arith.constant 320 : index
    %swap3A_497 = tpu.vector_load %arg6[%swap3A_496] {strides = array<i32>} : memref<1024xf32, #tpu.memory_space<vmem>>, vector<16xf32>,
    tpu.vector_store %arg6[%swap3A_496], %exp3A_495 {strides = array<i32>} : memref<1024xf32, #tpu.memory_space<vmem>>, vector<16xf32>,
    %add3A_498 = arith.addf %add3A_489, %exp3A_495 : vector<16xf32>
    %mul3A_499 = arith.mulf %exp3A_495, %exp3A_495 : vector<16xf32>
    %add3A_500 = arith.addf %add3A_491, %mul3A_499 : vector<16xf32>
    %get3A_501 = arith.constant 336 : index
    %get3A_502 = tpu.vector_load %arg6[%get3A_501] {strides = array<i32>} : memref<1024xf32, #tpu.memory_space<vmem>>, vector<16xf32>,
    %sub3A_503 = arith.subf %get3A_502, %max3A_451 : vector<16xf32>
    %exp3A_504 = math.exp %sub3A_503 : vector<16xf32>
    %swap3A_505 = arith.constant 336 : index
    %swap3A_506 = tpu.vector_load %arg6[%swap3A_505] {strides = array<i32>} : memref<1024xf32, #tpu.memory_space<vmem>>, vector<16xf32>,
    tpu.vector_store %arg6[%swap3A_505], %exp3A_504 {strides = array<i32>} : memref<1024xf32, #tpu.memory_space<vmem>>, vector<16xf32>,
    %add3A_507 = arith.addf %add3A_498, %exp3A_504 : vector<16xf32>
    %mul3A_508 = arith.mulf %exp3A_504, %exp3A_504 : vector<16xf32>
    %add3A_509 = arith.addf %add3A_500, %mul3A_508 : vector<16xf32>
    %get3A_510 = arith.constant 352 : index
    %get3A_511 = tpu.vector_load %arg6[%get3A_510] {strides = array<i32>} : memref<1024xf32, #tpu.memory_space<vmem>>, vector<16xf32>,
    %sub3A_512 = arith.subf %get3A_511, %max3A_451 : vector<16xf32>
    %exp3A_513 = math.exp %sub3A_512 : vector<16xf32>
    %swap3A_514 = arith.constant 352 : index
    %swap3A_515 = tpu.vector_load %arg6[%swap3A_514] {strides = array<i32>} : memref<1024xf32, #tpu.memory_space<vmem>>, vector<16xf32>,
    tpu.vector_store %arg6[%swap3A_514], %exp3A_513 {strides = array<i32>} : memref<1024xf32, #tpu.memory_space<vmem>>, vector<16xf32>,
    %add3A_516 = arith.addf %add3A_507, %exp3A_513 : vector<16xf32>
    %mul3A_517 = arith.mulf %exp3A_513, %exp3A_513 : vector<16xf32>
    %add3A_518 = arith.addf %add3A_509, %mul3A_517 : vector<16xf32>
    %get3A_519 = arith.constant 368 : index
    %get3A_520 = tpu.vector_load %arg6[%get3A_519] {strides = array<i32>} : memref<1024xf32, #tpu.memory_space<vmem>>, vector<16xf32>,
    %sub3A_521 = arith.subf %get3A_520, %max3A_451 : vector<16xf32>
    %exp3A_522 = math.exp %sub3A_521 : vector<16xf32>
    %swap3A_523 = arith.constant 368 : index
    %swap3A_524 = tpu.vector_load %arg6[%swap3A_523] {strides = array<i32>} : memref<1024xf32, #tpu.memory_space<vmem>>, vector<16xf32>,
    tpu.vector_store %arg6[%swap3A_523], %exp3A_522 {strides = array<i32>} : memref<1024xf32, #tpu.memory_space<vmem>>, vector<16xf32>,
    %add3A_525 = arith.addf %add3A_516, %exp3A_522 : vector<16xf32>
    %mul3A_526 = arith.mulf %exp3A_522, %exp3A_522 : vector<16xf32>
    %add3A_527 = arith.addf %add3A_518, %mul3A_526 : vector<16xf32>
    %get3A_528 = arith.constant 384 : index
    %get3A_529 = tpu.vector_load %arg6[%get3A_528] {strides = array<i32>} : memref<1024xf32, #tpu.memory_space<vmem>>, vector<16xf32>,
    %sub3A_530 = arith.subf %get3A_529, %max3A_451 : vector<16xf32>
    %exp3A_531 = math.exp %sub3A_530 : vector<16xf32>
    %swap3A_532 = arith.constant 384 : index
    %swap3A_533 = tpu.vector_load %arg6[%swap3A_532] {strides = array<i32>} : memref<1024xf32, #tpu.memory_space<vmem>>, vector<16xf32>,
    tpu.vector_store %arg6[%swap3A_532], %exp3A_531 {strides = array<i32>} : memref<1024xf32, #tpu.memory_space<vmem>>, vector<16xf32>,
    %add3A_534 = arith.addf %add3A_525, %exp3A_531 : vector<16xf32>
    %mul3A_535 = arith.mulf %exp3A_531, %exp3A_531 : vector<16xf32>
    %add3A_536 = arith.addf %add3A_527, %mul3A_535 : vector<16xf32>
    %get3A_537 = arith.constant 400 : index
    %get3A_538 = tpu.vector_load %arg6[%get3A_537] {strides = array<i32>} : memref<1024xf32, #tpu.memory_space<vmem>>, vector<16xf32>,
    %sub3A_539 = arith.subf %get3A_538, %max3A_451 : vector<16xf32>
    %exp3A_540 = math.exp %sub3A_539 : vector<16xf32>
    %swap3A_541 = arith.constant 400 : index
    %swap3A_542 = tpu.vector_load %arg6[%swap3A_541] {strides = array<i32>} : memref<1024xf32, #tpu.memory_space<vmem>>, vector<16xf32>,
    tpu.vector_store %arg6[%swap3A_541], %exp3A_540 {strides = array<i32>} : memref<1024xf32, #tpu.memory_space<vmem>>, vector<16xf32>,
    %add3A_543 = arith.addf %add3A_534, %exp3A_540 : vector<16xf32>
    %mul3A_544 = arith.mulf %exp3A_540, %exp3A_540 : vector<16xf32>
    %add3A_545 = arith.addf %add3A_536, %mul3A_544 : vector<16xf32>
    %get3A_546 = arith.constant 416 : index
    %get3A_547 = tpu.vector_load %arg6[%get3A_546] {strides = array<i32>} : memref<1024xf32, #tpu.memory_space<vmem>>, vector<16xf32>,
    %sub3A_548 = arith.subf %get3A_547, %max3A_451 : vector<16xf32>
    %exp3A_549 = math.exp %sub3A_548 : vector<16xf32>
    %swap3A_550 = arith.constant 416 : index
    %swap3A_551 = tpu.vector_load %arg6[%swap3A_550] {strides = array<i32>} : memref<1024xf32, #tpu.memory_space<vmem>>, vector<16xf32>,
    tpu.vector_store %arg6[%swap3A_550], %exp3A_549 {strides = array<i32>} : memref<1024xf32, #tpu.memory_space<vmem>>, vector<16xf32>,
    %add3A_552 = arith.addf %add3A_543, %exp3A_549 : vector<16xf32>
    %mul3A_553 = arith.mulf %exp3A_549, %exp3A_549 : vector<16xf32>
    %add3A_554 = arith.addf %add3A_545, %mul3A_553 : vector<16xf32>
    %get3A_555 = arith.constant 432 : index
    %get3A_556 = tpu.vector_load %arg6[%get3A_555] {strides = array<i32>} : memref<1024xf32, #tpu.memory_space<vmem>>, vector<16xf32>,
    %sub3A_557 = arith.subf %get3A_556, %max3A_451 : vector<16xf32>
    %exp3A_558 = math.exp %sub3A_557 : vector<16xf32>
    %swap3A_559 = arith.constant 432 : index
    %swap3A_560 = tpu.vector_load %arg6[%swap3A_559] {strides = array<i32>} : memref<1024xf32, #tpu.memory_space<vmem>>, vector<16xf32>,
    tpu.vector_store %arg6[%swap3A_559], %exp3A_558 {strides = array<i32>} : memref<1024xf32, #tpu.memory_space<vmem>>, vector<16xf32>,
    %add3A_561 = arith.addf %add3A_552, %exp3A_558 : vector<16xf32>
    %mul3A_562 = arith.mulf %exp3A_558, %exp3A_558 : vector<16xf32>
    %add3A_563 = arith.addf %add3A_554, %mul3A_562 : vector<16xf32>
    %get3A_564 = arith.constant 448 : index
    %get3A_565 = tpu.vector_load %arg6[%get3A_564] {strides = array<i32>} : memref<1024xf32, #tpu.memory_space<vmem>>, vector<16xf32>,
    %sub3A_566 = arith.subf %get3A_565, %max3A_451 : vector<16xf32>
    %exp3A_567 = math.exp %sub3A_566 : vector<16xf32>
    %swap3A_568 = arith.constant 448 : index
    %swap3A_569 = tpu.vector_load %arg6[%swap3A_568] {strides = array<i32>} : memref<1024xf32, #tpu.memory_space<vmem>>, vector<16xf32>,
    tpu.vector_store %arg6[%swap3A_568], %exp3A_567 {strides = array<i32>} : memref<1024xf32, #tpu.memory_space<vmem>>, vector<16xf32>,
    %add3A_570 = arith.addf %add3A_561, %exp3A_567 : vector<16xf32>
    %mul3A_571 = arith.mulf %exp3A_567, %exp3A_567 : vector<16xf32>
    %add3A_572 = arith.addf %add3A_563, %mul3A_571 : vector<16xf32>
    %get3A_573 = arith.constant 464 : index
    %get3A_574 = tpu.vector_load %arg6[%get3A_573] {strides = array<i32>} : memref<1024xf32, #tpu.memory_space<vmem>>, vector<16xf32>,
    %sub3A_575 = arith.subf %get3A_574, %max3A_451 : vector<16xf32>
    %exp3A_576 = math.exp %sub3A_575 : vector<16xf32>
    %swap3A_577 = arith.constant 464 : index
    %swap3A_578 = tpu.vector_load %arg6[%swap3A_577] {strides = array<i32>} : memref<1024xf32, #tpu.memory_space<vmem>>, vector<16xf32>,
    tpu.vector_store %arg6[%swap3A_577], %exp3A_576 {strides = array<i32>} : memref<1024xf32, #tpu.memory_space<vmem>>, vector<16xf32>,
    %add3A_579 = arith.addf %add3A_570, %exp3A_576 : vector<16xf32>
    %mul3A_580 = arith.mulf %exp3A_576, %exp3A_576 : vector<16xf32>
    %add3A_581 = arith.addf %add3A_572, %mul3A_580 : vector<16xf32>
    %get3A_582 = arith.constant 480 : index
    %get3A_583 = tpu.vector_load %arg6[%get3A_582] {strides = array<i32>} : memref<1024xf32, #tpu.memory_space<vmem>>, vector<16xf32>,
    %sub3A_584 = arith.subf %get3A_583, %max3A_451 : vector<16xf32>
    %exp3A_585 = math.exp %sub3A_584 : vector<16xf32>
    %swap3A_586 = arith.constant 480 : index
    %swap3A_587 = tpu.vector_load %arg6[%swap3A_586] {strides = array<i32>} : memref<1024xf32, #tpu.memory_space<vmem>>, vector<16xf32>,
    tpu.vector_store %arg6[%swap3A_586], %exp3A_585 {strides = array<i32>} : memref<1024xf32, #tpu.memory_space<vmem>>, vector<16xf32>,
    %add3A_588 = arith.addf %add3A_579, %exp3A_585 : vector<16xf32>
    %mul3A_589 = arith.mulf %exp3A_585, %exp3A_585 : vector<16xf32>
    %add3A_590 = arith.addf %add3A_581, %mul3A_589 : vector<16xf32>
    %get3A_591 = arith.constant 496 : index
    %get3A_592 = tpu.vector_load %arg6[%get3A_591] {strides = array<i32>} : memref<1024xf32, #tpu.memory_space<vmem>>, vector<16xf32>,
    %sub3A_593 = arith.subf %get3A_592, %max3A_451 : vector<16xf32>
    %exp3A_594 = math.exp %sub3A_593 : vector<16xf32>
    %swap3A_595 = arith.constant 496 : index
    %swap3A_596 = tpu.vector_load %arg6[%swap3A_595] {strides = array<i32>} : memref<1024xf32, #tpu.memory_space<vmem>>, vector<16xf32>,
    tpu.vector_store %arg6[%swap3A_595], %exp3A_594 {strides = array<i32>} : memref<1024xf32, #tpu.memory_space<vmem>>, vector<16xf32>,
    %add3A_597 = arith.addf %add3A_588, %exp3A_594 : vector<16xf32>
    %mul3A_598 = arith.mulf %exp3A_594, %exp3A_594 : vector<16xf32>
    %add3A_599 = arith.addf %add3A_590, %mul3A_598 : vector<16xf32>
    %iota3A_600 = tpu.iota {dimensions = array<i32: 0>} : vector<16xi32>
    %xor3A_601 = arith.constant 8 : i32
    %xor3A_602 = vector.broadcast %xor3A_601 : i32 to vector<16xi32>
    %xor3A_603 = arith.xori %iota3A_600, %xor3A_602 : vector<16xi32>
    %broadcast_in_dim3A_604 = vector.shape_cast %xor3A_603 : vector<16xi32> to vector<16x1xi32>
    %gather3A_605 = vector.shape_cast %broadcast_in_dim3A_604 : vector<16x1xi32> to vector<16xi32>
    %gather3A_606 = tpu.dynamic_gather %add3A_597[%gather3A_605] in [0] : vector<16xf32>, vector<16xi32> -> vector<16xf32>
    %add3A_607 = arith.addf %add3A_597, %gather3A_606 : vector<16xf32>
    %iota3A_608 = tpu.iota {dimensions = array<i32: 0>} : vector<16xi32>
    %xor3A_609 = arith.constant 4 : i32
    %xor3A_610 = vector.broadcast %xor3A_609 : i32 to vector<16xi32>
    %xor3A_611 = arith.xori %iota3A_608, %xor3A_610 : vector<16xi32>
    %broadcast_in_dim3A_612 = vector.shape_cast %xor3A_611 : vector<16xi32> to vector<16x1xi32>
    %gather3A_613 = vector.shape_cast %broadcast_in_dim3A_612 : vector<16x1xi32> to vector<16xi32>
    %gather3A_614 = tpu.dynamic_gather %add3A_607[%gather3A_613] in [0] : vector<16xf32>, vector<16xi32> -> vector<16xf32>
    %add3A_615 = arith.addf %add3A_607, %gather3A_614 : vector<16xf32>
    %iota3A_616 = tpu.iota {dimensions = array<i32: 0>} : vector<16xi32>
    %xor3A_617 = arith.constant 2 : i32
    %xor3A_618 = vector.broadcast %xor3A_617 : i32 to vector<16xi32>
    %xor3A_619 = arith.xori %iota3A_616, %xor3A_618 : vector<16xi32>
    %broadcast_in_dim3A_620 = vector.shape_cast %xor3A_619 : vector<16xi32> to vector<16x1xi32>
    %gather3A_621 = vector.shape_cast %broadcast_in_dim3A_620 : vector<16x1xi32> to vector<16xi32>
    %gather3A_622 = tpu.dynamic_gather %add3A_615[%gather3A_621] in [0] : vector<16xf32>, vector<16xi32> -> vector<16xf32>
    %add3A_623 = arith.addf %add3A_615, %gather3A_622 : vector<16xf32>
    %iota3A_624 = tpu.iota {dimensions = array<i32: 0>} : vector<16xi32>
    %xor3A_625 = arith.constant 1 : i32
    %xor3A_626 = vector.broadcast %xor3A_625 : i32 to vector<16xi32>
    %xor3A_627 = arith.xori %iota3A_624, %xor3A_626 : vector<16xi32>
    %broadcast_in_dim3A_628 = vector.shape_cast %xor3A_627 : vector<16xi32> to vector<16x1xi32>
    %gather3A_629 = vector.shape_cast %broadcast_in_dim3A_628 : vector<16x1xi32> to vector<16xi32>
    %gather3A_630 = tpu.dynamic_gather %add3A_623[%gather3A_629] in [0] : vector<16xf32>, vector<16xi32> -> vector<16xf32>
    %add3A_631 = arith.addf %add3A_623, %gather3A_630 : vector<16xf32>
    %div3A_632 = arith.constant 1.000000e+00 : f32
    %div3A_633 = vector.broadcast %div3A_632 : f32 to vector<16xf32>
    %div3A_634 = arith.divf %div3A_633, %add3A_631 : vector<16xf32>
    %get3A_635 = arith.constant 256 : index
    %get3A_636 = tpu.vector_load %arg6[%get3A_635] {strides = array<i32>} : memref<1024xf32, #tpu.memory_space<vmem>>, vector<16xf32>,
    %mul3A_637 = arith.mulf %get3A_636, %div3A_634 : vector<16xf32>
    %swap3A_638 = arith.constant 256 : index
    %swap3A_639 = tpu.vector_load %arg6[%swap3A_638] {strides = array<i32>} : memref<1024xf32, #tpu.memory_space<vmem>>, vector<16xf32>,
    tpu.vector_store %arg6[%swap3A_638], %mul3A_637 {strides = array<i32>} : memref<1024xf32, #tpu.memory_space<vmem>>, vector<16xf32>,
    %get3A_640 = arith.constant 272 : index
    %get3A_641 = tpu.vector_load %arg6[%get3A_640] {strides = array<i32>} : memref<1024xf32, #tpu.memory_space<vmem>>, vector<16xf32>,
    %mul3A_642 = arith.mulf %get3A_641, %div3A_634 : vector<16xf32>
    %swap3A_643 = arith.constant 272 : index
    %swap3A_644 = tpu.vector_load %arg6[%swap3A_643] {strides = array<i32>} : memref<1024xf32, #tpu.memory_space<vmem>>, vector<16xf32>,
    tpu.vector_store %arg6[%swap3A_643], %mul3A_642 {strides = array<i32>} : memref<1024xf32, #tpu.memory_space<vmem>>, vector<16xf32>,
    %get3A_645 = arith.constant 288 : index
    %get3A_646 = tpu.vector_load %arg6[%get3A_645] {strides = array<i32>} : memref<1024xf32, #tpu.memory_space<vmem>>, vector<16xf32>,
    %mul3A_647 = arith.mulf %get3A_646, %div3A_634 : vector<16xf32>
    %swap3A_648 = arith.constant 288 : index
    %swap3A_649 = tpu.vector_load %arg6[%swap3A_648] {strides = array<i32>} : memref<1024xf32, #tpu.memory_space<vmem>>, vector<16xf32>,
    tpu.vector_store %arg6[%swap3A_648], %mul3A_647 {strides = array<i32>} : memref<1024xf32, #tpu.memory_space<vmem>>, vector<16xf32>,
    %get3A_650 = arith.constant 304 : index
    %get3A_651 = tpu.vector_load %arg6[%get3A_650] {strides = array<i32>} : memref<1024xf32, #tpu.memory_space<vmem>>, vector<16xf32>,
    %mul3A_652 = arith.mulf %get3A_651, %div3A_634 : vector<16xf32>
    %swap3A_653 = arith.constant 304 : index
    %swap3A_654 = tpu.vector_load %arg6[%swap3A_653] {strides = array<i32>} : memref<1024xf32, #tpu.memory_space<vmem>>, vector<16xf32>,
    tpu.vector_store %arg6[%swap3A_653], %mul3A_652 {strides = array<i32>} : memref<1024xf32, #tpu.memory_space<vmem>>, vector<16xf32>,
    %get3A_655 = arith.constant 320 : index
    %get3A_656 = tpu.vector_load %arg6[%get3A_655] {strides = array<i32>} : memref<1024xf32, #tpu.memory_space<vmem>>, vector<16xf32>,
    %mul3A_657 = arith.mulf %get3A_656, %div3A_634 : vector<16xf32>
    %swap3A_658 = arith.constant 320 : index
    %swap3A_659 = tpu.vector_load %arg6[%swap3A_658] {strides = array<i32>} : memref<1024xf32, #tpu.memory_space<vmem>>, vector<16xf32>,
    tpu.vector_store %arg6[%swap3A_658], %mul3A_657 {strides = array<i32>} : memref<1024xf32, #tpu.memory_space<vmem>>, vector<16xf32>,
    %get3A_660 = arith.constant 336 : index
    %get3A_661 = tpu.vector_load %arg6[%get3A_660] {strides = array<i32>} : memref<1024xf32, #tpu.memory_space<vmem>>, vector<16xf32>,
    %mul3A_662 = arith.mulf %get3A_661, %div3A_634 : vector<16xf32>
    %swap3A_663 = arith.constant 336 : index
    %swap3A_664 = tpu.vector_load %arg6[%swap3A_663] {strides = array<i32>} : memref<1024xf32, #tpu.memory_space<vmem>>, vector<16xf32>,
    tpu.vector_store %arg6[%swap3A_663], %mul3A_662 {strides = array<i32>} : memref<1024xf32, #tpu.memory_space<vmem>>, vector<16xf32>,
    %get3A_665 = arith.constant 352 : index
    %get3A_666 = tpu.vector_load %arg6[%get3A_665] {strides = array<i32>} : memref<1024xf32, #tpu.memory_space<vmem>>, vector<16xf32>,
    %mul3A_667 = arith.mulf %get3A_666, %div3A_634 : vector<16xf32>
    %swap3A_668 = arith.constant 352 : index
    %swap3A_669 = tpu.vector_load %arg6[%swap3A_668] {strides = array<i32>} : memref<1024xf32, #tpu.memory_space<vmem>>, vector<16xf32>,
    tpu.vector_store %arg6[%swap3A_668], %mul3A_667 {strides = array<i32>} : memref<1024xf32, #tpu.memory_space<vmem>>, vector<16xf32>,
    %get3A_670 = arith.constant 368 : index
    %get3A_671 = tpu.vector_load %arg6[%get3A_670] {strides = array<i32>} : memref<1024xf32, #tpu.memory_space<vmem>>, vector<16xf32>,
    %mul3A_672 = arith.mulf %get3A_671, %div3A_634 : vector<16xf32>
    %swap3A_673 = arith.constant 368 : index
    %swap3A_674 = tpu.vector_load %arg6[%swap3A_673] {strides = array<i32>} : memref<1024xf32, #tpu.memory_space<vmem>>, vector<16xf32>,
    tpu.vector_store %arg6[%swap3A_673], %mul3A_672 {strides = array<i32>} : memref<1024xf32, #tpu.memory_space<vmem>>, vector<16xf32>,
    %get3A_675 = arith.constant 384 : index
    %get3A_676 = tpu.vector_load %arg6[%get3A_675] {strides = array<i32>} : memref<1024xf32, #tpu.memory_space<vmem>>, vector<16xf32>,
    %mul3A_677 = arith.mulf %get3A_676, %div3A_634 : vector<16xf32>
    %swap3A_678 = arith.constant 384 : index
    %swap3A_679 = tpu.vector_load %arg6[%swap3A_678] {strides = array<i32>} : memref<1024xf32, #tpu.memory_space<vmem>>, vector<16xf32>,
    tpu.vector_store %arg6[%swap3A_678], %mul3A_677 {strides = array<i32>} : memref<1024xf32, #tpu.memory_space<vmem>>, vector<16xf32>,
    %get3A_680 = arith.constant 400 : index
    %get3A_681 = tpu.vector_load %arg6[%get3A_680] {strides = array<i32>} : memref<1024xf32, #tpu.memory_space<vmem>>, vector<16xf32>,
    %mul3A_682 = arith.mulf %get3A_681, %div3A_634 : vector<16xf32>
    %swap3A_683 = arith.constant 400 : index
    %swap3A_684 = tpu.vector_load %arg6[%swap3A_683] {strides = array<i32>} : memref<1024xf32, #tpu.memory_space<vmem>>, vector<16xf32>,
    tpu.vector_store %arg6[%swap3A_683], %mul3A_682 {strides = array<i32>} : memref<1024xf32, #tpu.memory_space<vmem>>, vector<16xf32>,
    %get3A_685 = arith.constant 416 : index
    %get3A_686 = tpu.vector_load %arg6[%get3A_685] {strides = array<i32>} : memref<1024xf32, #tpu.memory_space<vmem>>, vector<16xf32>,
    %mul3A_687 = arith.mulf %get3A_686, %div3A_634 : vector<16xf32>
    %swap3A_688 = arith.constant 416 : index
    %swap3A_689 = tpu.vector_load %arg6[%swap3A_688] {strides = array<i32>} : memref<1024xf32, #tpu.memory_space<vmem>>, vector<16xf32>,
    tpu.vector_store %arg6[%swap3A_688], %mul3A_687 {strides = array<i32>} : memref<1024xf32, #tpu.memory_space<vmem>>, vector<16xf32>,
    %get3A_690 = arith.constant 432 : index
    %get3A_691 = tpu.vector_load %arg6[%get3A_690] {strides = array<i32>} : memref<1024xf32, #tpu.memory_space<vmem>>, vector<16xf32>,
    %mul3A_692 = arith.mulf %get3A_691, %div3A_634 : vector<16xf32>
    %swap3A_693 = arith.constant 432 : index
    %swap3A_694 = tpu.vector_load %arg6[%swap3A_693] {strides = array<i32>} : memref<1024xf32, #tpu.memory_space<vmem>>, vector<16xf32>,
    tpu.vector_store %arg6[%swap3A_693], %mul3A_692 {strides = array<i32>} : memref<1024xf32, #tpu.memory_space<vmem>>, vector<16xf32>,
    %get3A_695 = arith.constant 448 : index
    %get3A_696 = tpu.vector_load %arg6[%get3A_695] {strides = array<i32>} : memref<1024xf32, #tpu.memory_space<vmem>>, vector<16xf32>,
    %mul3A_697 = arith.mulf %get3A_696, %div3A_634 : vector<16xf32>
    %swap3A_698 = arith.constant 448 : index
    %swap3A_699 = tpu.vector_load %arg6[%swap3A_698] {strides = array<i32>} : memref<1024xf32, #tpu.memory_space<vmem>>, vector<16xf32>,
    tpu.vector_store %arg6[%swap3A_698], %mul3A_697 {strides = array<i32>} : memref<1024xf32, #tpu.memory_space<vmem>>, vector<16xf32>,
    %get3A_700 = arith.constant 464 : index
    %get3A_701 = tpu.vector_load %arg6[%get3A_700] {strides = array<i32>} : memref<1024xf32, #tpu.memory_space<vmem>>, vector<16xf32>,
    %mul3A_702 = arith.mulf %get3A_701, %div3A_634 : vector<16xf32>
    %swap3A_703 = arith.constant 464 : index
    %swap3A_704 = tpu.vector_load %arg6[%swap3A_703] {strides = array<i32>} : memref<1024xf32, #tpu.memory_space<vmem>>, vector<16xf32>,
    tpu.vector_store %arg6[%swap3A_703], %mul3A_702 {strides = array<i32>} : memref<1024xf32, #tpu.memory_space<vmem>>, vector<16xf32>,
    %get3A_705 = arith.constant 480 : index
    %get3A_706 = tpu.vector_load %arg6[%get3A_705] {strides = array<i32>} : memref<1024xf32, #tpu.memory_space<vmem>>, vector<16xf32>,
    %mul3A_707 = arith.mulf %get3A_706, %div3A_634 : vector<16xf32>
    %swap3A_708 = arith.constant 480 : index
    %swap3A_709 = tpu.vector_load %arg6[%swap3A_708] {strides = array<i32>} : memref<1024xf32, #tpu.memory_space<vmem>>, vector<16xf32>,
    tpu.vector_store %arg6[%swap3A_708], %mul3A_707 {strides = array<i32>} : memref<1024xf32, #tpu.memory_space<vmem>>, vector<16xf32>,
    %get3A_710 = arith.constant 496 : index
    %get3A_711 = tpu.vector_load %arg6[%get3A_710] {strides = array<i32>} : memref<1024xf32, #tpu.memory_space<vmem>>, vector<16xf32>,
    %mul3A_712 = arith.mulf %get3A_711, %div3A_634 : vector<16xf32>
    %swap3A_713 = arith.constant 496 : index
    %swap3A_714 = tpu.vector_load %arg6[%swap3A_713] {strides = array<i32>} : memref<1024xf32, #tpu.memory_space<vmem>>, vector<16xf32>,
    tpu.vector_store %arg6[%swap3A_713], %mul3A_712 {strides = array<i32>} : memref<1024xf32, #tpu.memory_space<vmem>>, vector<16xf32>,
    %iota3A_715 = tpu.iota {dimensions = array<i32: 0>} : vector<16xi32>
    %xor3A_716 = arith.constant 8 : i32
    %xor3A_717 = vector.broadcast %xor3A_716 : i32 to vector<16xi32>
    %xor3A_718 = arith.xori %iota3A_715, %xor3A_717 : vector<16xi32>
    %broadcast_in_dim3A_719 = vector.shape_cast %xor3A_718 : vector<16xi32> to vector<16x1xi32>
    %gather3A_720 = vector.shape_cast %broadcast_in_dim3A_719 : vector<16x1xi32> to vector<16xi32>
    %gather3A_721 = tpu.dynamic_gather %add3A_599[%gather3A_720] in [0] : vector<16xf32>, vector<16xi32> -> vector<16xf32>
    %add3A_722 = arith.addf %add3A_599, %gather3A_721 : vector<16xf32>
    %iota3A_723 = tpu.iota {dimensions = array<i32: 0>} : vector<16xi32>
    %xor3A_724 = arith.constant 4 : i32
    %xor3A_725 = vector.broadcast %xor3A_724 : i32 to vector<16xi32>
    %xor3A_726 = arith.xori %iota3A_723, %xor3A_725 : vector<16xi32>
    %broadcast_in_dim3A_727 = vector.shape_cast %xor3A_726 : vector<16xi32> to vector<16x1xi32>
    %gather3A_728 = vector.shape_cast %broadcast_in_dim3A_727 : vector<16x1xi32> to vector<16xi32>
    %gather3A_729 = tpu.dynamic_gather %add3A_722[%gather3A_728] in [0] : vector<16xf32>, vector<16xi32> -> vector<16xf32>
    %add3A_730 = arith.addf %add3A_722, %gather3A_729 : vector<16xf32>
    %iota3A_731 = tpu.iota {dimensions = array<i32: 0>} : vector<16xi32>
    %xor3A_732 = arith.constant 2 : i32
    %xor3A_733 = vector.broadcast %xor3A_732 : i32 to vector<16xi32>
    %xor3A_734 = arith.xori %iota3A_731, %xor3A_733 : vector<16xi32>
    %broadcast_in_dim3A_735 = vector.shape_cast %xor3A_734 : vector<16xi32> to vector<16x1xi32>
    %gather3A_736 = vector.shape_cast %broadcast_in_dim3A_735 : vector<16x1xi32> to vector<16xi32>
    %gather3A_737 = tpu.dynamic_gather %add3A_730[%gather3A_736] in [0] : vector<16xf32>, vector<16xi32> -> vector<16xf32>
    %add3A_738 = arith.addf %add3A_730, %gather3A_737 : vector<16xf32>
    %iota3A_739 = tpu.iota {dimensions = array<i32: 0>} : vector<16xi32>
    %xor3A_740 = arith.constant 1 : i32
    %xor3A_741 = vector.broadcast %xor3A_740 : i32 to vector<16xi32>
    %xor3A_742 = arith.xori %iota3A_739, %xor3A_741 : vector<16xi32>
    %broadcast_in_dim3A_743 = vector.shape_cast %xor3A_742 : vector<16xi32> to vector<16x1xi32>
    %gather3A_744 = vector.shape_cast %broadcast_in_dim3A_743 : vector<16x1xi32> to vector<16xi32>
    %gather3A_745 = tpu.dynamic_gather %add3A_738[%gather3A_744] in [0] : vector<16xf32>, vector<16xi32> -> vector<16xf32>
    %add3A_746 = arith.addf %add3A_738, %gather3A_745 : vector<16xf32>
    %mul3A_747 = arith.mulf %add3A_746, %div3A_634 : vector<16xf32>
    %mul3A_748 = arith.mulf %mul3A_747, %div3A_634 : vector<16xf32>
    %add3A_749 = arith.addf %add3A_372, %mul3A_748 : vector<16xf32>
    %add3A_750 = arith.constant 1.000000e+00 : f32
    %add3A_751 = vector.broadcast %add3A_750 : f32 to vector<16xf32>
    %add3A_752 = arith.addf %add3A_749, %add3A_751 : vector<16xf32>
    %get3A_753 = arith.constant 512 : index
    %get3A_754 = tpu.vector_load %arg6[%get3A_753] {strides = array<i32>} : memref<1024xf32, #tpu.memory_space<vmem>>, vector<16xf32>,
    %get3A_755 = arith.constant 528 : index
    %get3A_756 = tpu.vector_load %arg6[%get3A_755] {strides = array<i32>} : memref<1024xf32, #tpu.memory_space<vmem>>, vector<16xf32>,
    %max3A_757 = arith.maximumf %get3A_754, %get3A_756 : vector<16xf32>
    %get3A_758 = arith.constant 544 : index
    %get3A_759 = tpu.vector_load %arg6[%get3A_758] {strides = array<i32>} : memref<1024xf32, #tpu.memory_space<vmem>>, vector<16xf32>,
    %max3A_760 = arith.maximumf %max3A_757, %get3A_759 : vector<16xf32>
    %get3A_761 = arith.constant 560 : index
    %get3A_762 = tpu.vector_load %arg6[%get3A_761] {strides = array<i32>} : memref<1024xf32, #tpu.memory_space<vmem>>, vector<16xf32>,
    %max3A_763 = arith.maximumf %max3A_760, %get3A_762 : vector<16xf32>
    %get3A_764 = arith.constant 576 : index
    %get3A_765 = tpu.vector_load %arg6[%get3A_764] {strides = array<i32>} : memref<1024xf32, #tpu.memory_space<vmem>>, vector<16xf32>,
    %max3A_766 = arith.maximumf %max3A_763, %get3A_765 : vector<16xf32>
    %get3A_767 = arith.constant 592 : index
    %get3A_768 = tpu.vector_load %arg6[%get3A_767] {strides = array<i32>} : memref<1024xf32, #tpu.memory_space<vmem>>, vector<16xf32>,
    %max3A_769 = arith.maximumf %max3A_766, %get3A_768 : vector<16xf32>
    %get3A_770 = arith.constant 608 : index
    %get3A_771 = tpu.vector_load %arg6[%get3A_770] {strides = array<i32>} : memref<1024xf32, #tpu.memory_space<vmem>>, vector<16xf32>,
    %max3A_772 = arith.maximumf %max3A_769, %get3A_771 : vector<16xf32>
    %get3A_773 = arith.constant 624 : index
    %get3A_774 = tpu.vector_load %arg6[%get3A_773] {strides = array<i32>} : memref<1024xf32, #tpu.memory_space<vmem>>, vector<16xf32>,
    %max3A_775 = arith.maximumf %max3A_772, %get3A_774 : vector<16xf32>
    %get3A_776 = arith.constant 640 : index
    %get3A_777 = tpu.vector_load %arg6[%get3A_776] {strides = array<i32>} : memref<1024xf32, #tpu.memory_space<vmem>>, vector<16xf32>,
    %max3A_778 = arith.maximumf %max3A_775, %get3A_777 : vector<16xf32>
    %get3A_779 = arith.constant 656 : index
    %get3A_780 = tpu.vector_load %arg6[%get3A_779] {strides = array<i32>} : memref<1024xf32, #tpu.memory_space<vmem>>, vector<16xf32>,
    %max3A_781 = arith.maximumf %max3A_778, %get3A_780 : vector<16xf32>
    %get3A_782 = arith.constant 672 : index
    %get3A_783 = tpu.vector_load %arg6[%get3A_782] {strides = array<i32>} : memref<1024xf32, #tpu.memory_space<vmem>>, vector<16xf32>,
    %max3A_784 = arith.maximumf %max3A_781, %get3A_783 : vector<16xf32>
    %get3A_785 = arith.constant 688 : index
    %get3A_786 = tpu.vector_load %arg6[%get3A_785] {strides = array<i32>} : memref<1024xf32, #tpu.memory_space<vmem>>, vector<16xf32>,
    %max3A_787 = arith.maximumf %max3A_784, %get3A_786 : vector<16xf32>
    %get3A_788 = arith.constant 704 : index
    %get3A_789 = tpu.vector_load %arg6[%get3A_788] {strides = array<i32>} : memref<1024xf32, #tpu.memory_space<vmem>>, vector<16xf32>,
    %max3A_790 = arith.maximumf %max3A_787, %get3A_789 : vector<16xf32>
    %get3A_791 = arith.constant 720 : index
    %get3A_792 = tpu.vector_load %arg6[%get3A_791] {strides = array<i32>} : memref<1024xf32, #tpu.memory_space<vmem>>, vector<16xf32>,
    %max3A_793 = arith.maximumf %max3A_790, %get3A_792 : vector<16xf32>
    %get3A_794 = arith.constant 736 : index
    %get3A_795 = tpu.vector_load %arg6[%get3A_794] {strides = array<i32>} : memref<1024xf32, #tpu.memory_space<vmem>>, vector<16xf32>,
    %max3A_796 = arith.maximumf %max3A_793, %get3A_795 : vector<16xf32>
    %get3A_797 = arith.constant 752 : index
    %get3A_798 = tpu.vector_load %arg6[%get3A_797] {strides = array<i32>} : memref<1024xf32, #tpu.memory_space<vmem>>, vector<16xf32>,
    %max3A_799 = arith.maximumf %max3A_796, %get3A_798 : vector<16xf32>
    %iota3A_800 = tpu.iota {dimensions = array<i32: 0>} : vector<16xi32>
    %xor3A_801 = arith.constant 8 : i32
    %xor3A_802 = vector.broadcast %xor3A_801 : i32 to vector<16xi32>
    %xor3A_803 = arith.xori %iota3A_800, %xor3A_802 : vector<16xi32>
    %broadcast_in_dim3A_804 = vector.shape_cast %xor3A_803 : vector<16xi32> to vector<16x1xi32>
    %gather3A_805 = vector.shape_cast %broadcast_in_dim3A_804 : vector<16x1xi32> to vector<16xi32>
    %gather3A_806 = tpu.dynamic_gather %max3A_799[%gather3A_805] in [0] : vector<16xf32>, vector<16xi32> -> vector<16xf32>
    %max3A_807 = arith.maximumf %max3A_799, %gather3A_806 : vector<16xf32>
    %iota3A_808 = tpu.iota {dimensions = array<i32: 0>} : vector<16xi32>
    %xor3A_809 = arith.constant 4 : i32
    %xor3A_810 = vector.broadcast %xor3A_809 : i32 to vector<16xi32>
    %xor3A_811 = arith.xori %iota3A_808, %xor3A_810 : vector<16xi32>
    %broadcast_in_dim3A_812 = vector.shape_cast %xor3A_811 : vector<16xi32> to vector<16x1xi32>
    %gather3A_813 = vector.shape_cast %broadcast_in_dim3A_812 : vector<16x1xi32> to vector<16xi32>
    %gather3A_814 = tpu.dynamic_gather %max3A_807[%gather3A_813] in [0] : vector<16xf32>, vector<16xi32> -> vector<16xf32>
    %max3A_815 = arith.maximumf %max3A_807, %gather3A_814 : vector<16xf32>
    %iota3A_816 = tpu.iota {dimensions = array<i32: 0>} : vector<16xi32>
    %xor3A_817 = arith.constant 2 : i32
    %xor3A_818 = vector.broadcast %xor3A_817 : i32 to vector<16xi32>
    %xor3A_819 = arith.xori %iota3A_816, %xor3A_818 : vector<16xi32>
    %broadcast_in_dim3A_820 = vector.shape_cast %xor3A_819 : vector<16xi32> to vector<16x1xi32>
    %gather3A_821 = vector.shape_cast %broadcast_in_dim3A_820 : vector<16x1xi32> to vector<16xi32>
    %gather3A_822 = tpu.dynamic_gather %max3A_815[%gather3A_821] in [0] : vector<16xf32>, vector<16xi32> -> vector<16xf32>
    %max3A_823 = arith.maximumf %max3A_815, %gather3A_822 : vector<16xf32>
    %iota3A_824 = tpu.iota {dimensions = array<i32: 0>} : vector<16xi32>
    %xor3A_825 = arith.constant 1 : i32
    %xor3A_826 = vector.broadcast %xor3A_825 : i32 to vector<16xi32>
    %xor3A_827 = arith.xori %iota3A_824, %xor3A_826 : vector<16xi32>
    %broadcast_in_dim3A_828 = vector.shape_cast %xor3A_827 : vector<16xi32> to vector<16x1xi32>
    %gather3A_829 = vector.shape_cast %broadcast_in_dim3A_828 : vector<16x1xi32> to vector<16xi32>
    %gather3A_830 = tpu.dynamic_gather %max3A_823[%gather3A_829] in [0] : vector<16xf32>, vector<16xi32> -> vector<16xf32>
    %max3A_831 = arith.maximumf %max3A_823, %gather3A_830 : vector<16xf32>
    %broadcast_in_dim3A_832 = arith.constant 0.000000e+00 : f32
    %broadcast_in_dim3A_833 = vector.broadcast %broadcast_in_dim3A_832 : f32 to vector<16xf32>
    %broadcast_in_dim3A_834 = arith.constant 0.000000e+00 : f32
    %broadcast_in_dim3A_835 = vector.broadcast %broadcast_in_dim3A_834 : f32 to vector<16xf32>
    %get3A_836 = arith.constant 512 : index
    %get3A_837 = tpu.vector_load %arg6[%get3A_836] {strides = array<i32>} : memref<1024xf32, #tpu.memory_space<vmem>>, vector<16xf32>,
    %sub3A_838 = arith.subf %get3A_837, %max3A_831 : vector<16xf32>
    %exp3A_839 = math.exp %sub3A_838 : vector<16xf32>
    %swap3A_840 = arith.constant 512 : index
    %swap3A_841 = tpu.vector_load %arg6[%swap3A_840] {strides = array<i32>} : memref<1024xf32, #tpu.memory_space<vmem>>, vector<16xf32>,
    tpu.vector_store %arg6[%swap3A_840], %exp3A_839 {strides = array<i32>} : memref<1024xf32, #tpu.memory_space<vmem>>, vector<16xf32>,
    %add3A_842 = arith.addf %broadcast_in_dim3A_833, %exp3A_839 : vector<16xf32>
    %mul3A_843 = arith.mulf %exp3A_839, %exp3A_839 : vector<16xf32>
    %add3A_844 = arith.addf %broadcast_in_dim3A_835, %mul3A_843 : vector<16xf32>
    %get3A_845 = arith.constant 528 : index
    %get3A_846 = tpu.vector_load %arg6[%get3A_845] {strides = array<i32>} : memref<1024xf32, #tpu.memory_space<vmem>>, vector<16xf32>,
    %sub3A_847 = arith.subf %get3A_846, %max3A_831 : vector<16xf32>
    %exp3A_848 = math.exp %sub3A_847 : vector<16xf32>
    %swap3A_849 = arith.constant 528 : index
    %swap3A_850 = tpu.vector_load %arg6[%swap3A_849] {strides = array<i32>} : memref<1024xf32, #tpu.memory_space<vmem>>, vector<16xf32>,
    tpu.vector_store %arg6[%swap3A_849], %exp3A_848 {strides = array<i32>} : memref<1024xf32, #tpu.memory_space<vmem>>, vector<16xf32>,
    %add3A_851 = arith.addf %add3A_842, %exp3A_848 : vector<16xf32>
    %mul3A_852 = arith.mulf %exp3A_848, %exp3A_848 : vector<16xf32>
    %add3A_853 = arith.addf %add3A_844, %mul3A_852 : vector<16xf32>
    %get3A_854 = arith.constant 544 : index
    %get3A_855 = tpu.vector_load %arg6[%get3A_854] {strides = array<i32>} : memref<1024xf32, #tpu.memory_space<vmem>>, vector<16xf32>,
    %sub3A_856 = arith.subf %get3A_855, %max3A_831 : vector<16xf32>
    %exp3A_857 = math.exp %sub3A_856 : vector<16xf32>
    %swap3A_858 = arith.constant 544 : index
    %swap3A_859 = tpu.vector_load %arg6[%swap3A_858] {strides = array<i32>} : memref<1024xf32, #tpu.memory_space<vmem>>, vector<16xf32>,
    tpu.vector_store %arg6[%swap3A_858], %exp3A_857 {strides = array<i32>} : memref<1024xf32, #tpu.memory_space<vmem>>, vector<16xf32>,
    %add3A_860 = arith.addf %add3A_851, %exp3A_857 : vector<16xf32>
    %mul3A_861 = arith.mulf %exp3A_857, %exp3A_857 : vector<16xf32>
    %add3A_862 = arith.addf %add3A_853, %mul3A_861 : vector<16xf32>
    %get3A_863 = arith.constant 560 : index
    %get3A_864 = tpu.vector_load %arg6[%get3A_863] {strides = array<i32>} : memref<1024xf32, #tpu.memory_space<vmem>>, vector<16xf32>,
    %sub3A_865 = arith.subf %get3A_864, %max3A_831 : vector<16xf32>
    %exp3A_866 = math.exp %sub3A_865 : vector<16xf32>
    %swap3A_867 = arith.constant 560 : index
    %swap3A_868 = tpu.vector_load %arg6[%swap3A_867] {strides = array<i32>} : memref<1024xf32, #tpu.memory_space<vmem>>, vector<16xf32>,
    tpu.vector_store %arg6[%swap3A_867], %exp3A_866 {strides = array<i32>} : memref<1024xf32, #tpu.memory_space<vmem>>, vector<16xf32>,
    %add3A_869 = arith.addf %add3A_860, %exp3A_866 : vector<16xf32>
    %mul3A_870 = arith.mulf %exp3A_866, %exp3A_866 : vector<16xf32>
    %add3A_871 = arith.addf %add3A_862, %mul3A_870 : vector<16xf32>
    %get3A_872 = arith.constant 576 : index
    %get3A_873 = tpu.vector_load %arg6[%get3A_872] {strides = array<i32>} : memref<1024xf32, #tpu.memory_space<vmem>>, vector<16xf32>,
    %sub3A_874 = arith.subf %get3A_873, %max3A_831 : vector<16xf32>
    %exp3A_875 = math.exp %sub3A_874 : vector<16xf32>
    %swap3A_876 = arith.constant 576 : index
    %swap3A_877 = tpu.vector_load %arg6[%swap3A_876] {strides = array<i32>} : memref<1024xf32, #tpu.memory_space<vmem>>, vector<16xf32>,
    tpu.vector_store %arg6[%swap3A_876], %exp3A_875 {strides = array<i32>} : memref<1024xf32, #tpu.memory_space<vmem>>, vector<16xf32>,
    %add3A_878 = arith.addf %add3A_869, %exp3A_875 : vector<16xf32>
    %mul3A_879 = arith.mulf %exp3A_875, %exp3A_875 : vector<16xf32>
    %add3A_880 = arith.addf %add3A_871, %mul3A_879 : vector<16xf32>
    %get3A_881 = arith.constant 592 : index
    %get3A_882 = tpu.vector_load %arg6[%get3A_881] {strides = array<i32>} : memref<1024xf32, #tpu.memory_space<vmem>>, vector<16xf32>,
    %sub3A_883 = arith.subf %get3A_882, %max3A_831 : vector<16xf32>
    %exp3A_884 = math.exp %sub3A_883 : vector<16xf32>
    %swap3A_885 = arith.constant 592 : index
    %swap3A_886 = tpu.vector_load %arg6[%swap3A_885] {strides = array<i32>} : memref<1024xf32, #tpu.memory_space<vmem>>, vector<16xf32>,
    tpu.vector_store %arg6[%swap3A_885], %exp3A_884 {strides = array<i32>} : memref<1024xf32, #tpu.memory_space<vmem>>, vector<16xf32>,
    %add3A_887 = arith.addf %add3A_878, %exp3A_884 : vector<16xf32>
    %mul3A_888 = arith.mulf %exp3A_884, %exp3A_884 : vector<16xf32>
    %add3A_889 = arith.addf %add3A_880, %mul3A_888 : vector<16xf32>
    %get3A_890 = arith.constant 608 : index
    %get3A_891 = tpu.vector_load %arg6[%get3A_890] {strides = array<i32>} : memref<1024xf32, #tpu.memory_space<vmem>>, vector<16xf32>,
    %sub3A_892 = arith.subf %get3A_891, %max3A_831 : vector<16xf32>
    %exp3A_893 = math.exp %sub3A_892 : vector<16xf32>
    %swap3A_894 = arith.constant 608 : index
    %swap3A_895 = tpu.vector_load %arg6[%swap3A_894] {strides = array<i32>} : memref<1024xf32, #tpu.memory_space<vmem>>, vector<16xf32>,
    tpu.vector_store %arg6[%swap3A_894], %exp3A_893 {strides = array<i32>} : memref<1024xf32, #tpu.memory_space<vmem>>, vector<16xf32>,
    %add3A_896 = arith.addf %add3A_887, %exp3A_893 : vector<16xf32>
    %mul3A_897 = arith.mulf %exp3A_893, %exp3A_893 : vector<16xf32>
    %add3A_898 = arith.addf %add3A_889, %mul3A_897 : vector<16xf32>
    %get3A_899 = arith.constant 624 : index
    %get3A_900 = tpu.vector_load %arg6[%get3A_899] {strides = array<i32>} : memref<1024xf32, #tpu.memory_space<vmem>>, vector<16xf32>,
    %sub3A_901 = arith.subf %get3A_900, %max3A_831 : vector<16xf32>
    %exp3A_902 = math.exp %sub3A_901 : vector<16xf32>
    %swap3A_903 = arith.constant 624 : index
    %swap3A_904 = tpu.vector_load %arg6[%swap3A_903] {strides = array<i32>} : memref<1024xf32, #tpu.memory_space<vmem>>, vector<16xf32>,
    tpu.vector_store %arg6[%swap3A_903], %exp3A_902 {strides = array<i32>} : memref<1024xf32, #tpu.memory_space<vmem>>, vector<16xf32>,
    %add3A_905 = arith.addf %add3A_896, %exp3A_902 : vector<16xf32>
    %mul3A_906 = arith.mulf %exp3A_902, %exp3A_902 : vector<16xf32>
    %add3A_907 = arith.addf %add3A_898, %mul3A_906 : vector<16xf32>
    %get3A_908 = arith.constant 640 : index
    %get3A_909 = tpu.vector_load %arg6[%get3A_908] {strides = array<i32>} : memref<1024xf32, #tpu.memory_space<vmem>>, vector<16xf32>,
    %sub3A_910 = arith.subf %get3A_909, %max3A_831 : vector<16xf32>
    %exp3A_911 = math.exp %sub3A_910 : vector<16xf32>
    %swap3A_912 = arith.constant 640 : index
    %swap3A_913 = tpu.vector_load %arg6[%swap3A_912] {strides = array<i32>} : memref<1024xf32, #tpu.memory_space<vmem>>, vector<16xf32>,
    tpu.vector_store %arg6[%swap3A_912], %exp3A_911 {strides = array<i32>} : memref<1024xf32, #tpu.memory_space<vmem>>, vector<16xf32>,
    %add3A_914 = arith.addf %add3A_905, %exp3A_911 : vector<16xf32>
    %mul3A_915 = arith.mulf %exp3A_911, %exp3A_911 : vector<16xf32>
    %add3A_916 = arith.addf %add3A_907, %mul3A_915 : vector<16xf32>
    %get3A_917 = arith.constant 656 : index
    %get3A_918 = tpu.vector_load %arg6[%get3A_917] {strides = array<i32>} : memref<1024xf32, #tpu.memory_space<vmem>>, vector<16xf32>,
    %sub3A_919 = arith.subf %get3A_918, %max3A_831 : vector<16xf32>
    %exp3A_920 = math.exp %sub3A_919 : vector<16xf32>
    %swap3A_921 = arith.constant 656 : index
    %swap3A_922 = tpu.vector_load %arg6[%swap3A_921] {strides = array<i32>} : memref<1024xf32, #tpu.memory_space<vmem>>, vector<16xf32>,
    tpu.vector_store %arg6[%swap3A_921], %exp3A_920 {strides = array<i32>} : memref<1024xf32, #tpu.memory_space<vmem>>, vector<16xf32>,
    %add3A_923 = arith.addf %add3A_914, %exp3A_920 : vector<16xf32>
    %mul3A_924 = arith.mulf %exp3A_920, %exp3A_920 : vector<16xf32>
    %add3A_925 = arith.addf %add3A_916, %mul3A_924 : vector<16xf32>
    %get3A_926 = arith.constant 672 : index
    %get3A_927 = tpu.vector_load %arg6[%get3A_926] {strides = array<i32>} : memref<1024xf32, #tpu.memory_space<vmem>>, vector<16xf32>,
    %sub3A_928 = arith.subf %get3A_927, %max3A_831 : vector<16xf32>
    %exp3A_929 = math.exp %sub3A_928 : vector<16xf32>
    %swap3A_930 = arith.constant 672 : index
    %swap3A_931 = tpu.vector_load %arg6[%swap3A_930] {strides = array<i32>} : memref<1024xf32, #tpu.memory_space<vmem>>, vector<16xf32>,
    tpu.vector_store %arg6[%swap3A_930], %exp3A_929 {strides = array<i32>} : memref<1024xf32, #tpu.memory_space<vmem>>, vector<16xf32>,
    %add3A_932 = arith.addf %add3A_923, %exp3A_929 : vector<16xf32>
    %mul3A_933 = arith.mulf %exp3A_929, %exp3A_929 : vector<16xf32>
    %add3A_934 = arith.addf %add3A_925, %mul3A_933 : vector<16xf32>
    %get3A_935 = arith.constant 688 : index
    %get3A_936 = tpu.vector_load %arg6[%get3A_935] {strides = array<i32>} : memref<1024xf32, #tpu.memory_space<vmem>>, vector<16xf32>,
    %sub3A_937 = arith.subf %get3A_936, %max3A_831 : vector<16xf32>
    %exp3A_938 = math.exp %sub3A_937 : vector<16xf32>
    %swap3A_939 = arith.constant 688 : index
    %swap3A_940 = tpu.vector_load %arg6[%swap3A_939] {strides = array<i32>} : memref<1024xf32, #tpu.memory_space<vmem>>, vector<16xf32>,
    tpu.vector_store %arg6[%swap3A_939], %exp3A_938 {strides = array<i32>} : memref<1024xf32, #tpu.memory_space<vmem>>, vector<16xf32>,
    %add3A_941 = arith.addf %add3A_932, %exp3A_938 : vector<16xf32>
    %mul3A_942 = arith.mulf %exp3A_938, %exp3A_938 : vector<16xf32>
    %add3A_943 = arith.addf %add3A_934, %mul3A_942 : vector<16xf32>
    %get3A_944 = arith.constant 704 : index
    %get3A_945 = tpu.vector_load %arg6[%get3A_944] {strides = array<i32>} : memref<1024xf32, #tpu.memory_space<vmem>>, vector<16xf32>,
    %sub3A_946 = arith.subf %get3A_945, %max3A_831 : vector<16xf32>
    %exp3A_947 = math.exp %sub3A_946 : vector<16xf32>
    %swap3A_948 = arith.constant 704 : index
    %swap3A_949 = tpu.vector_load %arg6[%swap3A_948] {strides = array<i32>} : memref<1024xf32, #tpu.memory_space<vmem>>, vector<16xf32>,
    tpu.vector_store %arg6[%swap3A_948], %exp3A_947 {strides = array<i32>} : memref<1024xf32, #tpu.memory_space<vmem>>, vector<16xf32>,
    %add3A_950 = arith.addf %add3A_941, %exp3A_947 : vector<16xf32>
    %mul3A_951 = arith.mulf %exp3A_947, %exp3A_947 : vector<16xf32>
    %add3A_952 = arith.addf %add3A_943, %mul3A_951 : vector<16xf32>
    %get3A_953 = arith.constant 720 : index
    %get3A_954 = tpu.vector_load %arg6[%get3A_953] {strides = array<i32>} : memref<1024xf32, #tpu.memory_space<vmem>>, vector<16xf32>,
    %sub3A_955 = arith.subf %get3A_954, %max3A_831 : vector<16xf32>
    %exp3A_956 = math.exp %sub3A_955 : vector<16xf32>
    %swap3A_957 = arith.constant 720 : index
    %swap3A_958 = tpu.vector_load %arg6[%swap3A_957] {strides = array<i32>} : memref<1024xf32, #tpu.memory_space<vmem>>, vector<16xf32>,
    tpu.vector_store %arg6[%swap3A_957], %exp3A_956 {strides = array<i32>} : memref<1024xf32, #tpu.memory_space<vmem>>, vector<16xf32>,
    %add3A_959 = arith.addf %add3A_950, %exp3A_956 : vector<16xf32>
    %mul3A_960 = arith.mulf %exp3A_956, %exp3A_956 : vector<16xf32>
    %add3A_961 = arith.addf %add3A_952, %mul3A_960 : vector<16xf32>
    %get3A_962 = arith.constant 736 : index
    %get3A_963 = tpu.vector_load %arg6[%get3A_962] {strides = array<i32>} : memref<1024xf32, #tpu.memory_space<vmem>>, vector<16xf32>,
    %sub3A_964 = arith.subf %get3A_963, %max3A_831 : vector<16xf32>
    %exp3A_965 = math.exp %sub3A_964 : vector<16xf32>
    %swap3A_966 = arith.constant 736 : index
    %swap3A_967 = tpu.vector_load %arg6[%swap3A_966] {strides = array<i32>} : memref<1024xf32, #tpu.memory_space<vmem>>, vector<16xf32>,
    tpu.vector_store %arg6[%swap3A_966], %exp3A_965 {strides = array<i32>} : memref<1024xf32, #tpu.memory_space<vmem>>, vector<16xf32>,
    %add3A_968 = arith.addf %add3A_959, %exp3A_965 : vector<16xf32>
    %mul3A_969 = arith.mulf %exp3A_965, %exp3A_965 : vector<16xf32>
    %add3A_970 = arith.addf %add3A_961, %mul3A_969 : vector<16xf32>
    %get3A_971 = arith.constant 752 : index
    %get3A_972 = tpu.vector_load %arg6[%get3A_971] {strides = array<i32>} : memref<1024xf32, #tpu.memory_space<vmem>>, vector<16xf32>,
    %sub3A_973 = arith.subf %get3A_972, %max3A_831 : vector<16xf32>
    %exp3A_974 = math.exp %sub3A_973 : vector<16xf32>
    %swap3A_975 = arith.constant 752 : index
    %swap3A_976 = tpu.vector_load %arg6[%swap3A_975] {strides = array<i32>} : memref<1024xf32, #tpu.memory_space<vmem>>, vector<16xf32>,
    tpu.vector_store %arg6[%swap3A_975], %exp3A_974 {strides = array<i32>} : memref<1024xf32, #tpu.memory_space<vmem>>, vector<16xf32>,
    %add3A_977 = arith.addf %add3A_968, %exp3A_974 : vector<16xf32>
    %mul3A_978 = arith.mulf %exp3A_974, %exp3A_974 : vector<16xf32>
    %add3A_979 = arith.addf %add3A_970, %mul3A_978 : vector<16xf32>
    %iota3A_980 = tpu.iota {dimensions = array<i32: 0>} : vector<16xi32>
    %xor3A_981 = arith.constant 8 : i32
    %xor3A_982 = vector.broadcast %xor3A_981 : i32 to vector<16xi32>
    %xor3A_983 = arith.xori %iota3A_980, %xor3A_982 : vector<16xi32>
    %broadcast_in_dim3A_984 = vector.shape_cast %xor3A_983 : vector<16xi32> to vector<16x1xi32>
    %gather3A_985 = vector.shape_cast %broadcast_in_dim3A_984 : vector<16x1xi32> to vector<16xi32>
    %gather3A_986 = tpu.dynamic_gather %add3A_977[%gather3A_985] in [0] : vector<16xf32>, vector<16xi32> -> vector<16xf32>
    %add3A_987 = arith.addf %add3A_977, %gather3A_986 : vector<16xf32>
    %iota3A_988 = tpu.iota {dimensions = array<i32: 0>} : vector<16xi32>
    %xor3A_989 = arith.constant 4 : i32
    %xor3A_990 = vector.broadcast %xor3A_989 : i32 to vector<16xi32>
    %xor3A_991 = arith.xori %iota3A_988, %xor3A_990 : vector<16xi32>
    %broadcast_in_dim3A_992 = vector.shape_cast %xor3A_991 : vector<16xi32> to vector<16x1xi32>
    %gather3A_993 = vector.shape_cast %broadcast_in_dim3A_992 : vector<16x1xi32> to vector<16xi32>
    %gather3A_994 = tpu.dynamic_gather %add3A_987[%gather3A_993] in [0] : vector<16xf32>, vector<16xi32> -> vector<16xf32>
    %add3A_995 = arith.addf %add3A_987, %gather3A_994 : vector<16xf32>
    %iota3A_996 = tpu.iota {dimensions = array<i32: 0>} : vector<16xi32>
    %xor3A_997 = arith.constant 2 : i32
    %xor3A_998 = vector.broadcast %xor3A_997 : i32 to vector<16xi32>
    %xor3A_999 = arith.xori %iota3A_996, %xor3A_998 : vector<16xi32>
    %broadcast_in_dim3A_1000 = vector.shape_cast %xor3A_999 : vector<16xi32> to vector<16x1xi32>
    %gather3A_1001 = vector.shape_cast %broadcast_in_dim3A_1000 : vector<16x1xi32> to vector<16xi32>
    %gather3A_1002 = tpu.dynamic_gather %add3A_995[%gather3A_1001] in [0] : vector<16xf32>, vector<16xi32> -> vector<16xf32>
    %add3A_1003 = arith.addf %add3A_995, %gather3A_1002 : vector<16xf32>
    %iota3A_1004 = tpu.iota {dimensions = array<i32: 0>} : vector<16xi32>
    %xor3A_1005 = arith.constant 1 : i32
    %xor3A_1006 = vector.broadcast %xor3A_1005 : i32 to vector<16xi32>
    %xor3A_1007 = arith.xori %iota3A_1004, %xor3A_1006 : vector<16xi32>
    %broadcast_in_dim3A_1008 = vector.shape_cast %xor3A_1007 : vector<16xi32> to vector<16x1xi32>
    %gather3A_1009 = vector.shape_cast %broadcast_in_dim3A_1008 : vector<16x1xi32> to vector<16xi32>
    %gather3A_1010 = tpu.dynamic_gather %add3A_1003[%gather3A_1009] in [0] : vector<16xf32>, vector<16xi32> -> vector<16xf32>
    %add3A_1011 = arith.addf %add3A_1003, %gather3A_1010 : vector<16xf32>
    %div3A_1012 = arith.constant 1.000000e+00 : f32
    %div3A_1013 = vector.broadcast %div3A_1012 : f32 to vector<16xf32>
    %div3A_1014 = arith.divf %div3A_1013, %add3A_1011 : vector<16xf32>
    %get3A_1015 = arith.constant 512 : index
    %get3A_1016 = tpu.vector_load %arg6[%get3A_1015] {strides = array<i32>} : memref<1024xf32, #tpu.memory_space<vmem>>, vector<16xf32>,
    %mul3A_1017 = arith.mulf %get3A_1016, %div3A_1014 : vector<16xf32>
    %swap3A_1018 = arith.constant 512 : index
    %swap3A_1019 = tpu.vector_load %arg6[%swap3A_1018] {strides = array<i32>} : memref<1024xf32, #tpu.memory_space<vmem>>, vector<16xf32>,
    tpu.vector_store %arg6[%swap3A_1018], %mul3A_1017 {strides = array<i32>} : memref<1024xf32, #tpu.memory_space<vmem>>, vector<16xf32>,
    %get3A_1020 = arith.constant 528 : index
    %get3A_1021 = tpu.vector_load %arg6[%get3A_1020] {strides = array<i32>} : memref<1024xf32, #tpu.memory_space<vmem>>, vector<16xf32>,
    %mul3A_1022 = arith.mulf %get3A_1021, %div3A_1014 : vector<16xf32>
    %swap3A_1023 = arith.constant 528 : index
    %swap3A_1024 = tpu.vector_load %arg6[%swap3A_1023] {strides = array<i32>} : memref<1024xf32, #tpu.memory_space<vmem>>, vector<16xf32>,
    tpu.vector_store %arg6[%swap3A_1023], %mul3A_1022 {strides = array<i32>} : memref<1024xf32, #tpu.memory_space<vmem>>, vector<16xf32>,
    %get3A_1025 = arith.constant 544 : index
    %get3A_1026 = tpu.vector_load %arg6[%get3A_1025] {strides = array<i32>} : memref<1024xf32, #tpu.memory_space<vmem>>, vector<16xf32>,
    %mul3A_1027 = arith.mulf %get3A_1026, %div3A_1014 : vector<16xf32>
    %swap3A_1028 = arith.constant 544 : index
    %swap3A_1029 = tpu.vector_load %arg6[%swap3A_1028] {strides = array<i32>} : memref<1024xf32, #tpu.memory_space<vmem>>, vector<16xf32>,
    tpu.vector_store %arg6[%swap3A_1028], %mul3A_1027 {strides = array<i32>} : memref<1024xf32, #tpu.memory_space<vmem>>, vector<16xf32>,
    %get3A_1030 = arith.constant 560 : index
    %get3A_1031 = tpu.vector_load %arg6[%get3A_1030] {strides = array<i32>} : memref<1024xf32, #tpu.memory_space<vmem>>, vector<16xf32>,
    %mul3A_1032 = arith.mulf %get3A_1031, %div3A_1014 : vector<16xf32>
    %swap3A_1033 = arith.constant 560 : index
    %swap3A_1034 = tpu.vector_load %arg6[%swap3A_1033] {strides = array<i32>} : memref<1024xf32, #tpu.memory_space<vmem>>, vector<16xf32>,
    tpu.vector_store %arg6[%swap3A_1033], %mul3A_1032 {strides = array<i32>} : memref<1024xf32, #tpu.memory_space<vmem>>, vector<16xf32>,
    %get3A_1035 = arith.constant 576 : index
    %get3A_1036 = tpu.vector_load %arg6[%get3A_1035] {strides = array<i32>} : memref<1024xf32, #tpu.memory_space<vmem>>, vector<16xf32>,
    %mul3A_1037 = arith.mulf %get3A_1036, %div3A_1014 : vector<16xf32>
    %swap3A_1038 = arith.constant 576 : index
    %swap3A_1039 = tpu.vector_load %arg6[%swap3A_1038] {strides = array<i32>} : memref<1024xf32, #tpu.memory_space<vmem>>, vector<16xf32>,
    tpu.vector_store %arg6[%swap3A_1038], %mul3A_1037 {strides = array<i32>} : memref<1024xf32, #tpu.memory_space<vmem>>, vector<16xf32>,
    %get3A_1040 = arith.constant 592 : index
    %get3A_1041 = tpu.vector_load %arg6[%get3A_1040] {strides = array<i32>} : memref<1024xf32, #tpu.memory_space<vmem>>, vector<16xf32>,
    %mul3A_1042 = arith.mulf %get3A_1041, %div3A_1014 : vector<16xf32>
    %swap3A_1043 = arith.constant 592 : index
    %swap3A_1044 = tpu.vector_load %arg6[%swap3A_1043] {strides = array<i32>} : memref<1024xf32, #tpu.memory_space<vmem>>, vector<16xf32>,
    tpu.vector_store %arg6[%swap3A_1043], %mul3A_1042 {strides = array<i32>} : memref<1024xf32, #tpu.memory_space<vmem>>, vector<16xf32>,
    %get3A_1045 = arith.constant 608 : index
    %get3A_1046 = tpu.vector_load %arg6[%get3A_1045] {strides = array<i32>} : memref<1024xf32, #tpu.memory_space<vmem>>, vector<16xf32>,
    %mul3A_1047 = arith.mulf %get3A_1046, %div3A_1014 : vector<16xf32>
    %swap3A_1048 = arith.constant 608 : index
    %swap3A_1049 = tpu.vector_load %arg6[%swap3A_1048] {strides = array<i32>} : memref<1024xf32, #tpu.memory_space<vmem>>, vector<16xf32>,
    tpu.vector_store %arg6[%swap3A_1048], %mul3A_1047 {strides = array<i32>} : memref<1024xf32, #tpu.memory_space<vmem>>, vector<16xf32>,
    %get3A_1050 = arith.constant 624 : index
    %get3A_1051 = tpu.vector_load %arg6[%get3A_1050] {strides = array<i32>} : memref<1024xf32, #tpu.memory_space<vmem>>, vector<16xf32>,
    %mul3A_1052 = arith.mulf %get3A_1051, %div3A_1014 : vector<16xf32>
    %swap3A_1053 = arith.constant 624 : index
    %swap3A_1054 = tpu.vector_load %arg6[%swap3A_1053] {strides = array<i32>} : memref<1024xf32, #tpu.memory_space<vmem>>, vector<16xf32>,
    tpu.vector_store %arg6[%swap3A_1053], %mul3A_1052 {strides = array<i32>} : memref<1024xf32, #tpu.memory_space<vmem>>, vector<16xf32>,
    %get3A_1055 = arith.constant 640 : index
    %get3A_1056 = tpu.vector_load %arg6[%get3A_1055] {strides = array<i32>} : memref<1024xf32, #tpu.memory_space<vmem>>, vector<16xf32>,
    %mul3A_1057 = arith.mulf %get3A_1056, %div3A_1014 : vector<16xf32>
    %swap3A_1058 = arith.constant 640 : index
    %swap3A_1059 = tpu.vector_load %arg6[%swap3A_1058] {strides = array<i32>} : memref<1024xf32, #tpu.memory_space<vmem>>, vector<16xf32>,
    tpu.vector_store %arg6[%swap3A_1058], %mul3A_1057 {strides = array<i32>} : memref<1024xf32, #tpu.memory_space<vmem>>, vector<16xf32>,
    %get3A_1060 = arith.constant 656 : index
    %get3A_1061 = tpu.vector_load %arg6[%get3A_1060] {strides = array<i32>} : memref<1024xf32, #tpu.memory_space<vmem>>, vector<16xf32>,
    %mul3A_1062 = arith.mulf %get3A_1061, %div3A_1014 : vector<16xf32>
    %swap3A_1063 = arith.constant 656 : index
    %swap3A_1064 = tpu.vector_load %arg6[%swap3A_1063] {strides = array<i32>} : memref<1024xf32, #tpu.memory_space<vmem>>, vector<16xf32>,
    tpu.vector_store %arg6[%swap3A_1063], %mul3A_1062 {strides = array<i32>} : memref<1024xf32, #tpu.memory_space<vmem>>, vector<16xf32>,
    %get3A_1065 = arith.constant 672 : index
    %get3A_1066 = tpu.vector_load %arg6[%get3A_1065] {strides = array<i32>} : memref<1024xf32, #tpu.memory_space<vmem>>, vector<16xf32>,
    %mul3A_1067 = arith.mulf %get3A_1066, %div3A_1014 : vector<16xf32>
    %swap3A_1068 = arith.constant 672 : index
    %swap3A_1069 = tpu.vector_load %arg6[%swap3A_1068] {strides = array<i32>} : memref<1024xf32, #tpu.memory_space<vmem>>, vector<16xf32>,
    tpu.vector_store %arg6[%swap3A_1068], %mul3A_1067 {strides = array<i32>} : memref<1024xf32, #tpu.memory_space<vmem>>, vector<16xf32>,
    %get3A_1070 = arith.constant 688 : index
    %get3A_1071 = tpu.vector_load %arg6[%get3A_1070] {strides = array<i32>} : memref<1024xf32, #tpu.memory_space<vmem>>, vector<16xf32>,
    %mul3A_1072 = arith.mulf %get3A_1071, %div3A_1014 : vector<16xf32>
    %swap3A_1073 = arith.constant 688 : index
    %swap3A_1074 = tpu.vector_load %arg6[%swap3A_1073] {strides = array<i32>} : memref<1024xf32, #tpu.memory_space<vmem>>, vector<16xf32>,
    tpu.vector_store %arg6[%swap3A_1073], %mul3A_1072 {strides = array<i32>} : memref<1024xf32, #tpu.memory_space<vmem>>, vector<16xf32>,
    %get3A_1075 = arith.constant 704 : index
    %get3A_1076 = tpu.vector_load %arg6[%get3A_1075] {strides = array<i32>} : memref<1024xf32, #tpu.memory_space<vmem>>, vector<16xf32>,
    %mul3A_1077 = arith.mulf %get3A_1076, %div3A_1014 : vector<16xf32>
    %swap3A_1078 = arith.constant 704 : index
    %swap3A_1079 = tpu.vector_load %arg6[%swap3A_1078] {strides = array<i32>} : memref<1024xf32, #tpu.memory_space<vmem>>, vector<16xf32>,
    tpu.vector_store %arg6[%swap3A_1078], %mul3A_1077 {strides = array<i32>} : memref<1024xf32, #tpu.memory_space<vmem>>, vector<16xf32>,
    %get3A_1080 = arith.constant 720 : index
    %get3A_1081 = tpu.vector_load %arg6[%get3A_1080] {strides = array<i32>} : memref<1024xf32, #tpu.memory_space<vmem>>, vector<16xf32>,
    %mul3A_1082 = arith.mulf %get3A_1081, %div3A_1014 : vector<16xf32>
    %swap3A_1083 = arith.constant 720 : index
    %swap3A_1084 = tpu.vector_load %arg6[%swap3A_1083] {strides = array<i32>} : memref<1024xf32, #tpu.memory_space<vmem>>, vector<16xf32>,
    tpu.vector_store %arg6[%swap3A_1083], %mul3A_1082 {strides = array<i32>} : memref<1024xf32, #tpu.memory_space<vmem>>, vector<16xf32>,
    %get3A_1085 = arith.constant 736 : index
    %get3A_1086 = tpu.vector_load %arg6[%get3A_1085] {strides = array<i32>} : memref<1024xf32, #tpu.memory_space<vmem>>, vector<16xf32>,
    %mul3A_1087 = arith.mulf %get3A_1086, %div3A_1014 : vector<16xf32>
    %swap3A_1088 = arith.constant 736 : index
    %swap3A_1089 = tpu.vector_load %arg6[%swap3A_1088] {strides = array<i32>} : memref<1024xf32, #tpu.memory_space<vmem>>, vector<16xf32>,
    tpu.vector_store %arg6[%swap3A_1088], %mul3A_1087 {strides = array<i32>} : memref<1024xf32, #tpu.memory_space<vmem>>, vector<16xf32>,
    %get3A_1090 = arith.constant 752 : index
    %get3A_1091 = tpu.vector_load %arg6[%get3A_1090] {strides = array<i32>} : memref<1024xf32, #tpu.memory_space<vmem>>, vector<16xf32>,
    %mul3A_1092 = arith.mulf %get3A_1091, %div3A_1014 : vector<16xf32>
    %swap3A_1093 = arith.constant 752 : index
    %swap3A_1094 = tpu.vector_load %arg6[%swap3A_1093] {strides = array<i32>} : memref<1024xf32, #tpu.memory_space<vmem>>, vector<16xf32>,
    tpu.vector_store %arg6[%swap3A_1093], %mul3A_1092 {strides = array<i32>} : memref<1024xf32, #tpu.memory_space<vmem>>, vector<16xf32>,
    %iota3A_1095 = tpu.iota {dimensions = array<i32: 0>} : vector<16xi32>
    %xor3A_1096 = arith.constant 8 : i32
    %xor3A_1097 = vector.broadcast %xor3A_1096 : i32 to vector<16xi32>
    %xor3A_1098 = arith.xori %iota3A_1095, %xor3A_1097 : vector<16xi32>
    %broadcast_in_dim3A_1099 = vector.shape_cast %xor3A_1098 : vector<16xi32> to vector<16x1xi32>
    %gather3A_1100 = vector.shape_cast %broadcast_in_dim3A_1099 : vector<16x1xi32> to vector<16xi32>
    %gather3A_1101 = tpu.dynamic_gather %add3A_979[%gather3A_1100] in [0] : vector<16xf32>, vector<16xi32> -> vector<16xf32>
    %add3A_1102 = arith.addf %add3A_979, %gather3A_1101 : vector<16xf32>
    %iota3A_1103 = tpu.iota {dimensions = array<i32: 0>} : vector<16xi32>
    %xor3A_1104 = arith.constant 4 : i32
    %xor3A_1105 = vector.broadcast %xor3A_1104 : i32 to vector<16xi32>
    %xor3A_1106 = arith.xori %iota3A_1103, %xor3A_1105 : vector<16xi32>
    %broadcast_in_dim3A_1107 = vector.shape_cast %xor3A_1106 : vector<16xi32> to vector<16x1xi32>
    %gather3A_1108 = vector.shape_cast %broadcast_in_dim3A_1107 : vector<16x1xi32> to vector<16xi32>
    %gather3A_1109 = tpu.dynamic_gather %add3A_1102[%gather3A_1108] in [0] : vector<16xf32>, vector<16xi32> -> vector<16xf32>
    %add3A_1110 = arith.addf %add3A_1102, %gather3A_1109 : vector<16xf32>
    %iota3A_1111 = tpu.iota {dimensions = array<i32: 0>} : vector<16xi32>
    %xor3A_1112 = arith.constant 2 : i32
    %xor3A_1113 = vector.broadcast %xor3A_1112 : i32 to vector<16xi32>
    %xor3A_1114 = arith.xori %iota3A_1111, %xor3A_1113 : vector<16xi32>
    %broadcast_in_dim3A_1115 = vector.shape_cast %xor3A_1114 : vector<16xi32> to vector<16x1xi32>
    %gather3A_1116 = vector.shape_cast %broadcast_in_dim3A_1115 : vector<16x1xi32> to vector<16xi32>
    %gather3A_1117 = tpu.dynamic_gather %add3A_1110[%gather3A_1116] in [0] : vector<16xf32>, vector<16xi32> -> vector<16xf32>
    %add3A_1118 = arith.addf %add3A_1110, %gather3A_1117 : vector<16xf32>
    %iota3A_1119 = tpu.iota {dimensions = array<i32: 0>} : vector<16xi32>
    %xor3A_1120 = arith.constant 1 : i32
    %xor3A_1121 = vector.broadcast %xor3A_1120 : i32 to vector<16xi32>
    %xor3A_1122 = arith.xori %iota3A_1119, %xor3A_1121 : vector<16xi32>
    %broadcast_in_dim3A_1123 = vector.shape_cast %xor3A_1122 : vector<16xi32> to vector<16x1xi32>
    %gather3A_1124 = vector.shape_cast %broadcast_in_dim3A_1123 : vector<16x1xi32> to vector<16xi32>
    %gather3A_1125 = tpu.dynamic_gather %add3A_1118[%gather3A_1124] in [0] : vector<16xf32>, vector<16xi32> -> vector<16xf32>
    %add3A_1126 = arith.addf %add3A_1118, %gather3A_1125 : vector<16xf32>
    %mul3A_1127 = arith.mulf %add3A_1126, %div3A_1014 : vector<16xf32>
    %mul3A_1128 = arith.mulf %mul3A_1127, %div3A_1014 : vector<16xf32>
    %add3A_1129 = arith.addf %add3A_752, %mul3A_1128 : vector<16xf32>
    %add3A_1130 = arith.constant 1.000000e+00 : f32
    %add3A_1131 = vector.broadcast %add3A_1130 : f32 to vector<16xf32>
    %add3A_1132 = arith.addf %add3A_1129, %add3A_1131 : vector<16xf32>
    %get3A_1133 = arith.constant 768 : index
    %get3A_1134 = tpu.vector_load %arg6[%get3A_1133] {strides = array<i32>} : memref<1024xf32, #tpu.memory_space<vmem>>, vector<16xf32>,
    %get3A_1135 = arith.constant 784 : index
    %get3A_1136 = tpu.vector_load %arg6[%get3A_1135] {strides = array<i32>} : memref<1024xf32, #tpu.memory_space<vmem>>, vector<16xf32>,
    %max3A_1137 = arith.maximumf %get3A_1134, %get3A_1136 : vector<16xf32>
    %get3A_1138 = arith.constant 800 : index
    %get3A_1139 = tpu.vector_load %arg6[%get3A_1138] {strides = array<i32>} : memref<1024xf32, #tpu.memory_space<vmem>>, vector<16xf32>,
    %max3A_1140 = arith.maximumf %max3A_1137, %get3A_1139 : vector<16xf32>
    %get3A_1141 = arith.constant 816 : index
    %get3A_1142 = tpu.vector_load %arg6[%get3A_1141] {strides = array<i32>} : memref<1024xf32, #tpu.memory_space<vmem>>, vector<16xf32>,
    %max3A_1143 = arith.maximumf %max3A_1140, %get3A_1142 : vector<16xf32>
    %get3A_1144 = arith.constant 832 : index
    %get3A_1145 = tpu.vector_load %arg6[%get3A_1144] {strides = array<i32>} : memref<1024xf32, #tpu.memory_space<vmem>>, vector<16xf32>,
    %max3A_1146 = arith.maximumf %max3A_1143, %get3A_1145 : vector<16xf32>
    %get3A_1147 = arith.constant 848 : index
    %get3A_1148 = tpu.vector_load %arg6[%get3A_1147] {strides = array<i32>} : memref<1024xf32, #tpu.memory_space<vmem>>, vector<16xf32>,
    %max3A_1149 = arith.maximumf %max3A_1146, %get3A_1148 : vector<16xf32>
    %get3A_1150 = arith.constant 864 : index
    %get3A_1151 = tpu.vector_load %arg6[%get3A_1150] {strides = array<i32>} : memref<1024xf32, #tpu.memory_space<vmem>>, vector<16xf32>,
    %max3A_1152 = arith.maximumf %max3A_1149, %get3A_1151 : vector<16xf32>
    %get3A_1153 = arith.constant 880 : index
    %get3A_1154 = tpu.vector_load %arg6[%get3A_1153] {strides = array<i32>} : memref<1024xf32, #tpu.memory_space<vmem>>, vector<16xf32>,
    %max3A_1155 = arith.maximumf %max3A_1152, %get3A_1154 : vector<16xf32>
    %get3A_1156 = arith.constant 896 : index
    %get3A_1157 = tpu.vector_load %arg6[%get3A_1156] {strides = array<i32>} : memref<1024xf32, #tpu.memory_space<vmem>>, vector<16xf32>,
    %max3A_1158 = arith.maximumf %max3A_1155, %get3A_1157 : vector<16xf32>
    %get3A_1159 = arith.constant 912 : index
    %get3A_1160 = tpu.vector_load %arg6[%get3A_1159] {strides = array<i32>} : memref<1024xf32, #tpu.memory_space<vmem>>, vector<16xf32>,
    %max3A_1161 = arith.maximumf %max3A_1158, %get3A_1160 : vector<16xf32>
    %get3A_1162 = arith.constant 928 : index
    %get3A_1163 = tpu.vector_load %arg6[%get3A_1162] {strides = array<i32>} : memref<1024xf32, #tpu.memory_space<vmem>>, vector<16xf32>,
    %max3A_1164 = arith.maximumf %max3A_1161, %get3A_1163 : vector<16xf32>
    %get3A_1165 = arith.constant 944 : index
    %get3A_1166 = tpu.vector_load %arg6[%get3A_1165] {strides = array<i32>} : memref<1024xf32, #tpu.memory_space<vmem>>, vector<16xf32>,
    %max3A_1167 = arith.maximumf %max3A_1164, %get3A_1166 : vector<16xf32>
    %get3A_1168 = arith.constant 960 : index
    %get3A_1169 = tpu.vector_load %arg6[%get3A_1168] {strides = array<i32>} : memref<1024xf32, #tpu.memory_space<vmem>>, vector<16xf32>,
    %max3A_1170 = arith.maximumf %max3A_1167, %get3A_1169 : vector<16xf32>
    %get3A_1171 = arith.constant 976 : index
    %get3A_1172 = tpu.vector_load %arg6[%get3A_1171] {strides = array<i32>} : memref<1024xf32, #tpu.memory_space<vmem>>, vector<16xf32>,
    %max3A_1173 = arith.maximumf %max3A_1170, %get3A_1172 : vector<16xf32>
    %get3A_1174 = arith.constant 992 : index
    %get3A_1175 = tpu.vector_load %arg6[%get3A_1174] {strides = array<i32>} : memref<1024xf32, #tpu.memory_space<vmem>>, vector<16xf32>,
    %max3A_1176 = arith.maximumf %max3A_1173, %get3A_1175 : vector<16xf32>
    %get3A_1177 = arith.constant 1008 : index
    %get3A_1178 = tpu.vector_load %arg6[%get3A_1177] {strides = array<i32>} : memref<1024xf32, #tpu.memory_space<vmem>>, vector<16xf32>,
    %max3A_1179 = arith.maximumf %max3A_1176, %get3A_1178 : vector<16xf32>
    %iota3A_1180 = tpu.iota {dimensions = array<i32: 0>} : vector<16xi32>
    %xor3A_1181 = arith.constant 8 : i32
    %xor3A_1182 = vector.broadcast %xor3A_1181 : i32 to vector<16xi32>
    %xor3A_1183 = arith.xori %iota3A_1180, %xor3A_1182 : vector<16xi32>
    %broadcast_in_dim3A_1184 = vector.shape_cast %xor3A_1183 : vector<16xi32> to vector<16x1xi32>
    %gather3A_1185 = vector.shape_cast %broadcast_in_dim3A_1184 : vector<16x1xi32> to vector<16xi32>
    %gather3A_1186 = tpu.dynamic_gather %max3A_1179[%gather3A_1185] in [0] : vector<16xf32>, vector<16xi32> -> vector<16xf32>
    %max3A_1187 = arith.maximumf %max3A_1179, %gather3A_1186 : vector<16xf32>
    %iota3A_1188 = tpu.iota {dimensions = array<i32: 0>} : vector<16xi32>
    %xor3A_1189 = arith.constant 4 : i32
    %xor3A_1190 = vector.broadcast %xor3A_1189 : i32 to vector<16xi32>
    %xor3A_1191 = arith.xori %iota3A_1188, %xor3A_1190 : vector<16xi32>
    %broadcast_in_dim3A_1192 = vector.shape_cast %xor3A_1191 : vector<16xi32> to vector<16x1xi32>
    %gather3A_1193 = vector.shape_cast %broadcast_in_dim3A_1192 : vector<16x1xi32> to vector<16xi32>
    %gather3A_1194 = tpu.dynamic_gather %max3A_1187[%gather3A_1193] in [0] : vector<16xf32>, vector<16xi32> -> vector<16xf32>
    %max3A_1195 = arith.maximumf %max3A_1187, %gather3A_1194 : vector<16xf32>
    %iota3A_1196 = tpu.iota {dimensions = array<i32: 0>} : vector<16xi32>
    %xor3A_1197 = arith.constant 2 : i32
    %xor3A_1198 = vector.broadcast %xor3A_1197 : i32 to vector<16xi32>
    %xor3A_1199 = arith.xori %iota3A_1196, %xor3A_1198 : vector<16xi32>
    %broadcast_in_dim3A_1200 = vector.shape_cast %xor3A_1199 : vector<16xi32> to vector<16x1xi32>
    %gather3A_1201 = vector.shape_cast %broadcast_in_dim3A_1200 : vector<16x1xi32> to vector<16xi32>
    %gather3A_1202 = tpu.dynamic_gather %max3A_1195[%gather3A_1201] in [0] : vector<16xf32>, vector<16xi32> -> vector<16xf32>
    %max3A_1203 = arith.maximumf %max3A_1195, %gather3A_1202 : vector<16xf32>
    %iota3A_1204 = tpu.iota {dimensions = array<i32: 0>} : vector<16xi32>
    %xor3A_1205 = arith.constant 1 : i32
    %xor3A_1206 = vector.broadcast %xor3A_1205 : i32 to vector<16xi32>
    %xor3A_1207 = arith.xori %iota3A_1204, %xor3A_1206 : vector<16xi32>
    %broadcast_in_dim3A_1208 = vector.shape_cast %xor3A_1207 : vector<16xi32> to vector<16x1xi32>
    %gather3A_1209 = vector.shape_cast %broadcast_in_dim3A_1208 : vector<16x1xi32> to vector<16xi32>
    %gather3A_1210 = tpu.dynamic_gather %max3A_1203[%gather3A_1209] in [0] : vector<16xf32>, vector<16xi32> -> vector<16xf32>
    %max3A_1211 = arith.maximumf %max3A_1203, %gather3A_1210 : vector<16xf32>
    %broadcast_in_dim3A_1212 = arith.constant 0.000000e+00 : f32
    %broadcast_in_dim3A_1213 = vector.broadcast %broadcast_in_dim3A_1212 : f32 to vector<16xf32>
    %broadcast_in_dim3A_1214 = arith.constant 0.000000e+00 : f32
    %broadcast_in_dim3A_1215 = vector.broadcast %broadcast_in_dim3A_1214 : f32 to vector<16xf32>
    %get3A_1216 = arith.constant 768 : index
    %get3A_1217 = tpu.vector_load %arg6[%get3A_1216] {strides = array<i32>} : memref<1024xf32, #tpu.memory_space<vmem>>, vector<16xf32>,
    %sub3A_1218 = arith.subf %get3A_1217, %max3A_1211 : vector<16xf32>
    %exp3A_1219 = math.exp %sub3A_1218 : vector<16xf32>
    %swap3A_1220 = arith.constant 768 : index
    %swap3A_1221 = tpu.vector_load %arg6[%swap3A_1220] {strides = array<i32>} : memref<1024xf32, #tpu.memory_space<vmem>>, vector<16xf32>,
    tpu.vector_store %arg6[%swap3A_1220], %exp3A_1219 {strides = array<i32>} : memref<1024xf32, #tpu.memory_space<vmem>>, vector<16xf32>,
    %add3A_1222 = arith.addf %broadcast_in_dim3A_1213, %exp3A_1219 : vector<16xf32>
    %mul3A_1223 = arith.mulf %exp3A_1219, %exp3A_1219 : vector<16xf32>
    %add3A_1224 = arith.addf %broadcast_in_dim3A_1215, %mul3A_1223 : vector<16xf32>
    %get3A_1225 = arith.constant 784 : index
    %get3A_1226 = tpu.vector_load %arg6[%get3A_1225] {strides = array<i32>} : memref<1024xf32, #tpu.memory_space<vmem>>, vector<16xf32>,
    %sub3A_1227 = arith.subf %get3A_1226, %max3A_1211 : vector<16xf32>
    %exp3A_1228 = math.exp %sub3A_1227 : vector<16xf32>
    %swap3A_1229 = arith.constant 784 : index
    %swap3A_1230 = tpu.vector_load %arg6[%swap3A_1229] {strides = array<i32>} : memref<1024xf32, #tpu.memory_space<vmem>>, vector<16xf32>,
    tpu.vector_store %arg6[%swap3A_1229], %exp3A_1228 {strides = array<i32>} : memref<1024xf32, #tpu.memory_space<vmem>>, vector<16xf32>,
    %add3A_1231 = arith.addf %add3A_1222, %exp3A_1228 : vector<16xf32>
    %mul3A_1232 = arith.mulf %exp3A_1228, %exp3A_1228 : vector<16xf32>
    %add3A_1233 = arith.addf %add3A_1224, %mul3A_1232 : vector<16xf32>
    %get3A_1234 = arith.constant 800 : index
    %get3A_1235 = tpu.vector_load %arg6[%get3A_1234] {strides = array<i32>} : memref<1024xf32, #tpu.memory_space<vmem>>, vector<16xf32>,
    %sub3A_1236 = arith.subf %get3A_1235, %max3A_1211 : vector<16xf32>
    %exp3A_1237 = math.exp %sub3A_1236 : vector<16xf32>
    %swap3A_1238 = arith.constant 800 : index
    %swap3A_1239 = tpu.vector_load %arg6[%swap3A_1238] {strides = array<i32>} : memref<1024xf32, #tpu.memory_space<vmem>>, vector<16xf32>,
    tpu.vector_store %arg6[%swap3A_1238], %exp3A_1237 {strides = array<i32>} : memref<1024xf32, #tpu.memory_space<vmem>>, vector<16xf32>,
    %add3A_1240 = arith.addf %add3A_1231, %exp3A_1237 : vector<16xf32>
    %mul3A_1241 = arith.mulf %exp3A_1237, %exp3A_1237 : vector<16xf32>
    %add3A_1242 = arith.addf %add3A_1233, %mul3A_1241 : vector<16xf32>
    %get3A_1243 = arith.constant 816 : index
    %get3A_1244 = tpu.vector_load %arg6[%get3A_1243] {strides = array<i32>} : memref<1024xf32, #tpu.memory_space<vmem>>, vector<16xf32>,
    %sub3A_1245 = arith.subf %get3A_1244, %max3A_1211 : vector<16xf32>
    %exp3A_1246 = math.exp %sub3A_1245 : vector<16xf32>
    %swap3A_1247 = arith.constant 816 : index
    %swap3A_1248 = tpu.vector_load %arg6[%swap3A_1247] {strides = array<i32>} : memref<1024xf32, #tpu.memory_space<vmem>>, vector<16xf32>,
    tpu.vector_store %arg6[%swap3A_1247], %exp3A_1246 {strides = array<i32>} : memref<1024xf32, #tpu.memory_space<vmem>>, vector<16xf32>,
    %add3A_1249 = arith.addf %add3A_1240, %exp3A_1246 : vector<16xf32>
    %mul3A_1250 = arith.mulf %exp3A_1246, %exp3A_1246 : vector<16xf32>
    %add3A_1251 = arith.addf %add3A_1242, %mul3A_1250 : vector<16xf32>
    %get3A_1252 = arith.constant 832 : index
    %get3A_1253 = tpu.vector_load %arg6[%get3A_1252] {strides = array<i32>} : memref<1024xf32, #tpu.memory_space<vmem>>, vector<16xf32>,
    %sub3A_1254 = arith.subf %get3A_1253, %max3A_1211 : vector<16xf32>
    %exp3A_1255 = math.exp %sub3A_1254 : vector<16xf32>
    %swap3A_1256 = arith.constant 832 : index
    %swap3A_1257 = tpu.vector_load %arg6[%swap3A_1256] {strides = array<i32>} : memref<1024xf32, #tpu.memory_space<vmem>>, vector<16xf32>,
    tpu.vector_store %arg6[%swap3A_1256], %exp3A_1255 {strides = array<i32>} : memref<1024xf32, #tpu.memory_space<vmem>>, vector<16xf32>,
    %add3A_1258 = arith.addf %add3A_1249, %exp3A_1255 : vector<16xf32>
    %mul3A_1259 = arith.mulf %exp3A_1255, %exp3A_1255 : vector<16xf32>
    %add3A_1260 = arith.addf %add3A_1251, %mul3A_1259 : vector<16xf32>
    %get3A_1261 = arith.constant 848 : index
    %get3A_1262 = tpu.vector_load %arg6[%get3A_1261] {strides = array<i32>} : memref<1024xf32, #tpu.memory_space<vmem>>, vector<16xf32>,
    %sub3A_1263 = arith.subf %get3A_1262, %max3A_1211 : vector<16xf32>
    %exp3A_1264 = math.exp %sub3A_1263 : vector<16xf32>
    %swap3A_1265 = arith.constant 848 : index
    %swap3A_1266 = tpu.vector_load %arg6[%swap3A_1265] {strides = array<i32>} : memref<1024xf32, #tpu.memory_space<vmem>>, vector<16xf32>,
    tpu.vector_store %arg6[%swap3A_1265], %exp3A_1264 {strides = array<i32>} : memref<1024xf32, #tpu.memory_space<vmem>>, vector<16xf32>,
    %add3A_1267 = arith.addf %add3A_1258, %exp3A_1264 : vector<16xf32>
    %mul3A_1268 = arith.mulf %exp3A_1264, %exp3A_1264 : vector<16xf32>
    %add3A_1269 = arith.addf %add3A_1260, %mul3A_1268 : vector<16xf32>
    %get3A_1270 = arith.constant 864 : index
    %get3A_1271 = tpu.vector_load %arg6[%get3A_1270] {strides = array<i32>} : memref<1024xf32, #tpu.memory_space<vmem>>, vector<16xf32>,
    %sub3A_1272 = arith.subf %get3A_1271, %max3A_1211 : vector<16xf32>
    %exp3A_1273 = math.exp %sub3A_1272 : vector<16xf32>
    %swap3A_1274 = arith.constant 864 : index
    %swap3A_1275 = tpu.vector_load %arg6[%swap3A_1274] {strides = array<i32>} : memref<1024xf32, #tpu.memory_space<vmem>>, vector<16xf32>,
    tpu.vector_store %arg6[%swap3A_1274], %exp3A_1273 {strides = array<i32>} : memref<1024xf32, #tpu.memory_space<vmem>>, vector<16xf32>,
    %add3A_1276 = arith.addf %add3A_1267, %exp3A_1273 : vector<16xf32>
    %mul3A_1277 = arith.mulf %exp3A_1273, %exp3A_1273 : vector<16xf32>
    %add3A_1278 = arith.addf %add3A_1269, %mul3A_1277 : vector<16xf32>
    %get3A_1279 = arith.constant 880 : index
    %get3A_1280 = tpu.vector_load %arg6[%get3A_1279] {strides = array<i32>} : memref<1024xf32, #tpu.memory_space<vmem>>, vector<16xf32>,
    %sub3A_1281 = arith.subf %get3A_1280, %max3A_1211 : vector<16xf32>
    %exp3A_1282 = math.exp %sub3A_1281 : vector<16xf32>
    %swap3A_1283 = arith.constant 880 : index
    %swap3A_1284 = tpu.vector_load %arg6[%swap3A_1283] {strides = array<i32>} : memref<1024xf32, #tpu.memory_space<vmem>>, vector<16xf32>,
    tpu.vector_store %arg6[%swap3A_1283], %exp3A_1282 {strides = array<i32>} : memref<1024xf32, #tpu.memory_space<vmem>>, vector<16xf32>,
    %add3A_1285 = arith.addf %add3A_1276, %exp3A_1282 : vector<16xf32>
    %mul3A_1286 = arith.mulf %exp3A_1282, %exp3A_1282 : vector<16xf32>
    %add3A_1287 = arith.addf %add3A_1278, %mul3A_1286 : vector<16xf32>
    %get3A_1288 = arith.constant 896 : index
    %get3A_1289 = tpu.vector_load %arg6[%get3A_1288] {strides = array<i32>} : memref<1024xf32, #tpu.memory_space<vmem>>, vector<16xf32>,
    %sub3A_1290 = arith.subf %get3A_1289, %max3A_1211 : vector<16xf32>
    %exp3A_1291 = math.exp %sub3A_1290 : vector<16xf32>
    %swap3A_1292 = arith.constant 896 : index
    %swap3A_1293 = tpu.vector_load %arg6[%swap3A_1292] {strides = array<i32>} : memref<1024xf32, #tpu.memory_space<vmem>>, vector<16xf32>,
    tpu.vector_store %arg6[%swap3A_1292], %exp3A_1291 {strides = array<i32>} : memref<1024xf32, #tpu.memory_space<vmem>>, vector<16xf32>,
    %add3A_1294 = arith.addf %add3A_1285, %exp3A_1291 : vector<16xf32>
    %mul3A_1295 = arith.mulf %exp3A_1291, %exp3A_1291 : vector<16xf32>
    %add3A_1296 = arith.addf %add3A_1287, %mul3A_1295 : vector<16xf32>
    %get3A_1297 = arith.constant 912 : index
    %get3A_1298 = tpu.vector_load %arg6[%get3A_1297] {strides = array<i32>} : memref<1024xf32, #tpu.memory_space<vmem>>, vector<16xf32>,
    %sub3A_1299 = arith.subf %get3A_1298, %max3A_1211 : vector<16xf32>
    %exp3A_1300 = math.exp %sub3A_1299 : vector<16xf32>
    %swap3A_1301 = arith.constant 912 : index
    %swap3A_1302 = tpu.vector_load %arg6[%swap3A_1301] {strides = array<i32>} : memref<1024xf32, #tpu.memory_space<vmem>>, vector<16xf32>,
    tpu.vector_store %arg6[%swap3A_1301], %exp3A_1300 {strides = array<i32>} : memref<1024xf32, #tpu.memory_space<vmem>>, vector<16xf32>,
    %add3A_1303 = arith.addf %add3A_1294, %exp3A_1300 : vector<16xf32>
    %mul3A_1304 = arith.mulf %exp3A_1300, %exp3A_1300 : vector<16xf32>
    %add3A_1305 = arith.addf %add3A_1296, %mul3A_1304 : vector<16xf32>
    %get3A_1306 = arith.constant 928 : index
    %get3A_1307 = tpu.vector_load %arg6[%get3A_1306] {strides = array<i32>} : memref<1024xf32, #tpu.memory_space<vmem>>, vector<16xf32>,
    %sub3A_1308 = arith.subf %get3A_1307, %max3A_1211 : vector<16xf32>
    %exp3A_1309 = math.exp %sub3A_1308 : vector<16xf32>
    %swap3A_1310 = arith.constant 928 : index
    %swap3A_1311 = tpu.vector_load %arg6[%swap3A_1310] {strides = array<i32>} : memref<1024xf32, #tpu.memory_space<vmem>>, vector<16xf32>,
    tpu.vector_store %arg6[%swap3A_1310], %exp3A_1309 {strides = array<i32>} : memref<1024xf32, #tpu.memory_space<vmem>>, vector<16xf32>,
    %add3A_1312 = arith.addf %add3A_1303, %exp3A_1309 : vector<16xf32>
    %mul3A_1313 = arith.mulf %exp3A_1309, %exp3A_1309 : vector<16xf32>
    %add3A_1314 = arith.addf %add3A_1305, %mul3A_1313 : vector<16xf32>
    %get3A_1315 = arith.constant 944 : index
    %get3A_1316 = tpu.vector_load %arg6[%get3A_1315] {strides = array<i32>} : memref<1024xf32, #tpu.memory_space<vmem>>, vector<16xf32>,
    %sub3A_1317 = arith.subf %get3A_1316, %max3A_1211 : vector<16xf32>
    %exp3A_1318 = math.exp %sub3A_1317 : vector<16xf32>
    %swap3A_1319 = arith.constant 944 : index
    %swap3A_1320 = tpu.vector_load %arg6[%swap3A_1319] {strides = array<i32>} : memref<1024xf32, #tpu.memory_space<vmem>>, vector<16xf32>,
    tpu.vector_store %arg6[%swap3A_1319], %exp3A_1318 {strides = array<i32>} : memref<1024xf32, #tpu.memory_space<vmem>>, vector<16xf32>,
    %add3A_1321 = arith.addf %add3A_1312, %exp3A_1318 : vector<16xf32>
    %mul3A_1322 = arith.mulf %exp3A_1318, %exp3A_1318 : vector<16xf32>
    %add3A_1323 = arith.addf %add3A_1314, %mul3A_1322 : vector<16xf32>
    %get3A_1324 = arith.constant 960 : index
    %get3A_1325 = tpu.vector_load %arg6[%get3A_1324] {strides = array<i32>} : memref<1024xf32, #tpu.memory_space<vmem>>, vector<16xf32>,
    %sub3A_1326 = arith.subf %get3A_1325, %max3A_1211 : vector<16xf32>
    %exp3A_1327 = math.exp %sub3A_1326 : vector<16xf32>
    %swap3A_1328 = arith.constant 960 : index
    %swap3A_1329 = tpu.vector_load %arg6[%swap3A_1328] {strides = array<i32>} : memref<1024xf32, #tpu.memory_space<vmem>>, vector<16xf32>,
    tpu.vector_store %arg6[%swap3A_1328], %exp3A_1327 {strides = array<i32>} : memref<1024xf32, #tpu.memory_space<vmem>>, vector<16xf32>,
    %add3A_1330 = arith.addf %add3A_1321, %exp3A_1327 : vector<16xf32>
    %mul3A_1331 = arith.mulf %exp3A_1327, %exp3A_1327 : vector<16xf32>
    %add3A_1332 = arith.addf %add3A_1323, %mul3A_1331 : vector<16xf32>
    %get3A_1333 = arith.constant 976 : index
    %get3A_1334 = tpu.vector_load %arg6[%get3A_1333] {strides = array<i32>} : memref<1024xf32, #tpu.memory_space<vmem>>, vector<16xf32>,
    %sub3A_1335 = arith.subf %get3A_1334, %max3A_1211 : vector<16xf32>
    %exp3A_1336 = math.exp %sub3A_1335 : vector<16xf32>
    %swap3A_1337 = arith.constant 976 : index
    %swap3A_1338 = tpu.vector_load %arg6[%swap3A_1337] {strides = array<i32>} : memref<1024xf32, #tpu.memory_space<vmem>>, vector<16xf32>,
    tpu.vector_store %arg6[%swap3A_1337], %exp3A_1336 {strides = array<i32>} : memref<1024xf32, #tpu.memory_space<vmem>>, vector<16xf32>,
    %add3A_1339 = arith.addf %add3A_1330, %exp3A_1336 : vector<16xf32>
    %mul3A_1340 = arith.mulf %exp3A_1336, %exp3A_1336 : vector<16xf32>
    %add3A_1341 = arith.addf %add3A_1332, %mul3A_1340 : vector<16xf32>
    %get3A_1342 = arith.constant 992 : index
    %get3A_1343 = tpu.vector_load %arg6[%get3A_1342] {strides = array<i32>} : memref<1024xf32, #tpu.memory_space<vmem>>, vector<16xf32>,
    %sub3A_1344 = arith.subf %get3A_1343, %max3A_1211 : vector<16xf32>
    %exp3A_1345 = math.exp %sub3A_1344 : vector<16xf32>
    %swap3A_1346 = arith.constant 992 : index
    %swap3A_1347 = tpu.vector_load %arg6[%swap3A_1346] {strides = array<i32>} : memref<1024xf32, #tpu.memory_space<vmem>>, vector<16xf32>,
    tpu.vector_store %arg6[%swap3A_1346], %exp3A_1345 {strides = array<i32>} : memref<1024xf32, #tpu.memory_space<vmem>>, vector<16xf32>,
    %add3A_1348 = arith.addf %add3A_1339, %exp3A_1345 : vector<16xf32>
    %mul3A_1349 = arith.mulf %exp3A_1345, %exp3A_1345 : vector<16xf32>
    %add3A_1350 = arith.addf %add3A_1341, %mul3A_1349 : vector<16xf32>
    %get3A_1351 = arith.constant 1008 : index
    %get3A_1352 = tpu.vector_load %arg6[%get3A_1351] {strides = array<i32>} : memref<1024xf32, #tpu.memory_space<vmem>>, vector<16xf32>,
    %sub3A_1353 = arith.subf %get3A_1352, %max3A_1211 : vector<16xf32>
    %exp3A_1354 = math.exp %sub3A_1353 : vector<16xf32>
    %swap3A_1355 = arith.constant 1008 : index
    %swap3A_1356 = tpu.vector_load %arg6[%swap3A_1355] {strides = array<i32>} : memref<1024xf32, #tpu.memory_space<vmem>>, vector<16xf32>,
    tpu.vector_store %arg6[%swap3A_1355], %exp3A_1354 {strides = array<i32>} : memref<1024xf32, #tpu.memory_space<vmem>>, vector<16xf32>,
    %add3A_1357 = arith.addf %add3A_1348, %exp3A_1354 : vector<16xf32>
    %mul3A_1358 = arith.mulf %exp3A_1354, %exp3A_1354 : vector<16xf32>
    %add3A_1359 = arith.addf %add3A_1350, %mul3A_1358 : vector<16xf32>
    %iota3A_1360 = tpu.iota {dimensions = array<i32: 0>} : vector<16xi32>
    %xor3A_1361 = arith.constant 8 : i32
    %xor3A_1362 = vector.broadcast %xor3A_1361 : i32 to vector<16xi32>
    %xor3A_1363 = arith.xori %iota3A_1360, %xor3A_1362 : vector<16xi32>
    %broadcast_in_dim3A_1364 = vector.shape_cast %xor3A_1363 : vector<16xi32> to vector<16x1xi32>
    %gather3A_1365 = vector.shape_cast %broadcast_in_dim3A_1364 : vector<16x1xi32> to vector<16xi32>
    %gather3A_1366 = tpu.dynamic_gather %add3A_1357[%gather3A_1365] in [0] : vector<16xf32>, vector<16xi32> -> vector<16xf32>
    %add3A_1367 = arith.addf %add3A_1357, %gather3A_1366 : vector<16xf32>
    %iota3A_1368 = tpu.iota {dimensions = array<i32: 0>} : vector<16xi32>
    %xor3A_1369 = arith.constant 4 : i32
    %xor3A_1370 = vector.broadcast %xor3A_1369 : i32 to vector<16xi32>
    %xor3A_1371 = arith.xori %iota3A_1368, %xor3A_1370 : vector<16xi32>
    %broadcast_in_dim3A_1372 = vector.shape_cast %xor3A_1371 : vector<16xi32> to vector<16x1xi32>
    %gather3A_1373 = vector.shape_cast %broadcast_in_dim3A_1372 : vector<16x1xi32> to vector<16xi32>
    %gather3A_1374 = tpu.dynamic_gather %add3A_1367[%gather3A_1373] in [0] : vector<16xf32>, vector<16xi32> -> vector<16xf32>
    %add3A_1375 = arith.addf %add3A_1367, %gather3A_1374 : vector<16xf32>
    %iota3A_1376 = tpu.iota {dimensions = array<i32: 0>} : vector<16xi32>
    %xor3A_1377 = arith.constant 2 : i32
    %xor3A_1378 = vector.broadcast %xor3A_1377 : i32 to vector<16xi32>
    %xor3A_1379 = arith.xori %iota3A_1376, %xor3A_1378 : vector<16xi32>
    %broadcast_in_dim3A_1380 = vector.shape_cast %xor3A_1379 : vector<16xi32> to vector<16x1xi32>
    %gather3A_1381 = vector.shape_cast %broadcast_in_dim3A_1380 : vector<16x1xi32> to vector<16xi32>
    %gather3A_1382 = tpu.dynamic_gather %add3A_1375[%gather3A_1381] in [0] : vector<16xf32>, vector<16xi32> -> vector<16xf32>
    %add3A_1383 = arith.addf %add3A_1375, %gather3A_1382 : vector<16xf32>
    %iota3A_1384 = tpu.iota {dimensions = array<i32: 0>} : vector<16xi32>
    %xor3A_1385 = arith.constant 1 : i32
    %xor3A_1386 = vector.broadcast %xor3A_1385 : i32 to vector<16xi32>
    %xor3A_1387 = arith.xori %iota3A_1384, %xor3A_1386 : vector<16xi32>
    %broadcast_in_dim3A_1388 = vector.shape_cast %xor3A_1387 : vector<16xi32> to vector<16x1xi32>
    %gather3A_1389 = vector.shape_cast %broadcast_in_dim3A_1388 : vector<16x1xi32> to vector<16xi32>
    %gather3A_1390 = tpu.dynamic_gather %add3A_1383[%gather3A_1389] in [0] : vector<16xf32>, vector<16xi32> -> vector<16xf32>
    %add3A_1391 = arith.addf %add3A_1383, %gather3A_1390 : vector<16xf32>
    %div3A_1392 = arith.constant 1.000000e+00 : f32
    %div3A_1393 = vector.broadcast %div3A_1392 : f32 to vector<16xf32>
    %div3A_1394 = arith.divf %div3A_1393, %add3A_1391 : vector<16xf32>
    %get3A_1395 = arith.constant 768 : index
    %get3A_1396 = tpu.vector_load %arg6[%get3A_1395] {strides = array<i32>} : memref<1024xf32, #tpu.memory_space<vmem>>, vector<16xf32>,
    %mul3A_1397 = arith.mulf %get3A_1396, %div3A_1394 : vector<16xf32>
    %swap3A_1398 = arith.constant 768 : index
    %swap3A_1399 = tpu.vector_load %arg6[%swap3A_1398] {strides = array<i32>} : memref<1024xf32, #tpu.memory_space<vmem>>, vector<16xf32>,
    tpu.vector_store %arg6[%swap3A_1398], %mul3A_1397 {strides = array<i32>} : memref<1024xf32, #tpu.memory_space<vmem>>, vector<16xf32>,
    %get3A_1400 = arith.constant 784 : index
    %get3A_1401 = tpu.vector_load %arg6[%get3A_1400] {strides = array<i32>} : memref<1024xf32, #tpu.memory_space<vmem>>, vector<16xf32>,
    %mul3A_1402 = arith.mulf %get3A_1401, %div3A_1394 : vector<16xf32>
    %swap3A_1403 = arith.constant 784 : index
    %swap3A_1404 = tpu.vector_load %arg6[%swap3A_1403] {strides = array<i32>} : memref<1024xf32, #tpu.memory_space<vmem>>, vector<16xf32>,
    tpu.vector_store %arg6[%swap3A_1403], %mul3A_1402 {strides = array<i32>} : memref<1024xf32, #tpu.memory_space<vmem>>, vector<16xf32>,
    %get3A_1405 = arith.constant 800 : index
    %get3A_1406 = tpu.vector_load %arg6[%get3A_1405] {strides = array<i32>} : memref<1024xf32, #tpu.memory_space<vmem>>, vector<16xf32>,
    %mul3A_1407 = arith.mulf %get3A_1406, %div3A_1394 : vector<16xf32>
    %swap3A_1408 = arith.constant 800 : index
    %swap3A_1409 = tpu.vector_load %arg6[%swap3A_1408] {strides = array<i32>} : memref<1024xf32, #tpu.memory_space<vmem>>, vector<16xf32>,
    tpu.vector_store %arg6[%swap3A_1408], %mul3A_1407 {strides = array<i32>} : memref<1024xf32, #tpu.memory_space<vmem>>, vector<16xf32>,
    %get3A_1410 = arith.constant 816 : index
    %get3A_1411 = tpu.vector_load %arg6[%get3A_1410] {strides = array<i32>} : memref<1024xf32, #tpu.memory_space<vmem>>, vector<16xf32>,
    %mul3A_1412 = arith.mulf %get3A_1411, %div3A_1394 : vector<16xf32>
    %swap3A_1413 = arith.constant 816 : index
    %swap3A_1414 = tpu.vector_load %arg6[%swap3A_1413] {strides = array<i32>} : memref<1024xf32, #tpu.memory_space<vmem>>, vector<16xf32>,
    tpu.vector_store %arg6[%swap3A_1413], %mul3A_1412 {strides = array<i32>} : memref<1024xf32, #tpu.memory_space<vmem>>, vector<16xf32>,
    %get3A_1415 = arith.constant 832 : index
    %get3A_1416 = tpu.vector_load %arg6[%get3A_1415] {strides = array<i32>} : memref<1024xf32, #tpu.memory_space<vmem>>, vector<16xf32>,
    %mul3A_1417 = arith.mulf %get3A_1416, %div3A_1394 : vector<16xf32>
    %swap3A_1418 = arith.constant 832 : index
    %swap3A_1419 = tpu.vector_load %arg6[%swap3A_1418] {strides = array<i32>} : memref<1024xf32, #tpu.memory_space<vmem>>, vector<16xf32>,
    tpu.vector_store %arg6[%swap3A_1418], %mul3A_1417 {strides = array<i32>} : memref<1024xf32, #tpu.memory_space<vmem>>, vector<16xf32>,
    %get3A_1420 = arith.constant 848 : index
    %get3A_1421 = tpu.vector_load %arg6[%get3A_1420] {strides = array<i32>} : memref<1024xf32, #tpu.memory_space<vmem>>, vector<16xf32>,
    %mul3A_1422 = arith.mulf %get3A_1421, %div3A_1394 : vector<16xf32>
    %swap3A_1423 = arith.constant 848 : index
    %swap3A_1424 = tpu.vector_load %arg6[%swap3A_1423] {strides = array<i32>} : memref<1024xf32, #tpu.memory_space<vmem>>, vector<16xf32>,
    tpu.vector_store %arg6[%swap3A_1423], %mul3A_1422 {strides = array<i32>} : memref<1024xf32, #tpu.memory_space<vmem>>, vector<16xf32>,
    %get3A_1425 = arith.constant 864 : index
    %get3A_1426 = tpu.vector_load %arg6[%get3A_1425] {strides = array<i32>} : memref<1024xf32, #tpu.memory_space<vmem>>, vector<16xf32>,
    %mul3A_1427 = arith.mulf %get3A_1426, %div3A_1394 : vector<16xf32>
    %swap3A_1428 = arith.constant 864 : index
    %swap3A_1429 = tpu.vector_load %arg6[%swap3A_1428] {strides = array<i32>} : memref<1024xf32, #tpu.memory_space<vmem>>, vector<16xf32>,
    tpu.vector_store %arg6[%swap3A_1428], %mul3A_1427 {strides = array<i32>} : memref<1024xf32, #tpu.memory_space<vmem>>, vector<16xf32>,
    %get3A_1430 = arith.constant 880 : index
    %get3A_1431 = tpu.vector_load %arg6[%get3A_1430] {strides = array<i32>} : memref<1024xf32, #tpu.memory_space<vmem>>, vector<16xf32>,
    %mul3A_1432 = arith.mulf %get3A_1431, %div3A_1394 : vector<16xf32>
    %swap3A_1433 = arith.constant 880 : index
    %swap3A_1434 = tpu.vector_load %arg6[%swap3A_1433] {strides = array<i32>} : memref<1024xf32, #tpu.memory_space<vmem>>, vector<16xf32>,
    tpu.vector_store %arg6[%swap3A_1433], %mul3A_1432 {strides = array<i32>} : memref<1024xf32, #tpu.memory_space<vmem>>, vector<16xf32>,
    %get3A_1435 = arith.constant 896 : index
    %get3A_1436 = tpu.vector_load %arg6[%get3A_1435] {strides = array<i32>} : memref<1024xf32, #tpu.memory_space<vmem>>, vector<16xf32>,
    %mul3A_1437 = arith.mulf %get3A_1436, %div3A_1394 : vector<16xf32>
    %swap3A_1438 = arith.constant 896 : index
    %swap3A_1439 = tpu.vector_load %arg6[%swap3A_1438] {strides = array<i32>} : memref<1024xf32, #tpu.memory_space<vmem>>, vector<16xf32>,
    tpu.vector_store %arg6[%swap3A_1438], %mul3A_1437 {strides = array<i32>} : memref<1024xf32, #tpu.memory_space<vmem>>, vector<16xf32>,
    %get3A_1440 = arith.constant 912 : index
    %get3A_1441 = tpu.vector_load %arg6[%get3A_1440] {strides = array<i32>} : memref<1024xf32, #tpu.memory_space<vmem>>, vector<16xf32>,
    %mul3A_1442 = arith.mulf %get3A_1441, %div3A_1394 : vector<16xf32>
    %swap3A_1443 = arith.constant 912 : index
    %swap3A_1444 = tpu.vector_load %arg6[%swap3A_1443] {strides = array<i32>} : memref<1024xf32, #tpu.memory_space<vmem>>, vector<16xf32>,
    tpu.vector_store %arg6[%swap3A_1443], %mul3A_1442 {strides = array<i32>} : memref<1024xf32, #tpu.memory_space<vmem>>, vector<16xf32>,
    %get3A_1445 = arith.constant 928 : index
    %get3A_1446 = tpu.vector_load %arg6[%get3A_1445] {strides = array<i32>} : memref<1024xf32, #tpu.memory_space<vmem>>, vector<16xf32>,
    %mul3A_1447 = arith.mulf %get3A_1446, %div3A_1394 : vector<16xf32>
    %swap3A_1448 = arith.constant 928 : index
    %swap3A_1449 = tpu.vector_load %arg6[%swap3A_1448] {strides = array<i32>} : memref<1024xf32, #tpu.memory_space<vmem>>, vector<16xf32>,
    tpu.vector_store %arg6[%swap3A_1448], %mul3A_1447 {strides = array<i32>} : memref<1024xf32, #tpu.memory_space<vmem>>, vector<16xf32>,
    %get3A_1450 = arith.constant 944 : index
    %get3A_1451 = tpu.vector_load %arg6[%get3A_1450] {strides = array<i32>} : memref<1024xf32, #tpu.memory_space<vmem>>, vector<16xf32>,
    %mul3A_1452 = arith.mulf %get3A_1451, %div3A_1394 : vector<16xf32>
    %swap3A_1453 = arith.constant 944 : index
    %swap3A_1454 = tpu.vector_load %arg6[%swap3A_1453] {strides = array<i32>} : memref<1024xf32, #tpu.memory_space<vmem>>, vector<16xf32>,
    tpu.vector_store %arg6[%swap3A_1453], %mul3A_1452 {strides = array<i32>} : memref<1024xf32, #tpu.memory_space<vmem>>, vector<16xf32>,
    %get3A_1455 = arith.constant 960 : index
    %get3A_1456 = tpu.vector_load %arg6[%get3A_1455] {strides = array<i32>} : memref<1024xf32, #tpu.memory_space<vmem>>, vector<16xf32>,
    %mul3A_1457 = arith.mulf %get3A_1456, %div3A_1394 : vector<16xf32>
    %swap3A_1458 = arith.constant 960 : index
    %swap3A_1459 = tpu.vector_load %arg6[%swap3A_1458] {strides = array<i32>} : memref<1024xf32, #tpu.memory_space<vmem>>, vector<16xf32>,
    tpu.vector_store %arg6[%swap3A_1458], %mul3A_1457 {strides = array<i32>} : memref<1024xf32, #tpu.memory_space<vmem>>, vector<16xf32>,
    %get3A_1460 = arith.constant 976 : index
    %get3A_1461 = tpu.vector_load %arg6[%get3A_1460] {strides = array<i32>} : memref<1024xf32, #tpu.memory_space<vmem>>, vector<16xf32>,
    %mul3A_1462 = arith.mulf %get3A_1461, %div3A_1394 : vector<16xf32>
    %swap3A_1463 = arith.constant 976 : index
    %swap3A_1464 = tpu.vector_load %arg6[%swap3A_1463] {strides = array<i32>} : memref<1024xf32, #tpu.memory_space<vmem>>, vector<16xf32>,
    tpu.vector_store %arg6[%swap3A_1463], %mul3A_1462 {strides = array<i32>} : memref<1024xf32, #tpu.memory_space<vmem>>, vector<16xf32>,
    %get3A_1465 = arith.constant 992 : index
    %get3A_1466 = tpu.vector_load %arg6[%get3A_1465] {strides = array<i32>} : memref<1024xf32, #tpu.memory_space<vmem>>, vector<16xf32>,
    %mul3A_1467 = arith.mulf %get3A_1466, %div3A_1394 : vector<16xf32>
    %swap3A_1468 = arith.constant 992 : index
    %swap3A_1469 = tpu.vector_load %arg6[%swap3A_1468] {strides = array<i32>} : memref<1024xf32, #tpu.memory_space<vmem>>, vector<16xf32>,
    tpu.vector_store %arg6[%swap3A_1468], %mul3A_1467 {strides = array<i32>} : memref<1024xf32, #tpu.memory_space<vmem>>, vector<16xf32>,
    %get3A_1470 = arith.constant 1008 : index
    %get3A_1471 = tpu.vector_load %arg6[%get3A_1470] {strides = array<i32>} : memref<1024xf32, #tpu.memory_space<vmem>>, vector<16xf32>,
    %mul3A_1472 = arith.mulf %get3A_1471, %div3A_1394 : vector<16xf32>
    %swap3A_1473 = arith.constant 1008 : index
    %swap3A_1474 = tpu.vector_load %arg6[%swap3A_1473] {strides = array<i32>} : memref<1024xf32, #tpu.memory_space<vmem>>, vector<16xf32>,
    tpu.vector_store %arg6[%swap3A_1473], %mul3A_1472 {strides = array<i32>} : memref<1024xf32, #tpu.memory_space<vmem>>, vector<16xf32>,
    %iota3A_1475 = tpu.iota {dimensions = array<i32: 0>} : vector<16xi32>
    %xor3A_1476 = arith.constant 8 : i32
    %xor3A_1477 = vector.broadcast %xor3A_1476 : i32 to vector<16xi32>
    %xor3A_1478 = arith.xori %iota3A_1475, %xor3A_1477 : vector<16xi32>
    %broadcast_in_dim3A_1479 = vector.shape_cast %xor3A_1478 : vector<16xi32> to vector<16x1xi32>
    %gather3A_1480 = vector.shape_cast %broadcast_in_dim3A_1479 : vector<16x1xi32> to vector<16xi32>
    %gather3A_1481 = tpu.dynamic_gather %add3A_1359[%gather3A_1480] in [0] : vector<16xf32>, vector<16xi32> -> vector<16xf32>
    %add3A_1482 = arith.addf %add3A_1359, %gather3A_1481 : vector<16xf32>
    %iota3A_1483 = tpu.iota {dimensions = array<i32: 0>} : vector<16xi32>
    %xor3A_1484 = arith.constant 4 : i32
    %xor3A_1485 = vector.broadcast %xor3A_1484 : i32 to vector<16xi32>
    %xor3A_1486 = arith.xori %iota3A_1483, %xor3A_1485 : vector<16xi32>
    %broadcast_in_dim3A_1487 = vector.shape_cast %xor3A_1486 : vector<16xi32> to vector<16x1xi32>
    %gather3A_1488 = vector.shape_cast %broadcast_in_dim3A_1487 : vector<16x1xi32> to vector<16xi32>
    %gather3A_1489 = tpu.dynamic_gather %add3A_1482[%gather3A_1488] in [0] : vector<16xf32>, vector<16xi32> -> vector<16xf32>
    %add3A_1490 = arith.addf %add3A_1482, %gather3A_1489 : vector<16xf32>
    %iota3A_1491 = tpu.iota {dimensions = array<i32: 0>} : vector<16xi32>
    %xor3A_1492 = arith.constant 2 : i32
    %xor3A_1493 = vector.broadcast %xor3A_1492 : i32 to vector<16xi32>
    %xor3A_1494 = arith.xori %iota3A_1491, %xor3A_1493 : vector<16xi32>
    %broadcast_in_dim3A_1495 = vector.shape_cast %xor3A_1494 : vector<16xi32> to vector<16x1xi32>
    %gather3A_1496 = vector.shape_cast %broadcast_in_dim3A_1495 : vector<16x1xi32> to vector<16xi32>
    %gather3A_1497 = tpu.dynamic_gather %add3A_1490[%gather3A_1496] in [0] : vector<16xf32>, vector<16xi32> -> vector<16xf32>
    %add3A_1498 = arith.addf %add3A_1490, %gather3A_1497 : vector<16xf32>
    %iota3A_1499 = tpu.iota {dimensions = array<i32: 0>} : vector<16xi32>
    %xor3A_1500 = arith.constant 1 : i32
    %xor3A_1501 = vector.broadcast %xor3A_1500 : i32 to vector<16xi32>
    %xor3A_1502 = arith.xori %iota3A_1499, %xor3A_1501 : vector<16xi32>
    %broadcast_in_dim3A_1503 = vector.shape_cast %xor3A_1502 : vector<16xi32> to vector<16x1xi32>
    %gather3A_1504 = vector.shape_cast %broadcast_in_dim3A_1503 : vector<16x1xi32> to vector<16xi32>
    %gather3A_1505 = tpu.dynamic_gather %add3A_1498[%gather3A_1504] in [0] : vector<16xf32>, vector<16xi32> -> vector<16xf32>
    %add3A_1506 = arith.addf %add3A_1498, %gather3A_1505 : vector<16xf32>
    %mul3A_1507 = arith.mulf %add3A_1506, %div3A_1394 : vector<16xf32>
    %mul3A_1508 = arith.mulf %mul3A_1507, %div3A_1394 : vector<16xf32>
    %add3A_1509 = arith.addf %add3A_1132, %mul3A_1508 : vector<16xf32>
    %add3A_1510 = arith.constant 1.000000e+00 : f32
    %add3A_1511 = vector.broadcast %add3A_1510 : f32 to vector<16xf32>
    %add3A_1512 = arith.addf %add3A_1509, %add3A_1511 : vector<16xf32>
    %get3A_1513 = arith.constant 0 : index
    %get3A_1514 = tpu.vector_load %arg9[%get3A_1513] {strides = array<i32>} : memref<16xf32, #tpu.memory_space<vmem>>, vector<16xf32>,
    %jit3A = arith.constant 1.000000e-01 : f32
    %jit3A_1515 = arith.constant 1.000000e+01 : f32
    %max3A_1516 = vector.broadcast %jit3A : f32 to vector<16xf32>
    %max3A_1517 = arith.maximumf %max3A_1516, %get3A_1514 : vector<16xf32>
    %min3A = vector.broadcast %jit3A_1515 : f32 to vector<16xf32>
    %min3A_1518 = arith.minimumf %min3A, %max3A_1517 : vector<16xf32>
    %div3A_1519 = arith.constant 1.000000e+00 : f32
    %div3A_1520 = vector.broadcast %div3A_1519 : f32 to vector<16xf32>
    %div3A_1521 = arith.divf %div3A_1520, %min3A_1518 : vector<16xf32>
    %mul3A_1522 = arith.constant 2.000000e+00 : f32
    %mul3A_1523 = vector.broadcast %mul3A_1522 : f32 to vector<16xf32>
    %mul3A_1524 = arith.mulf %mul3A_1523, %div3A_1521 : vector<16xf32>
    %mul3A_1525 = arith.mulf %add3A_1512, %div3A_1521 : vector<16xf32>
    %broadcast_in_dim3A_1526 = arith.constant 0.000000e+00 : f32
    %broadcast_in_dim3A_1527 = vector.broadcast %broadcast_in_dim3A_1526 : f32 to vector<16xf32>
    %scan3A = arith.constant 0 : i32
    %scan3A_1528 = arith.constant 256 : i32
    %scan3A_1529 = arith.addi %scan3A, %scan3A_1528 : i32
    %scan3A_1530 = arith.constant 1 : i32
    %scan3A_1531 = scf.for %scan3A_1578 = %scan3A to %scan3A_1529 step %scan3A_1530 iter_args(%scan3A_1579 = %broadcast_in_dim3A_1527) -> (vector<16xf32>)  : i32 {
      %mul3A_1580 = arith.constant 16 : i32
      %mul3A_1581 = arith.muli %scan3A_1578, %mul3A_1580 : i32
      %multiple_of3A = tpu.assume_multiple %mul3A_1581, 16 : i32
      %get3A_1582 = arith.constant 0 : i32
      %get3A_1583 = arith.index_cast %get3A_1582 : i32 to index
      %get3A_1584 = arith.index_cast %multiple_of3A : i32 to index
      %get3A_1585 = tpu.vector_load %arg7[%get3A_1583, %get3A_1584] {strides = array<i32>} : memref<4x4096xi32, #tpu.memory_space<vmem>>, vector<16xi32>,
      %gather3A_1586 = tpu.vector_load_idx %arg6[%get3A_1585] : memref<1024xf32, #tpu.memory_space<vmem>>[vector<16xi32>], vector<16xf32>,
      %get3A_1587 = arith.constant 1 : i32
      %get3A_1588 = arith.index_cast %get3A_1587 : i32 to index
      %get3A_1589 = arith.index_cast %multiple_of3A : i32 to index
      %get3A_1590 = tpu.vector_load %arg7[%get3A_1588, %get3A_1589] {strides = array<i32>} : memref<4x4096xi32, #tpu.memory_space<vmem>>, vector<16xi32>,
      %add3A_1591 = arith.constant 256 : i32
      %add3A_1592 = vector.broadcast %add3A_1591 : i32 to vector<16xi32>
      %add3A_1593 = arith.addi %get3A_1590, %add3A_1592 : vector<16xi32>
      %gather3A_1594 = tpu.vector_load_idx %arg6[%add3A_1593] : memref<1024xf32, #tpu.memory_space<vmem>>[vector<16xi32>], vector<16xf32>,
      %add3A_1595 = arith.addf %gather3A_1586, %gather3A_1594 : vector<16xf32>
      %get3A_1596 = arith.constant 2 : i32
      %get3A_1597 = arith.index_cast %get3A_1596 : i32 to index
      %get3A_1598 = arith.index_cast %multiple_of3A : i32 to index
      %get3A_1599 = tpu.vector_load %arg7[%get3A_1597, %get3A_1598] {strides = array<i32>} : memref<4x4096xi32, #tpu.memory_space<vmem>>, vector<16xi32>,
      %add3A_1600 = arith.constant 512 : i32
      %add3A_1601 = vector.broadcast %add3A_1600 : i32 to vector<16xi32>
      %add3A_1602 = arith.addi %get3A_1599, %add3A_1601 : vector<16xi32>
      %gather3A_1603 = tpu.vector_load_idx %arg6[%add3A_1602] : memref<1024xf32, #tpu.memory_space<vmem>>[vector<16xi32>], vector<16xf32>,
      %add3A_1604 = arith.addf %add3A_1595, %gather3A_1603 : vector<16xf32>
      %get3A_1605 = arith.constant 3 : i32
      %get3A_1606 = arith.index_cast %get3A_1605 : i32 to index
      %get3A_1607 = arith.index_cast %multiple_of3A : i32 to index
      %get3A_1608 = tpu.vector_load %arg7[%get3A_1606, %get3A_1607] {strides = array<i32>} : memref<4x4096xi32, #tpu.memory_space<vmem>>, vector<16xi32>,
      %add3A_1609 = arith.constant 768 : i32
      %add3A_1610 = vector.broadcast %add3A_1609 : i32 to vector<16xi32>
      %add3A_1611 = arith.addi %get3A_1608, %add3A_1610 : vector<16xi32>
      %gather3A_1612 = tpu.vector_load_idx %arg6[%add3A_1611] : memref<1024xf32, #tpu.memory_space<vmem>>[vector<16xi32>], vector<16xf32>,
      %add3A_1613 = arith.addf %add3A_1604, %gather3A_1612 : vector<16xf32>
      %mul3A_1614 = arith.mulf %add3A_1613, %mul3A_1524 : vector<16xf32>
      %sub3A_1615 = arith.subf %mul3A_1614, %mul3A_1525 : vector<16xf32>
      %exp3A_1616 = math.exp %sub3A_1615 : vector<16xf32>
      %swap3A_1617 = arith.index_cast %multiple_of3A : i32 to index
      %swap3A_1618 = tpu.vector_load %arg8[%swap3A_1617] {strides = array<i32>} : memref<4096xf32, #tpu.memory_space<vmem>>, vector<16xf32>,
      tpu.vector_store %arg8[%swap3A_1617], %exp3A_1616 {strides = array<i32>} : memref<4096xf32, #tpu.memory_space<vmem>>, vector<16xf32>,
      %add3A_1619 = arith.addf %scan3A_1579, %exp3A_1616 : vector<16xf32>
      scf.yield %add3A_1619 : vector<16xf32>
    }
    %scan3A_1532 = arith.constant 256 : i32
    %iota3A_1533 = tpu.iota {dimensions = array<i32: 0>} : vector<16xi32>
    %xor3A_1534 = arith.constant 8 : i32
    %xor3A_1535 = vector.broadcast %xor3A_1534 : i32 to vector<16xi32>
    %xor3A_1536 = arith.xori %iota3A_1533, %xor3A_1535 : vector<16xi32>
    %broadcast_in_dim3A_1537 = vector.shape_cast %xor3A_1536 : vector<16xi32> to vector<16x1xi32>
    %gather3A_1538 = vector.shape_cast %broadcast_in_dim3A_1537 : vector<16x1xi32> to vector<16xi32>
    %gather3A_1539 = tpu.dynamic_gather %scan3A_1531[%gather3A_1538] in [0] : vector<16xf32>, vector<16xi32> -> vector<16xf32>
    %add3A_1540 = arith.addf %scan3A_1531, %gather3A_1539 : vector<16xf32>
    %iota3A_1541 = tpu.iota {dimensions = array<i32: 0>} : vector<16xi32>
    %xor3A_1542 = arith.constant 4 : i32
    %xor3A_1543 = vector.broadcast %xor3A_1542 : i32 to vector<16xi32>
    %xor3A_1544 = arith.xori %iota3A_1541, %xor3A_1543 : vector<16xi32>
    %broadcast_in_dim3A_1545 = vector.shape_cast %xor3A_1544 : vector<16xi32> to vector<16x1xi32>
    %gather3A_1546 = vector.shape_cast %broadcast_in_dim3A_1545 : vector<16x1xi32> to vector<16xi32>
    %gather3A_1547 = tpu.dynamic_gather %add3A_1540[%gather3A_1546] in [0] : vector<16xf32>, vector<16xi32> -> vector<16xf32>
    %add3A_1548 = arith.addf %add3A_1540, %gather3A_1547 : vector<16xf32>
    %iota3A_1549 = tpu.iota {dimensions = array<i32: 0>} : vector<16xi32>
    %xor3A_1550 = arith.constant 2 : i32
    %xor3A_1551 = vector.broadcast %xor3A_1550 : i32 to vector<16xi32>
    %xor3A_1552 = arith.xori %iota3A_1549, %xor3A_1551 : vector<16xi32>
    %broadcast_in_dim3A_1553 = vector.shape_cast %xor3A_1552 : vector<16xi32> to vector<16x1xi32>
    %gather3A_1554 = vector.shape_cast %broadcast_in_dim3A_1553 : vector<16x1xi32> to vector<16xi32>
    %gather3A_1555 = tpu.dynamic_gather %add3A_1548[%gather3A_1554] in [0] : vector<16xf32>, vector<16xi32> -> vector<16xf32>
    %add3A_1556 = arith.addf %add3A_1548, %gather3A_1555 : vector<16xf32>
    %iota3A_1557 = tpu.iota {dimensions = array<i32: 0>} : vector<16xi32>
    %xor3A_1558 = arith.constant 1 : i32
    %xor3A_1559 = vector.broadcast %xor3A_1558 : i32 to vector<16xi32>
    %xor3A_1560 = arith.xori %iota3A_1557, %xor3A_1559 : vector<16xi32>
    %broadcast_in_dim3A_1561 = vector.shape_cast %xor3A_1560 : vector<16xi32> to vector<16x1xi32>
    %gather3A_1562 = vector.shape_cast %broadcast_in_dim3A_1561 : vector<16x1xi32> to vector<16xi32>
    %gather3A_1563 = tpu.dynamic_gather %add3A_1556[%gather3A_1562] in [0] : vector<16xf32>, vector<16xi32> -> vector<16xf32>
    %add3A_1564 = arith.addf %add3A_1556, %gather3A_1563 : vector<16xf32>
    %lt3A = arith.constant 9.99999982E-14 : f32
    %lt3A_1565 = vector.broadcast %lt3A : f32 to vector<16xf32>
    %lt3A_1566 = arith.cmpf olt, %add3A_1564, %lt3A_1565 : vector<16xf32>
    %div3A_1567 = arith.constant 1.000000e+00 : f32
    %div3A_1568 = vector.broadcast %div3A_1567 : f32 to vector<16xf32>
    %div3A_1569 = arith.divf %div3A_1568, %add3A_1564 : vector<16xf32>
    %jit3A_1570 = arith.constant 0.000000e+00 : f32
    %broadcast_in_dim3A_1571 = vector.broadcast %jit3A_1570 : f32 to vector<16xf32>
    %select_n3A = arith.select %lt3A_1566, %broadcast_in_dim3A_1571, %div3A_1569 : vector<16xi1>, vector<16xf32>
    %scan3A_1572 = arith.constant 0 : i32
    %scan3A_1573 = arith.constant 0 : i32
    %scan3A_1574 = arith.constant 256 : i32
    %scan3A_1575 = arith.addi %scan3A_1573, %scan3A_1574 : i32
    %scan3A_1576 = arith.constant 1 : i32
    scf.for %scan3A_1578 = %scan3A_1573 to %scan3A_1575 step %scan3A_1576  : i32 {
      %mul3A_1579 = arith.constant 16 : i32
      %mul3A_1580 = arith.muli %scan3A_1578, %mul3A_1579 : i32
      %multiple_of3A = tpu.assume_multiple %mul3A_1580, 16 : i32
      %get3A_1581 = arith.index_cast %multiple_of3A : i32 to index
      %get3A_1582 = tpu.vector_load %arg8[%get3A_1581] {strides = array<i32>} : memref<4096xf32, #tpu.memory_space<vmem>>, vector<16xf32>,
      %mul3A_1583 = arith.mulf %get3A_1582, %select_n3A : vector<16xf32>
      %swap3A_1584 = arith.index_cast %multiple_of3A : i32 to index
      %swap3A_1585 = tpu.vector_load %arg8[%swap3A_1584] {strides = array<i32>} : memref<4096xf32, #tpu.memory_space<vmem>>, vector<16xf32>,
      tpu.vector_store %arg8[%swap3A_1584], %mul3A_1583 {strides = array<i32>} : memref<4096xf32, #tpu.memory_space<vmem>>, vector<16xf32>,
    }
    %scan3A_1577 = arith.constant 256 : i32
    "tpu.region"() ({
      %run_scoped3A = tpu.sem_alloc : memref<!tpu.dma_semaphore, #tpu.memory_space<semaphore_mem>>
      %dma_start3A = arith.constant 0 : i32
      %dma_start3A_1578 = tpu.memref_slice %arg5[%add3A, %dma_start3A] : memref<32x4096xf32, #tpu.memory_space<hbm>> -> memref<1x4096xf32, #tpu.memory_space<hbm>>
      %dma_start3A_1579 = tpu.memref_squeeze %dma_start3A_1578 : memref<1x4096xf32, #tpu.memory_space<hbm>> -> memref<4096xf32, #tpu.memory_space<hbm>>
      %dma_start3A_1580 = arith.constant 0 : i32
      %dma_start3A_1581 = tpu.memref_slice %arg5[%add3A, %dma_start3A_1580] : memref<32x4096xf32, #tpu.memory_space<hbm>> -> memref<1x4096xf32, #tpu.memory_space<hbm>>
      %dma_start3A_1582 = tpu.memref_squeeze %dma_start3A_1581 : memref<1x4096xf32, #tpu.memory_space<hbm>> -> memref<4096xf32, #tpu.memory_space<hbm>>
      tpu.enqueue_dma source(%arg8 : memref<4096xf32, #tpu.memory_space<vmem>>) target(%dma_start3A_1582 : memref<4096xf32, #tpu.memory_space<hbm>>) target_semaphore(%run_scoped3A : memref<!tpu.dma_semaphore, #tpu.memory_space<semaphore_mem>>)
      %dma_wait3A = arith.constant 0 : i32
      %dma_wait3A_1583 = tpu.memref_slice %arg5[%add3A, %dma_wait3A] : memref<32x4096xf32, #tpu.memory_space<hbm>> -> memref<1x4096xf32, #tpu.memory_space<hbm>>
      %dma_wait3A_1584 = tpu.memref_squeeze %dma_wait3A_1583 : memref<1x4096xf32, #tpu.memory_space<hbm>> -> memref<4096xf32, #tpu.memory_space<hbm>>
      %dma_wait3A_1585 = arith.constant 0 : i32
      %dma_wait3A_1586 = tpu.memref_slice %arg5[%add3A, %dma_wait3A_1585] : memref<32x4096xf32, #tpu.memory_space<hbm>> -> memref<1x4096xf32, #tpu.memory_space<hbm>>
      %dma_wait3A_1587 = tpu.memref_squeeze %dma_wait3A_1586 : memref<1x4096xf32, #tpu.memory_space<hbm>> -> memref<4096xf32, #tpu.memory_space<hbm>>
      tpu.wait_dma2 semaphore(%run_scoped3A : memref<!tpu.dma_semaphore, #tpu.memory_space<semaphore_mem>>) src(%arg8 : memref<4096xf32, #tpu.memory_space<vmem>>) dst(%dma_wait3A_1587 : memref<4096xf32, #tpu.memory_space<hbm>>)
      tpu.yield
    }) : () -> ()
    return
  }
}

</mosaic_0001>

<sc_bundles>
// kernel: kernel.3.cloned.1.call-start
scs
__scs_entry_jumppad:
0x0: {  	(pc) =	sbr.rel $0x88, $3  }
0x1: {  	(tag) =	ssettag $0x0;
	lr =	simm.s32 $0x1  }
0x2: {  	[smem:$0x3F9E] =	sst lr;
	_ =	strace $0xD0000000  }
0x3: {  	_ = 	snop  }
0x4: {  	_ = 	snop  }
0x5: {  	_ = 	snop  }
0x6: {  	_ = 	snop  }
0x7: {  	_ = 	snop  }
__scs_overlays_trampoline_lowered:
0x8: {  	[smem:$0x3FAD] =	sst s0  }
0x9: {  	[smem:$0x3FAE] =	sst s1  }
0xa: {  	[smem:$0x3FAF] =	sst s2  }
0xb: {  	[smem:$0x3FB0] =	sst s3  }
0xc: {  	[smem:$0x3FB1] =	sst s4  }
0xd: {  	[smem:$0x3FB2] =	sst s5  }
0xe: {  	[smem:$0x3FB3] =	sst s6  }
0xf: {  	[smem:$0x3FB4] =	sst s7  }
0x10: {  	[smem:$0x3FB5] =	sst s8  }
0x11: {  	[smem:$0x3FB6] =	sst s9;
	s0 =	simm.s32 @!p0 $0x0  }
0x12: {  	s1 =	sld [smem:$0x3F9C];
	s0 =	simm.s32 @p0 $0x1  }
0x13: {  	[smem:$0x3FB7] =	sst s0;
	s0 =	simm.s32 @!p1 $0x0  }
0x14: {  	s2 =	sld [smem:$0x3F9B];
	s0 =	simm.s32 @p1 $0x1  }
0x15: {  	[smem:$0x3FB8] =	sst s0;
	s0 =	simm.s32 @!p2 $0x0  }
0x16: {  	s3 =	sld [smem:$0x3FDB];
	s0 =	simm.s32 @p2 $0x1  }
0x17: {  	s4 =	simm.s32 $0x1BF5;
	[smem:$0x3FBA] =	sst s0  }
0x18: {  	s0 =	sld [smem:$0x3F9D];
	_ =	swait.ge [sflag:s4], $0x0  }
0x19: {  	s7 =	sld [smem:$0x3F9E]  }
0x1a: {  	s8 =	sadd.s32 $0xFFFFE003, lr  }
0x1b: {  	s9 =	sadd.s32 $0xFFFFFEF7, lr;
	s5 =	simm.s32 $0xFFFFFFFF;
	p2 =	slt.u32 s8, $0xFFFFF086  }
0x1c: {  	p1 =	slt.u32 s9, $0xF7A;
	s5 =	simm.s32 @!p2 $0x0  }
0x1d: {  	s5 =	simm.s32 @p1 $0x1;
	p0 =	seq.s32 s7, s2  }
0x1e: {  	s7 =	smul.u32 @!p0 $0xF7A, s2;
	p2 =	seq.s32 @!p0 s5, $0x0  }
0x1f: {  	s9 =	smul.u32 $0xF7A, s1;
	s8 =	simm.s32 @!p0 $0x1BF5;
	p2 =	por !p2, p0  }
0x20: {  	[sflag:s8] =	ssyncset.s32 @!p0 $0xFFFFF086;
	s6 =	sadd.s32 @!p0 s3, s7;
	s7 =	simm.s32 @!p0 $0x108  }
0x21: {  	s3 =	sadd.s32 s3, s9;
	s6 =	sadd.s32 @!p0 $0x88, s6;
	s7 =	simm.s32 @p2 $0x1082  }
0x22: {  	[simem:s7], [sflag:s8] =	dma.local @!p0 [hbm:s6], $0xF7A  }
0x23: {  	s9 =	sor.u32 $0xD0000000, s2;
	s6 =	simm.s32 $0x108;
	_ =	swait.ge @!p0 [sflag:s8], $0x0  }
0x24: {  	s3 =	sadd.s32 $0x88, s3;
	s6 =	simm.s32 @!p1 $0x1082;
	[sflag:s4] =	ssyncset.s32 $0xFFFFF086  }
0x25: {  	[simem:s6], [sflag:s4] =	dma.local [hbm:s3], $0xF7A  }
0x26: {  	[smem:$0x3F9E] =	sst s1;
	(tag) =	ssettag s2;
	_ =	strace s9  }
0x27: {  	s1 =	sld [smem:$0x3FAE]  }
0x28: {  	s2 =	sld [smem:$0x3FAF]  }
0x29: {  	s4 =	sld [smem:$0x3FB1]  }
0x2a: {  	p0 =	seq.s32 s5, $0x0;
	s5 =	sld [smem:$0x3FB2]  }
0x2b: {  	s6 =	sld [smem:$0x3FB3]  }
0x2c: {  	s7 =	sld [smem:$0x3FB4]  }
0x2d: {  	s3 =	simm.s32 $0x108;
	s8 =	sld [smem:$0x3FB5]  }
0x2e: {  	s3 =	simm.s32 @!p0 $0x1082;
	s9 =	sld [smem:$0x3FB6]  }
0x2f: {  	lr =	sadd.s32 s0, s3;
	s0 =	sld [smem:$0x3FAD]  }
0x30: {  	s3 =	sld [smem:$0x3FB0]  }
0x31: {  	[smem:$0x3FB9] =	sst s10  }
0x32: {  	s10 =	sld [smem:$0x3FB7];
	_ =	sdelay $0x3  }
0x33: {  	p0 =	seq.s32 s10, $0x1;
	s10 =	sld [smem:$0x3FB9];
	_ =	sdelay $0x3  }
0x34: {  	[smem:$0x3FB9] =	sst s10  }
0x35: {  	s10 =	sld [smem:$0x3FB8];
	_ =	sdelay $0x3  }
0x36: {  	p1 =	seq.s32 s10, $0x1;
	s10 =	sld [smem:$0x3FB9];
	_ =	sdelay $0x3  }
0x37: {  	[smem:$0x3FB9] =	sst s10  }
0x38: {  	s10 =	sld [smem:$0x3FBA]  }
0x39: {  	_ = 	snop;
	(pc) =	sbr.ind lr, $3  }
0x3a: {  	_ = 	snop  }
0x3b: {  	_ = 	snop  }
0x3c: {  	p2 =	seq.s32 s10, $0x1;
	s10 =	sld [smem:$0x3FB9]  }
0x3d: {  	_ =	shalt  }
0x3e: {  	_ =	shalt  }
0x3f: {  	_ =	shalt  }
0x40: {  	_ =	shalt  }
0x41: {  	_ =	shalt  }
0x42: {  	_ =	shalt  }
0x43: {  	_ =	shalt  }
0x44: {  	_ =	shalt  }
0x45: {  	_ =	shalt  }
0x46: {  	_ =	shalt  }
0x47: {  	_ =	shalt  }
0x48: {  	_ =	shalt  }
0x49: {  	_ =	shalt  }
0x4a: {  	_ =	shalt  }
0x4b: {  	_ =	shalt  }
0x4c: {  	_ =	shalt  }
0x4d: {  	_ =	shalt  }
0x4e: {  	_ =	shalt  }
0x4f: {  	_ =	shalt  }
0x50: {  	_ =	shalt  }
0x51: {  	_ =	shalt  }
0x52: {  	_ =	shalt  }
0x53: {  	_ =	shalt  }
0x54: {  	_ =	shalt  }
0x55: {  	_ =	shalt  }
0x56: {  	_ =	shalt  }
0x57: {  	_ =	shalt  }
0x58: {  	_ =	shalt  }
0x59: {  	_ =	shalt  }
0x5a: {  	_ =	shalt  }
0x5b: {  	_ =	shalt  }
0x5c: {  	_ =	shalt  }
0x5d: {  	_ =	shalt  }
0x5e: {  	_ =	shalt  }
0x5f: {  	_ =	shalt  }
0x60: {  	_ =	shalt  }
0x61: {  	_ =	shalt  }
0x62: {  	_ =	shalt  }
0x63: {  	_ =	shalt  }
0x64: {  	_ =	shalt  }
0x65: {  	_ =	shalt  }
0x66: {  	_ =	shalt  }
0x67: {  	_ =	shalt  }
0x68: {  	_ =	shalt  }
0x69: {  	_ =	shalt  }
0x6a: {  	_ =	shalt  }
0x6b: {  	_ =	shalt  }
0x6c: {  	_ =	shalt  }
0x6d: {  	_ =	shalt  }
0x6e: {  	_ =	shalt  }
0x6f: {  	_ =	shalt  }
0x70: {  	_ =	shalt  }
0x71: {  	_ =	shalt  }
0x72: {  	_ =	shalt  }
0x73: {  	_ =	shalt  }
0x74: {  	_ =	shalt  }
0x75: {  	_ =	shalt  }
0x76: {  	_ =	shalt  }
0x77: {  	_ =	shalt  }
0x78: {  	_ =	shalt  }
0x79: {  	_ =	shalt  }
0x7a: {  	_ =	shalt  }
0x7b: {  	_ =	shalt  }
0x7c: {  	_ =	shalt  }
0x7d: {  	_ =	shalt  }
0x7e: {  	_ =	shalt  }
0x7f: {  	_ =	shalt  }
0x80: {  	_ =	shalt  }
0x81: {  	_ =	shalt  }
0x82: {  	_ =	shalt  }
0x83: {  	_ =	shalt  }
0x84: {  	_ =	shalt  }
0x85: {  	_ =	shalt  }
0x86: {  	_ =	shalt  }
0x87: {  	_ =	shalt  }
.Lfunc_end0:
.L_simem_size_0:
called_computation_lowered:
.L_overlay_start_0:
0x88: {  	s2 =	sld [smem:$0x3FD9]  }
0x89: {  	s3 =	sld [smem:$0x3FFE];
	_ =	sdelay $0x1  }
0x8a: {  	s1 =	srdreg.scid  }
0x8b: {  	s0 =	sand.u32 $0x1, s1  }
0x8c: {  	s17 =	sshll.u32 s0, $0xA;
	s2 =	sadd.s32 s3, s2  }
0x8d: {  	s2 =	sadd.s32 s2, s17  }
0x8e: {  	[smem:$0x3FC5] =	sst s2  }
0x8f: {  	_ = 	snop  }
0x90: {  	s2 =	sld [smem:$0x3FC9]  }
0x91: {  	s18 =	sld [smem:$0x3FD0];
	(tm) =	ssettm $0x1  }
0x92: {  	s4 =	sld [smem:$0x3FFB];
	_ =	sdelay $0x3  }
0x93: {  	_ =	strace s4  }
0x94: {  	s4 =	sld [smem:$0x3FFC];
	_ =	sdelay $0x3  }
0x95: {  	_ =	strace s4  }
0x96: {  	s4 =	sld [smem:$0x3FFD];
	_ =	sdelay $0x3  }
0x97: {  	_ =	strace s4  }
0x98: {  	_ =	strace $0x8FFFFFFF  }
0x99: {  	s19 =	sld [smem:$0x3FDB];
	_ =	sdelay $0x1  }
0x9a: {  	s5 =	simm.s32 $_scs_section_size  }
0x9b: {  	s6 =	simm.s32 $_size__tile_overlayer_lowered;
	s7 =	simm.s32 $_tile_overlayer_lowered  }
0x9c: {  	s22 =	simm.s32 $0x1BFF;
	s21 =	sshll.u32 s7, $0x1;
	s4 =	sadd.s32 s5, s19  }
0x9d: {  	s8 =	simm.s32 $0x0;
	s20 =	sshll.u32 s6, $0x1;
	s6 =	sadd.s32 s21, s4  }
0x9e: {  	[timem:s8], [sflag:s22] =	dma.local [hbm:s6], s20  }
0x9f: {  	_ =	swait.ge [sflag:s22], s20  }
0xa0: {  	s5 =	ssub.s32 $0x0, s20;
	[sflag:s22] =	ssyncset.done $0x0  }
0xa1: {  	[sflag:s22] =	ssyncadd.s32 s5;
	_ =	sdelay $0x1  }
0xa2: {  	s23 =	simm.s32 $0x1B8B  }
0xa3: {  	_ =	swait.ge [sflag:s23], $0x1  }
0xa4: {  	[sflag:s23] =	ssyncset.done $0x0  }
0xa5: {  	s25 =	simm.s32 $0x1B8E;
	s24 =	sld [smem:$0x3FFE];
	[sflag:s23] =	ssyncadd.s32 $0xFFFFFFFF  }
0xa6: {  	s26 =	simm.s32 $execute0_lowered;
	[smem:$0x3FD2] =	sst s25  }
0xa7: {  	s6 =	sshll.u32 s26, $0x1;
	_ =	strace $0x80000046;
	[dreg:$0x1] =	wrdreg $0xFFFFFFFF  }
0xa8: {  	s28 =	simm.s32 $_size_execute0_lowered;
	s4 =	sadd.s32 s4, s6;
	[dreg:$0x0] =	wrdreg $0x0  }
0xa9: {  	s6 =	sshll.u32 s28, $0x1;
	[dreg:$0x2] =	wrdreg s4  }
0xaa: {  	[dreg:$0x3] =	wrdreg s6  }
0xab: {  	[dreg:$0x4] =	wrdreg $0xC0  }
0xac: {  	_ =	task [dreg:s8], $0x5FFFF  }
0xad: {  	[dreg:$0x1] =	wrdreg $0xFFFFFFFF  }
0xae: {  	[dreg:$0x0] =	wrdreg $0x60  }
0xaf: {  	[dreg:$0x2] =	wrdreg s18  }
0xb0: {  	[dreg:$0x3] =	wrdreg s2  }
0xb1: {  	[dreg:$0x4] =	wrdreg s24  }
0xb2: {  	[dreg:$0x5] =	wrdreg $0x9  }
0xb3: {  	_ =	task.clear_ibuf [dreg:s8], $0x6FFFF;
	_ =	strace $0x90000046  }
0xb4: {  	s29 =	simm.s32 $0x9;
	_ =	strace $0x80000048  }
0xb5: {  	_ =	swait.ge [sflag:s29], $0x1  }
0xb6: {  	[sflag:s29] =	ssyncadd.s32 $0xFFFFFFFF  }
0xb7: {  	_ =	strace $0x90000048  }
0xb8: {  	_ =	sfence  }
0xb9: {  	s30 =	sld [smem:$0x0];
	_ =	sdelay $0x2  }
0xba: {  	s31 =	sshll.u32 s1, $0xD;
	s1 =	sshrl.u32 s1, $0x2  }
0xbb: {  	s3 =	sand.u32 $0x4000, s31;
	s1 =	sadd.s32 s1, s30  }
0xbc: {  	s0 =	sor.u32 s3, s0;
	s1 =	sshll.u32 s1, $0x11  }
0xbd: {  	s0 =	sor.u32 s1, s0  }
0xbe: {  	s0 =	sadd.s32 $0x8F2B, s0  }
0xbf: {  	[sflag:s0] =	ssyncadd.remote.s32 $0x1  }
0xc0: {  	_ =	sfence.sel $0xFFFF  }
0xc1: {  	[dreg:$0x0] =	wrdreg $0xFFFFFFFF;
	(pc) =	sbr.abs _section_cstart, $3  }
0xc2: {  	[dreg:$0x1] =	wrdreg $0xFFFFFFFF  }
0xc3: {  	_ =	task.clear_ibuf [dreg:s8], $0x2FFFF;
	_ =	strace $0x9FFFFFFF  }
0xc4: {  	(tm) =	ssettm $0x7FFFFFFF  }
0xc5: {  	_ =	shalt  }
tec
execute0_lowered:
.L_overlay_start_1:
0x0: {  	(tag) =	ssettag $0x1  }
0x1: {  	v2 =	vimm.s32 $0xBA98FEDC;
	v3 =	vimm.s32 $0x32107654  }
0x2: {  	v4 =	vimm.s32 $0xDCFE98BA;
	v5 =	vimm.s32 $0x54761032;
	v6 =	vimm.s32 $0xEFCDAB89  }
0x3: {  	s5 =	rddreg [dreg:$0x0];
	v7 =	vimm.s32 $0x67452301;
	v2 =	vunpack.c.l.s4.s8 v2;
	v3 =	vunpack.c.l.s4.s8 v3  }
0x4: {  	s0 =	rddreg [dreg:$0x1];
	v4 =	vunpack.c.l.s4.s8 v4;
	v5 =	vunpack.c.l.s4.s8 v5;
	v6 =	vunpack.c.l.s4.s8 v6  }
0x5: {  	s6 =	rddreg [dreg:$0x2];
	s3 =	simm.s32 $0x0;
	s1 =	stileid.u32;
	v7 =	vunpack.c.l.s4.s8 v7;
	v2 =	vunpack.c.0.s8.s32 v2;
	v3 =	vunpack.c.0.s8.s32 v3  }
0x6: {  	v0 =	vimm.s32 $0xFEDCBA98;
	s2 =	rddreg [dreg:$0x3];
	s4 =	srdreg.scid;
	s12 =	simm.s32 $0x4400;
	v4 =	vunpack.c.0.s8.s32 v4;
	v5 =	vunpack.c.0.s8.s32 v5  }
0x7: {  	s13 =	simm.s32 $0x0;
	[smem:$0x7FF] =	sst s3;
	s7 =	sshll.u32 s1, $0x8;
	v6 =	vunpack.c.0.s8.s32 v6;
	v7 =	vunpack.c.0.s8.s32 v7;
	v2 =	vcombine.low v3, v2  }
0x8: {  	v1 =	vimm.s32 $0x76543210;
	v0 =	vunpack.c.l.s4.s8 v0;
	s8 =	sand.u32 $0x1, s4;
	s9 =	sshrl.u32 s1, $0x2;
	s4 =	sadd.s32 $0x600, s6;
	v59 =	vcombine.low v5, v4  }
0x9: {  	v1 =	vunpack.c.l.s4.s8 v1;
	_ =	strace $0x80000047;
	s7 =	sand.u32 $0x300, s7;
	s10 =	sshll.u32 s8, $0x7;
	v60 =	vcombine.low v7, v6;
	[tilespmem:$0x1FF90] =	vst v2  }
0xa: {  	s31 =	sshll.u32 s9, $0xF;
	s8 =	ssub.s32 $0x2, s8;
	v0 =	vunpack.c.0.s8.s32 v0;
	s7 =	sor.u32 s10, s7;
	[tilespmem:$0x1FFB0] =	vst v59  }
0xb: {  	s9 =	sshll.u32 s9, $0xD;
	s11 =	sshrl.u32 s8, $0x1;
	v58 =	vunpack.c.0.s8.s32 v1;
	s10 =	sor.u32 s31, s7;
	v61 =	vand.u32 $0xF, v2;
	[tilespmem:$0x1FFD0] =	vst v60  }
0xc: {  	s7 =	sor.u32 s9, s7;
	s8 =	ssub.s32 s8, s11;
	s9 =	simm.s32 $0x400;
	v0 =	vand.u32 $0xF, v0;
	v62 =	vand.u32 $0xF, v59;
	[tilespmem:$0x1FFA0] =	vst v61  }
0xd: {  	s11 =	simm.s32 $0x5400;
	s10 =	sshrl.u32 s10, $0x3;
	s7 =	sshrl.u32 s7, $0x3;
	v13 =	vcombine.low v0, v58;
	v63 =	vand.u32 $0xF, v60;
	[tilespmem:$0x1FFC0] =	vst v62  }
0xe: {  	s6 =	sadd.s32 s10, s6;
	s5 =	sadd.s32 s5, s7;
	s7 =	smax.u32 s8, $0x1;
	[tilespmem:$0x1FFE0] =	vst v63  }
0xf: {  	s8 =	simm.s32 $0x80;
	s10 =	simm.s32 $0x1;
	s6 =	sadd.s32 $0x800, s6;
	[tilespmem:$0x1FFF0] =	vst v13  }
.LBB2_1:
0x10: {  	[tilespmem:s3], [sflag:$0x1] =	stream.strided.gather [hbm4b:s5+s8], $0x400, s9, s8, $0x38;
	[tilespmem:$0x5480] =	vst v63  }
0x11: {  	_ =	swait.ge [sflag:s10], $0x400  }
0x12: {  	[sflag:s10] =	ssyncset.done $0x0  }
0x13: {  	[sflag:s10] =	ssyncadd.s32 $0xFFFFFC00  }
0x14: {  	[tilespmem:s9], [sflag:$0x1] =	stream.linear.gather [hbm4b:s0+s3], $0x4000, $0x38;
	[tilespmem:$0x5480] =	vst v63  }
0x15: {  	_ =	swait.ge [sflag:s10], $0x4000  }
0x16: {  	[sflag:s10] =	ssyncset.done $0x0  }
0x17: {  	[sflag:s10] =	ssyncadd.s32 $0xFFFFC000  }
0x18: {  	[tilespmem:s11], [sflag:$0x1] =	stream.linear.gather [hbm4b:s4+s3], $0x80, $0x38;
	[tilespmem:$0x5480] =	vst v63  }
0x19: {  	_ =	swait.ge [sflag:s10], $0x80  }
0x1a: {  	[sflag:s10] =	ssyncset.done $0x0  }
0x1b: {  	[sflag:s10] =	ssyncadd.s32 $0xFFFFFF80  }
0x1c: {  	v0 =	vld [tilespmem:$0x0]  }
0x1d: {  	v7 =	vld [tilespmem:$0x10]  }
0x1e: {  	v8 =	vld [tilespmem:$0x20]  }
0x1f: {  	v9 =	vld [tilespmem:$0x30]  }
0x20: {  	v10 =	vld [tilespmem:$0x40]  }
0x21: {  	v11 =	vld [tilespmem:$0x50]  }
0x22: {  	v13 =	vld [tilespmem:$0x60];
	v12 =	vmax.f32 v0, v7  }
0x23: {  	v14 =	vld [tilespmem:$0x70];
	v12 =	vmax.f32 v12, v8  }
0x24: {  	v15 =	vld [tilespmem:$0x80];
	v12 =	vmax.f32 v12, v9  }
0x25: {  	v16 =	vld [tilespmem:$0x90];
	v12 =	vmax.f32 v12, v10  }
0x26: {  	v17 =	vld [tilespmem:$0xA0];
	v12 =	vmax.f32 v12, v11  }
0x27: {  	v18 =	vld [tilespmem:$0xB0];
	v12 =	vmax.f32 v12, v13  }
0x28: {  	v20 =	vld [tilespmem:$0xC0];
	v12 =	vmax.f32 v12, v14  }
0x29: {  	v25 =	vld [tilespmem:$0xD0];
	v12 =	vmax.f32 v12, v15  }
0x2a: {  	v26 =	vld [tilespmem:$0xE0];
	v12 =	vmax.f32 v12, v16  }
0x2b: {  	v27 =	vld [tilespmem:$0xF0];
	v12 =	vmax.f32 v12, v17  }
0x2c: {  	v1 =	vld [tilespmem:$0x1FFF0];
	v12 =	vmax.f32 v12, v18  }
0x2d: {  	v12 =	vmax.f32 v12, v20  }
0x2e: {  	v12 =	vmax.f32 v12, v25  }
0x2f: {  	v4 =	vld [tilespmem:$0x1FFA0];
	v12 =	vmax.f32 v12, v26  }
0x30: {  	v12 =	vmax.f32 v12, v27  }
0x31: {  	v19 =	vperm.xlane v12, v1  }
0x32: {  	v3 =	vld [tilespmem:$0x1FFC0]  }
0x33: {  	v12 =	vmax.f32 v12, v19  }
0x34: {  	v19 =	vperm.xlane v12, v4  }
0x35: {  	v2 =	vld [tilespmem:$0x1FFE0]  }
0x36: {  	v12 =	vmax.f32 v12, v19  }
0x37: {  	v19 =	vperm.xlane v12, v3;
	_ =	sdelay $0x1  }
0x38: {  	v12 =	vmax.f32 v12, v19  }
0x39: {  	v19 =	vperm.xlane v12, v2;
	_ =	sdelay $0x1  }
0x3a: {  	v12 =	vmax.f32 v12, v19  }
0x3b: {  	v0 =	vsub.f32 v0, v12;
	_ =	sdelay $0x1  }
0x3c: {  	v7 =	vsub.f32 v7, v12;
	v0 =	vmul.f32 $1.442695020e+00, v0;
	_ =	sdelay $0x1  }
0x3d: {  	(erf) = vpow2.f32 v0;
	v0 =	vmul.f32 $1.442695020e+00, v7  }
0x3e: {  	v7 =	vsub.f32 v8, v12  }
0x3f: {  	(erf) = vpow2.f32 v0  }
0x40: {  	v0 =	vmul.f32 $1.442695020e+00, v7;
	v7 =	vsub.f32 v9, v12;
	_ =	sdelay $0x1  }
0x41: {  	(erf) = vpow2.f32 v0;
	v0 =	vmul.f32 $1.442695020e+00, v7;
	v7 =	vsub.f32 v10, v12;
	_ =	sdelay $0x1  }
0x42: {  	(erf) = vpow2.f32 v0;
	v0 =	vmul.f32 $1.442695020e+00, v7;
	v7 =	vsub.f32 v11, v12;
	_ =	sdelay $0x1  }
0x43: {  	(erf) = vpow2.f32 v0;
	v0 =	vmul.f32 $1.442695020e+00, v7;
	v7 =	vsub.f32 v13, v12;
	v5 =	vpop (erf)  }
0x44: {  	v8 =	vadd.f32 $0.0e+00, v5  }
0x45: {  	(erf) = vpow2.f32 v0;
	v0 =	vmul.f32 $1.442695020e+00, v7;
	v7 =	vsub.f32 v14, v12;
	v13 =	vpop (erf)  }
0x46: {  	v8 =	vadd.f32 v8, v13  }
0x47: {  	(erf) = vpow2.f32 v0;
	v0 =	vmul.f32 $1.442695020e+00, v7;
	v7 =	vsub.f32 v15, v12  }
0x48: {  	v11 =	vpop (erf)  }
0x49: {  	v8 =	vadd.f32 v8, v11;
	(erf) = vpow2.f32 v0;
	v0 =	vmul.f32 $1.442695020e+00, v7  }
0x4a: {  	v7 =	vsub.f32 v16, v12;
	v24 =	vpop (erf)  }
0x4b: {  	v8 =	vadd.f32 v8, v24;
	(erf) = vpow2.f32 v0  }
0x4c: {  	v0 =	vmul.f32 $1.442695020e+00, v7;
	v7 =	vsub.f32 v17, v12;
	v19 =	vpop (erf)  }
0x4d: {  	v8 =	vadd.f32 v8, v19  }
0x4e: {  	(erf) = vpow2.f32 v0;
	v0 =	vmul.f32 $1.442695020e+00, v7;
	v7 =	vsub.f32 v18, v12;
	v17 =	vpop (erf)  }
0x4f: {  	v8 =	vadd.f32 v8, v17  }
0x50: {  	(erf) = vpow2.f32 v0;
	v0 =	vmul.f32 $1.442695020e+00, v7;
	v7 =	vsub.f32 v20, v12;
	v1 =	vpop (erf)  }
0x51: {  	v8 =	vadd.f32 v8, v1;
	v20 =	vmov v1  }
0x52: {  	(erf) = vpow2.f32 v0;
	v0 =	vmul.f32 $1.442695020e+00, v7;
	v7 =	vsub.f32 v25, v12;
	v1 =	vpop (erf)  }
0x53: {  	v8 =	vadd.f32 v8, v1  }
0x54: {  	v23 =	vld [tilespmem:$0x100];
	(erf) = vpow2.f32 v0;
	v0 =	vmul.f32 $1.442695020e+00, v7;
	v7 =	vsub.f32 v26, v12;
	v18 =	vpop (erf)  }
0x55: {  	v28 =	vld [tilespmem:$0x110];
	v8 =	vadd.f32 v8, v18  }
0x56: {  	v44 =	vld [tilespmem:$0x120];
	(erf) = vpow2.f32 v0;
	v0 =	vmul.f32 $1.442695020e+00, v7;
	v7 =	vsub.f32 v27, v12  }
0x57: {  	v29 =	vld [tilespmem:$0x130];
	[tilespmem:$0x1FE20] =	vst v1;
	v1 =	vpop (erf)  }
0x58: {  	v8 =	vadd.f32 v8, v1;
	(erf) = vpow2.f32 v0;
	v0 =	vmul.f32 $1.442695020e+00, v7  }
0x59: {  	[tilespmem:$0x1FE30] =	vst v1;
	v1 =	vpop (erf)  }
0x5a: {  	v7 =	vmax.f32 v23, v28;
	v8 =	vadd.f32 v8, v1;
	(erf) = vpow2.f32 v0  }
0x5b: {  	v7 =	vmax.f32 v7, v44;
	[tilespmem:$0x1FE40] =	vst v1;
	v1 =	vpop (erf)  }
0x5c: {  	v45 =	vld [tilespmem:$0x140];
	v0 =	vmax.f32 v7, v29;
	v7 =	vadd.f32 v8, v1  }
0x5d: {  	v30 =	vld [tilespmem:$0x150];
	[tilespmem:$0x1FE50] =	vst v1;
	v1 =	vpop (erf)  }
0x5e: {  	v31 =	vld [tilespmem:$0x160];
	v7 =	vadd.f32 v7, v1  }
0x5f: {  	v32 =	vld [tilespmem:$0x170];
	[tilespmem:$0x1FE60] =	vst v1;
	v1 =	vpop (erf)  }
0x60: {  	v33 =	vld [tilespmem:$0x180];
	v7 =	vadd.f32 v7, v1  }
0x61: {  	v34 =	vld [tilespmem:$0x190];
	[tilespmem:$0x1FE70] =	vst v1;
	v1 =	vpop (erf)  }
0x62: {  	v35 =	vld [tilespmem:$0x1B0];
	v0 =	vmax.f32 v0, v45;
	v7 =	vadd.f32 v7, v1  }
0x63: {  	v0 =	vmax.f32 v0, v30;
	v8 =	vld [tilespmem:$0x1A0];
	[tilespmem:$0x1FE80] =	vst v1;
	v1 =	vpop (erf)  }
0x64: {  	v0 =	vmax.f32 v0, v31;
	[tilespmem:$0x1FED0] =	vst v1;
	v7 =	vadd.f32 v7, v1;
	v1 =	vld [tilespmem:$0x1FFF0]  }
0x65: {  	v36 =	vld [tilespmem:$0x1C0];
	v0 =	vmax.f32 v0, v32  }
0x66: {  	v37 =	vld [tilespmem:$0x1D0];
	v0 =	vmax.f32 v0, v33  }
0x67: {  	v38 =	vld [tilespmem:$0x1E0];
	v0 =	vmax.f32 v0, v34  }
0x68: {  	v39 =	vld [tilespmem:$0x1F0];
	v0 =	vmax.f32 v0, v8  }
0x69: {  	v0 =	vmax.f32 v0, v35;
	v40 =	vperm.xlane v7, v1;
	v1 =	vld [tilespmem:$0x1FFF0]  }
0x6a: {  	v0 =	vmax.f32 v0, v36  }
0x6b: {  	v0 =	vmax.f32 v0, v37  }
0x6c: {  	v0 =	vmax.f32 v0, v38  }
0x6d: {  	v0 =	vmax.f32 v0, v39  }
0x6e: {  	v41 =	vperm.xlane v0, v1  }
0x6f: {  	v7 =	vadd.f32 v7, v40  }
0x70: {  	v0 =	vmax.f32 v0, v41  }
0x71: {  	v40 =	vperm.xlane v7, v4;
	v41 =	vperm.xlane v0, v4;
	_ =	sdelay $0x1  }
0x72: {  	v7 =	vadd.f32 v7, v40;
	v0 =	vmax.f32 v0, v41  }
0x73: {  	v46 =	vperm.xlane v0, v3  }
0x74: {  	v47 =	vperm.xlane v7, v3  }
0x75: {  	v0 =	vmax.f32 v0, v46  }
0x76: {  	v7 =	vadd.f32 v7, v47;
	v40 =	vperm.xlane v0, v2;
	_ =	sdelay $0x1  }
0x77: {  	v41 =	vperm.xlane v7, v2;
	v0 =	vmax.f32 v0, v40  }
0x78: {  	v25 =	vsub.f32 v23, v0  }
0x79: {  	v7 =	vadd.f32 v7, v41  }
0x7a: {  	v28 =	vsub.f32 v28, v0;
	v25 =	vmul.f32 $1.442695020e+00, v25  }
0x7b: {  	(erf) = vrcp.f32 v7  }
0x7c: {  	v48 =	vsub.f32 v44, v0;
	v7 =	vmul.f32 $1.442695020e+00, v28;
	(erf) = vpow2.f32 v25;
	_ =	sdelay $0x1  }
0x7d: {  	v49 =	vsub.f32 v29, v0;
	(erf) = vpow2.f32 v7;
	v7 =	vmul.f32 $1.442695020e+00, v48;
	_ =	sdelay $0x1  }
0x7e: {  	v50 =	vsub.f32 v45, v0;
	(erf) = vpow2.f32 v7;
	v7 =	vmul.f32 $1.442695020e+00, v49;
	_ =	sdelay $0x1  }
0x7f: {  	v51 =	vsub.f32 v30, v0;
	v25 =	vmul.f32 $1.442695020e+00, v50;
	(erf) = vpow2.f32 v7;
	_ =	sdelay $0x1  }
0x80: {  	v52 =	vsub.f32 v31, v0;
	v27 =	vmul.f32 $1.442695020e+00, v51;
	(erf) = vpow2.f32 v25;
	v7 =	vpop (erf)  }
0x81: {  	v54 =	vsub.f32 v32, v0;
	v1 =	vpop (erf)  }
0x82: {  	v28 =	vmul.f32 $1.442695020e+00, v52;
	(erf) = vpow2.f32 v27;
	v53 =	vadd.f32 $0.0e+00, v1  }
0x83: {  	v56 =	vsub.f32 v33, v0;
	[tilespmem:$0x1FE90] =	vst v1;
	v1 =	vpop (erf)  }
0x84: {  	v55 =	vmul.f32 $1.442695020e+00, v54;
	(erf) = vpow2.f32 v28;
	v29 =	vadd.f32 v53, v1  }
0x85: {  	v57 =	vsub.f32 v34, v0;
	[tilespmem:$0x1FEA0] =	vst v1;
	v1 =	vpop (erf)  }
0x86: {  	v30 =	vmul.f32 $1.442695020e+00, v56;
	(erf) = vpow2.f32 v55;
	v29 =	vadd.f32 v29, v1  }
0x87: {  	v8 =	vsub.f32 v8, v0;
	v25 =	vpop (erf)  }
0x88: {  	v59 =	vmul.f32 $1.442695020e+00, v57;
	(erf) = vpow2.f32 v30;
	v58 =	vadd.f32 v29, v25  }
0x89: {  	v61 =	vsub.f32 v35, v0;
	[tilespmem:$0x1FEB0] =	vst v1;
	v1 =	vpop (erf)  }
0x8a: {  	v8 =	vmul.f32 $1.442695020e+00, v8;
	(erf) = vpow2.f32 v59;
	v60 =	vadd.f32 v58, v1  }
0x8b: {  	v62 =	vsub.f32 v36, v0;
	[tilespmem:$0x1FEC0] =	vst v1;
	v1 =	vpop (erf)  }
0x8c: {  	(erf) = vpow2.f32 v8;
	v8 =	vmul.f32 $1.442695020e+00, v61;
	v31 =	vadd.f32 v60, v1  }
0x8d: {  	v16 =	vsub.f32 v37, v0;
	[tilespmem:$0x1FEE0] =	vst v1;
	v1 =	vpop (erf)  }
0x8e: {  	(erf) = vpow2.f32 v8;
	v8 =	vmul.f32 $1.442695020e+00, v62;
	v63 =	vadd.f32 v31, v1  }
0x8f: {  	v22 =	vsub.f32 v38, v0;
	[tilespmem:$0x1FEF0] =	vst v1;
	v1 =	vpop (erf)  }
0x90: {  	v21 =	vld [tilespmem:$0x200];
	(erf) = vpow2.f32 v8;
	v8 =	vmul.f32 $1.442695020e+00, v16;
	v34 =	vadd.f32 v63, v1  }
0x91: {  	v42 =	vld [tilespmem:$0x210];
	v0 =	vsub.f32 v39, v0;
	[tilespmem:$0x1FF00] =	vst v1;
	v1 =	vpop (erf)  }
0x92: {  	v43 =	vld [tilespmem:$0x220];
	(erf) = vpow2.f32 v8;
	v8 =	vmul.f32 $1.442695020e+00, v22;
	v23 =	vadd.f32 v34, v1  }
0x93: {  	v44 =	vld [tilespmem:$0x230];
	[tilespmem:$0x1FF10] =	vst v1;
	v1 =	vpop (erf)  }
0x94: {  	v0 =	vmul.f32 $1.442695020e+00, v0;
	(erf) = vpow2.f32 v8;
	v36 =	vadd.f32 v23, v1  }
0x95: {  	[tilespmem:$0x1FF20] =	vst v1;
	v1 =	vpop (erf)  }
0x96: {  	v8 =	vmax.f32 v21, v42;
	(erf) = vpow2.f32 v0;
	v26 =	vadd.f32 v36, v1  }
0x97: {  	v8 =	vmax.f32 v8, v43;
	[tilespmem:$0x1FF30] =	vst v1;
	v1 =	vpop (erf)  }
0x98: {  	v47 =	vld [tilespmem:$0x260];
	v0 =	vmax.f32 v8, v44;
	v8 =	vadd.f32 v26, v1  }
0x99: {  	v45 =	vld [tilespmem:$0x240];
	[tilespmem:$0x1FF40] =	vst v1;
	v1 =	vpop (erf)  }
0x9a: {  	v46 =	vld [tilespmem:$0x250];
	v8 =	vadd.f32 v8, v1  }
0x9b: {  	v51 =	vld [tilespmem:$0x2A0];
	[tilespmem:$0x1FF50] =	vst v1;
	v1 =	vpop (erf)  }
0x9c: {  	v48 =	vld [tilespmem:$0x270];
	v8 =	vadd.f32 v8, v1  }
0x9d: {  	v49 =	vld [tilespmem:$0x280];
	[tilespmem:$0x1FF60] =	vst v1;
	v1 =	vpop (erf)  }
0x9e: {  	v50 =	vld [tilespmem:$0x290];
	v0 =	vmax.f32 v0, v45;
	v8 =	vadd.f32 v8, v1  }
0x9f: {  	v52 =	vld [tilespmem:$0x2B0];
	v0 =	vmax.f32 v0, v46;
	[tilespmem:$0x1FF70] =	vst v1;
	v1 =	vpop (erf)  }
0xa0: {  	v0 =	vmax.f32 v0, v47;
	[tilespmem:$0x1FF80] =	vst v1;
	v8 =	vadd.f32 v8, v1;
	v1 =	vld [tilespmem:$0x1FFF0]  }
0xa1: {  	v53 =	vld [tilespmem:$0x2C0];
	v0 =	vmax.f32 v0, v48  }
0xa2: {  	v54 =	vld [tilespmem:$0x2D0];
	v0 =	vmax.f32 v0, v49  }
0xa3: {  	v55 =	vld [tilespmem:$0x2E0];
	v0 =	vmax.f32 v0, v50  }
0xa4: {  	v56 =	vld [tilespmem:$0x2F0];
	v0 =	vmax.f32 v0, v51  }
0xa5: {  	v0 =	vmax.f32 v0, v52;
	v57 =	vperm.xlane v8, v1;
	v1 =	vld [tilespmem:$0x1FFF0]  }
0xa6: {  	v0 =	vmax.f32 v0, v53  }
0xa7: {  	v0 =	vmax.f32 v0, v54  }
0xa8: {  	v0 =	vmax.f32 v0, v55  }
0xa9: {  	v0 =	vmax.f32 v0, v56  }
0xaa: {  	v58 =	vperm.xlane v0, v1  }
0xab: {  	v8 =	vadd.f32 v8, v57  }
0xac: {  	v0 =	vmax.f32 v0, v58  }
0xad: {  	v57 =	vperm.xlane v8, v4;
	v58 =	vperm.xlane v0, v4;
	_ =	sdelay $0x1  }
0xae: {  	v8 =	vadd.f32 v8, v57;
	v0 =	vmax.f32 v0, v58  }
0xaf: {  	v27 =	vperm.xlane v0, v3  }
0xb0: {  	v28 =	vperm.xlane v8, v3  }
0xb1: {  	v0 =	vmax.f32 v0, v27  }
0xb2: {  	v8 =	vadd.f32 v8, v28;
	v57 =	vperm.xlane v0, v2;
	_ =	sdelay $0x1  }
0xb3: {  	v58 =	vperm.xlane v8, v2;
	v0 =	vmax.f32 v0, v57  }
0xb4: {  	v41 =	vsub.f32 v21, v0  }
0xb5: {  	v8 =	vadd.f32 v8, v58  }
0xb6: {  	v42 =	vsub.f32 v42, v0;
	v41 =	vmul.f32 $1.442695020e+00, v41  }
0xb7: {  	(erf) = vrcp.f32 v8  }
0xb8: {  	v29 =	vsub.f32 v43, v0;
	v8 =	vmul.f32 $1.442695020e+00, v42;
	(erf) = vpow2.f32 v41;
	_ =	sdelay $0x1  }
0xb9: {  	v30 =	vsub.f32 v44, v0;
	(erf) = vpow2.f32 v8;
	v8 =	vmul.f32 $1.442695020e+00, v29;
	_ =	sdelay $0x1  }
0xba: {  	(erf) = vpow2.f32 v8;
	v8 =	vmul.f32 $1.442695020e+00, v30  }
0xbb: {  	v31 =	vsub.f32 v45, v0  }
0xbc: {  	(erf) = vpow2.f32 v8  }
0xbd: {  	v33 =	vsub.f32 v46, v0;
	v32 =	vmul.f32 $1.442695020e+00, v31  }
0xbe: {  	v8 =	vpop (erf)  }
0xbf: {  	v34 =	vsub.f32 v47, v0;
	v43 =	vmul.f32 $1.442695020e+00, v33;
	(erf) = vpow2.f32 v32;
	v41 =	vpop (erf)  }
0xc0: {  	v35 =	vadd.f32 $0.0e+00, v41  }
0xc1: {  	v37 =	vsub.f32 v48, v0;
	v36 =	vmul.f32 $1.442695020e+00, v34;
	(erf) = vpow2.f32 v43;
	v42 =	vpop (erf)  }
0xc2: {  	v49 =	vsub.f32 v49, v0;
	v45 =	vadd.f32 v35, v42  }
0xc3: {  	(erf) = vpow2.f32 v36;
	v44 =	vpop (erf)  }
0xc4: {  	v48 =	vmul.f32 $1.442695020e+00, v37;
	v46 =	vmul.f32 $1.442695020e+00, v49;
	v45 =	vadd.f32 v45, v44  }
0xc5: {  	v43 =	vpop (erf)  }
0xc6: {  	v57 =	vsub.f32 v50, v0;
	(erf) = vpow2.f32 v48;
	v45 =	vadd.f32 v45, v43;
	_ =	sdelay $0x1  }
0xc7: {  	v58 =	vsub.f32 v51, v0;
	v47 =	vmul.f32 $1.442695020e+00, v57;
	(erf) = vpow2.f32 v46;
	v46 =	vpop (erf)  }
0xc8: {  	v59 =	vadd.f32 v45, v46  }
0xc9: {  	v61 =	vsub.f32 v52, v0;
	v60 =	vmul.f32 $1.442695020e+00, v58;
	(erf) = vpow2.f32 v47;
	v45 =	vpop (erf)  }
0xca: {  	v62 =	vadd.f32 v59, v45  }
0xcb: {  	v48 =	vmul.f32 $1.442695020e+00, v61;
	(erf) = vpow2.f32 v60;
	v49 =	vpop (erf)  }
0xcc: {  	v63 =	vsub.f32 v53, v0;
	v50 =	vadd.f32 v62, v49  }
0xcd: {  	(erf) = vpow2.f32 v48  }
0xce: {  	v6 =	vld [tilespmem:$0x380];
	v21 =	vsub.f32 v54, v0;
	v16 =	vmul.f32 $1.442695020e+00, v63;
	v47 =	vpop (erf)  }
0xcf: {  	v58 =	vld [tilespmem:$0x300];
	v22 =	vadd.f32 v50, v47  }
0xd0: {  	v26 =	vsub.f32 v55, v0;
	v23 =	vmul.f32 $1.442695020e+00, v21;
	(erf) = vpow2.f32 v16;
	v59 =	vld [tilespmem:$0x310];
	v50 =	vpop (erf)  }
0xd1: {  	v60 =	vld [tilespmem:$0x320];
	v52 =	vadd.f32 v22, v50  }
0xd2: {  	v0 =	vsub.f32 v56, v0;
	v27 =	vmul.f32 $1.442695020e+00, v26;
	v61 =	vld [tilespmem:$0x330];
	(erf) = vpow2.f32 v23;
	v56 =	vpop (erf)  }
0xd3: {  	v62 =	vld [tilespmem:$0x340];
	v28 =	vadd.f32 v52, v56  }
0xd4: {  	v0 =	vmul.f32 $1.442695020e+00, v0;
	v48 =	vld [tilespmem:$0x350];
	(erf) = vpow2.f32 v27;
	v57 =	vpop (erf)  }
0xd5: {  	v10 =	vld [tilespmem:$0x360];
	v31 =	vmul.f32 v5, v5;
	v29 =	vmax.f32 v58, v59;
	v51 =	vadd.f32 v28, v57  }
0xd6: {  	v9 =	vld [tilespmem:$0x370];
	v63 =	vmul.f32 v13, v13;
	(erf) = vpow2.f32 v0;
	v0 =	vmax.f32 v29, v60;
	v55 =	vpop (erf)  }
0xd7: {  	v21 =	vld [tilespmem:$0x390];
	v0 =	vmax.f32 v0, v61;
	v51 =	vadd.f32 v51, v55  }
0xd8: {  	v39 =	vmovc v3;
	v3 =	vmul.f32 v11, v11;
	v34 =	vld [tilespmem:$0x3D0];
	v53 =	vadd.f32 v63, v31;
	v0 =	vmax.f32 v0, v62  }
0xd9: {  	v1 =	vmul.f32 v24, v24;
	v22 =	vld [tilespmem:$0x3A0];
	v0 =	vmax.f32 v0, v48;
	v54 =	vpop (erf)  }
0xda: {  	v3 =	vadd.f32 v53, v3;
	v23 =	vld [tilespmem:$0x3B0];
	v0 =	vmax.f32 v0, v10;
	v30 =	vadd.f32 v51, v54  }
0xdb: {  	v14 =	vmov v5;
	v16 =	vld [tilespmem:$0x3C0];
	v0 =	vmax.f32 v0, v9;
	v51 =	vpop (erf)  }
0xdc: {  	v40 =	vmovc v2;
	v2 =	vadd.f32 v3, v1;
	v1 =	vld [tilespmem:$0x1FFF0];
	v0 =	vmax.f32 v0, v6;
	v5 =	vadd.f32 v30, v51  }
0xdd: {  	v36 =	vld [tilespmem:$0x3E0];
	v35 =	vmax.f32 v0, v21;
	v52 =	vpop (erf)  }
0xde: {  	v63 =	vld [tilespmem:$0x3F0];
	v0 =	vmax.f32 v35, v22;
	v5 =	vadd.f32 v5, v52  }
0xdf: {  	v38 =	vmov v4;
	v4 =	vld [tilespmem:$0x1FFF0];
	v0 =	vmax.f32 v0, v23;
	v53 =	vpop (erf)  }
0xe0: {  	v0 =	vmax.f32 v0, v16;
	v5 =	vadd.f32 v5, v53  }
0xe1: {  	v3 =	vmul.f32 v19, v19;
	v0 =	vmax.f32 v0, v34  }
0xe2: {  	v12 =	vld [tilespmem:$0x1FE20];
	v0 =	vmax.f32 v0, v36;
	v1 =	vperm.xlane v5, v1  }
0xe3: {  	v2 =	vadd.f32 v2, v3;
	v3 =	vmul.f32 v17, v17;
	v0 =	vmax.f32 v0, v63  }
0xe4: {  	v1 =	vadd.f32 v5, v1;
	v5 =	vperm.xlane v0, v4  }
0xe5: {  	v2 =	vadd.f32 v2, v3;
	v3 =	vmul.f32 v20, v20  }
0xe6: {  	v26 =	vld [tilespmem:$0x1FE30];
	v0 =	vmax.f32 v0, v5;
	v5 =	vperm.xlane v1, v38  }
0xe7: {  	v4 =	vadd.f32 v2, v3;
	v3 =	vmul.f32 v12, v12;
	v2 =	vperm.xlane v0, v38  }
0xe8: {  	v32 =	vld [tilespmem:$0x1FE40];
	v1 =	vadd.f32 v1, v5  }
0xe9: {  	v3 =	vadd.f32 v4, v3;
	v0 =	vmax.f32 v0, v2;
	v2 =	vmul.f32 v18, v18  }
0xea: {  	v31 =	vld [tilespmem:$0x1FE50];
	v4 =	vperm.xlane v1, v39;
	v5 =	vperm.xlane v0, v39  }
0xeb: {  	v2 =	vadd.f32 v3, v2;
	v3 =	vmul.f32 v26, v26  }
0xec: {  	v30 =	vld [tilespmem:$0x1FE60];
	v1 =	vadd.f32 v1, v4;
	v0 =	vmax.f32 v0, v5  }
0xed: {  	v2 =	vadd.f32 v2, v3;
	v3 =	vmul.f32 v32, v32;
	v4 =	vperm.xlane v0, v40  }
0xee: {  	v29 =	vld [tilespmem:$0x1FE70];
	v5 =	vperm.xlane v1, v40  }
0xef: {  	v2 =	vadd.f32 v2, v3;
	v3 =	vmax.f32 v0, v4;
	v0 =	vmul.f32 v31, v31  }
0xf0: {  	v1 =	vadd.f32 v1, v5;
	v4 =	vsub.f32 v58, v3  }
0xf1: {  	v5 =	vmul.f32 v30, v30;
	v0 =	vadd.f32 v2, v0  }
0xf2: {  	v27 =	vld [tilespmem:$0x1FE80];
	(erf) = vrcp.f32 v1;
	v1 =	vmul.f32 $1.442695020e+00, v4  }
0xf3: {  	v2 =	vsub.f32 v59, v3;
	v4 =	vmul.f32 v29, v29;
	v0 =	vadd.f32 v0, v5  }
0xf4: {  	v35 =	vld [tilespmem:$0x1FEA0];
	v5 =	vsub.f32 v61, v3;
	(erf) = vpow2.f32 v1;
	v1 =	vsub.f32 v60, v3  }
0xf5: {  	v2 =	vmul.f32 $1.442695020e+00, v2;
	v0 =	vadd.f32 v0, v4  }
0xf6: {  	v33 =	vld [tilespmem:$0x1FE90];
	v4 =	vmul.f32 $1.442695020e+00, v5;
	v5 =	vsub.f32 v62, v3;
	v1 =	vmul.f32 $1.442695020e+00, v1  }
0xf7: {  	v6 =	vsub.f32 v6, v3;
	(erf) = vpow2.f32 v2;
	v2 =	vmul.f32 v27, v27  }
0xf8: {  	(erf) = vpow2.f32 v1;
	v1 =	vmul.f32 $1.442695020e+00, v5;
	v5 =	vsub.f32 v48, v3  }
0xf9: {  	v62 =	vmul.f32 v35, v35;
	(erf) = vpow2.f32 v4;
	v4 =	vsub.f32 v10, v3  }
0xfa: {  	(erf) = vpow2.f32 v1;
	v1 =	vmul.f32 $1.442695020e+00, v5;
	v5 =	vsub.f32 v9, v3  }
0xfb: {  	v28 =	vld [tilespmem:$0x1FEB0];
	v0 =	vadd.f32 v0, v2;
	v2 =	vmul.f32 v33, v33;
	v4 =	vmul.f32 $1.442695020e+00, v4  }
0xfc: {  	(erf) = vpow2.f32 v1;
	v1 =	vmul.f32 $1.442695020e+00, v5;
	v5 =	vsub.f32 v21, v3  }
0xfd: {  	v48 =	vpop (erf);
	(erf) = vpow2.f32 v4;
	v4 =	vmul.f32 $1.442695020e+00, v6  }
0xfe: {  	v58 =	vpop (erf);
	v6 =	vsub.f32 v22, v3;
	v22 =	vld [tilespmem:$0x1FED0];
	(erf) = vpow2.f32 v1;
	v5 =	vmul.f32 $1.442695020e+00, v5  }
0xff: {  	v2 =	vadd.f32 v62, v2;
	v1 =	vadd.f32 $0.0e+00, v58;
	(erf) = vpow2.f32 v4  }
0x100: {  	v9 =	vmul.f32 v28, v28;
	v59 =	vpop (erf);
	(erf) = vpow2.f32 v5;
	v5 =	vsub.f32 v23, v3;
	v23 =	vld [tilespmem:$0x1FEC0]  }
0x101: {  	v15 =	vmov v13;
	v1 =	vadd.f32 v1, v59  }
0x102: {  	v13 =	vld [tilespmem:$0x1FEE0];
	v2 =	vadd.f32 v2, v9;
	v4 =	vmul.f32 v25, v25;
	v6 =	vmul.f32 $1.442695020e+00, v6;
	v60 =	vpop (erf)  }
0x103: {  	v1 =	vadd.f32 v1, v60;
	v9 =	vmul.f32 v22, v22  }
0x104: {  	v2 =	vadd.f32 v2, v4;
	(erf) = vpow2.f32 v6;
	v61 =	vpop (erf)  }
0x105: {  	v6 =	vadd.f32 v0, v9;
	v0 =	vadd.f32 v1, v61;
	v4 =	vmul.f32 v23, v23  }
0x106: {  	v5 =	vmul.f32 $1.442695020e+00, v5;
	v62 =	vpop (erf)  }
0x107: {  	v10 =	vadd.f32 v0, v62;
	v0 =	vld [tilespmem:$0x1FEF0];
	v2 =	vadd.f32 v2, v4;
	v4 =	vmul.f32 v13, v13;
	_ =	sdelay $0x1  }
0x108: {  	(erf) = vpow2.f32 v5;
	v5 =	vmul.f32 v7, v11;
	v1 =	vadd.f32 v2, v4  }
0x109: {  	v2 =	vmul.f32 v7, v14;
	v14 =	vmul.f32 v7, v19;
	v19 =	vsub.f32 v16, v3  }
0x10a: {  	v9 =	vmul.f32 v7, v24;
	v11 =	vsub.f32 v34, v3;
	v16 =	vmul.f32 v7, v20;
	v20 =	vld [tilespmem:$0x1FF00]  }
0x10b: {  	v24 =	vmul.f32 v0, v0;
	v19 =	vmul.f32 $1.442695020e+00, v19  }
0x10c: {  	v34 =	vld [tilespmem:$0x1FF10];
	v11 =	vmul.f32 $1.442695020e+00, v11;
	[tilespmem:$0x0] =	vst v2;
	v2 =	vmul.f32 v7, v12;
	v12 =	vsub.f32 v36, v3  }
0x10d: {  	v37 =	vpop (erf);
	v4 =	vmul.f32 v7, v15;
	v3 =	vsub.f32 v63, v3;
	v36 =	vld [tilespmem:$0x1FF20];
	(erf) = vpow2.f32 v19  }
0x10e: {  	[tilespmem:$0x20] =	vst v5;
	v21 =	vadd.f32 v1, v24;
	v1 =	vpop (erf);
	(erf) = vpow2.f32 v11;
	v11 =	vmul.f32 $1.442695020e+00, v12;
	v12 =	vld [tilespmem:$0x1FFF0]  }
0x10f: {  	v5 =	vmul.f32 v7, v18;
	[tilespmem:$0x10] =	vst v4;
	v4 =	vmul.f32 v20, v20;
	v24 =	vpop (erf)  }
0x110: {  	v10 =	vadd.f32 v10, v37;
	[tilespmem:$0x40] =	vst v14;
	v14 =	vmul.f32 v7, v26;
	v26 =	vld [tilespmem:$0x1FF30];
	v3 =	vmul.f32 $1.442695020e+00, v3;
	v19 =	vpop (erf)  }
0x111: {  	[tilespmem:$0x30] =	vst v9;
	v9 =	vmul.f32 v34, v34;
	v4 =	vadd.f32 v21, v4;
	v63 =	vpop (erf);
	(erf) = vpow2.f32 v11  }
0x112: {  	v10 =	vadd.f32 v10, v1;
	v11 =	vpop (erf);
	(erf) = vpow2.f32 v3;
	v3 =	vmul.f32 v7, v31;
	v31 =	vld [tilespmem:$0x1FF40]  }
0x113: {  	[tilespmem:$0x80] =	vst v5;
	v4 =	vadd.f32 v4, v9;
	v9 =	vmul.f32 v36, v36;
	v12 =	vperm.xlane v6, v12  }
0x114: {  	v5 =	vmul.f32 v7, v32;
	v10 =	vadd.f32 v10, v24;
	[tilespmem:$0xB0] =	vst v3;
	v3 =	vmul.f32 v7, v29;
	v29 =	vld [tilespmem:$0x1FF50]  }
0x115: {  	[tilespmem:$0x70] =	vst v2;
	v4 =	vadd.f32 v4, v9;
	v2 =	vadd.f32 v12, v6;
	v6 =	vmul.f32 v26, v26  }
0x116: {  	v15 =	vmul.f32 v7, v17;
	[tilespmem:$0xA0] =	vst v5;
	v5 =	vmul.f32 v7, v30;
	v30 =	vld [tilespmem:$0x1FF60];
	v10 =	vadd.f32 v10, v19  }
0x117: {  	v4 =	vadd.f32 v4, v6;
	v6 =	vmul.f32 v31, v31  }
0x118: {  	v32 =	vld [tilespmem:$0x1FF70];
	[tilespmem:$0x50] =	vst v15;
	v10 =	vadd.f32 v10, v63  }
0x119: {  	[tilespmem:$0x60] =	vst v16;
	v4 =	vadd.f32 v4, v6;
	v6 =	vmul.f32 v29, v29  }
0x11a: {  	[tilespmem:$0xC0] =	vst v5;
	v5 =	vmul.f32 v7, v27;
	v27 =	vld [tilespmem:$0x1FF80];
	v9 =	vadd.f32 v10, v11;
	v10 =	vperm.xlane v2, v38  }
0x11b: {  	[tilespmem:$0xD0] =	vst v3;
	v3 =	vmul.f32 v7, v22;
	v12 =	vpop (erf);
	v4 =	vadd.f32 v4, v6;
	v6 =	vmul.f32 v30, v30  }
0x11c: {  	v34 =	vmul.f32 v8, v34;
	[tilespmem:$0x90] =	vst v14;
	v9 =	vadd.f32 v9, v12;
	v2 =	vadd.f32 v10, v2  }
0x11d: {  	v14 =	vpop (erf);
	[tilespmem:$0xF0] =	vst v3;
	v10 =	vmul.f32 v8, v33;
	v3 =	vadd.f32 v4, v6;
	v4 =	vmul.f32 v32, v32  }
0x11e: {  	[tilespmem:$0xE0] =	vst v5;
	v22 =	vmul.f32 v8, v28;
	v28 =	vmul.f32 v8, v0;
	v9 =	vadd.f32 v9, v14  }
0x11f: {  	v15 =	vpop (erf);
	v5 =	vperm.xlane v2, v39;
	[tilespmem:$0x100] =	vst v10;
	v10 =	vmul.f32 v27, v27;
	v3 =	vadd.f32 v3, v4  }
0x120: {  	[tilespmem:$0x180] =	vst v34;
	v9 =	vadd.f32 v9, v15;
	v6 =	vmul.f32 v8, v35  }
0x121: {  	[tilespmem:$0x160] =	vst v28;
	v16 =	vpop (erf);
	v28 =	vadd.f32 v5, v2;
	v2 =	vmul.f32 v8, v29;
	v3 =	vadd.f32 v3, v10;
	v10 =	vld [tilespmem:$0x1FFF0]  }
0x122: {  	v9 =	vadd.f32 v9, v16;
	[tilespmem:$0x110] =	vst v6;
	v4 =	vmul.f32 v8, v25  }
0x123: {  	v34 =	vmul.f32 v59, v59;
	v17 =	vpop (erf);
	v6 =	vmul.f32 v8, v23;
	[tilespmem:$0x1C0] =	vst v2  }
0x124: {  	v33 =	vmul.f32 v42, v42;
	v25 =	vmul.f32 v8, v13;
	v9 =	vadd.f32 v9, v17;
	[tilespmem:$0x130] =	vst v4  }
0x125: {  	v4 =	vmul.f32 v41, v41;
	[tilespmem:$0x140] =	vst v6;
	v6 =	vmul.f32 v8, v20  }
0x126: {  	v2 =	vmul.f32 v8, v27;
	[tilespmem:$0x150] =	vst v25;
	v10 =	vperm.xlane v9, v10  }
0x127: {  	v35 =	vmul.f32 v44, v44;
	v4 =	vadd.f32 v33, v4;
	[tilespmem:$0x170] =	vst v6;
	v6 =	vmul.f32 v8, v31  }
0x128: {  	v25 =	vmul.f32 v8, v26;
	v26 =	vmul.f32 v43, v43;
	[tilespmem:$0x1F0] =	vst v2;
	v9 =	vadd.f32 v9, v10  }
0x129: {  	v2 =	vmul.f32 v48, v42;
	v4 =	vadd.f32 v4, v35;
	[tilespmem:$0x1B0] =	vst v6;
	v6 =	vmul.f32 v58, v58  }
0x12a: {  	v35 =	vmul.f32 v60, v60;
	v5 =	vperm.xlane v9, v38  }
0x12b: {  	v31 =	vld [tilespmem:$0x1FFF0];
	v4 =	vadd.f32 v4, v26;
	v6 =	vadd.f32 v34, v6;
	v10 =	vmul.f32 v8, v36  }
0x12c: {  	v36 =	vmul.f32 v48, v41;
	v5 =	vadd.f32 v9, v5;
	v9 =	vmul.f32 v46, v46  }
0x12d: {  	v41 =	vmul.f32 v61, v61;
	[tilespmem:$0x190] =	vst v10;
	v10 =	vmul.f32 v8, v30  }
0x12e: {  	[tilespmem:$0x120] =	vst v22;
	v6 =	vadd.f32 v6, v35;
	v4 =	vadd.f32 v4, v9;
	v9 =	vperm.xlane v5, v39  }
0x12f: {  	v33 =	vmul.f32 v8, v32;
	[tilespmem:$0x1D0] =	vst v10;
	v10 =	vmul.f32 v45, v45  }
0x130: {  	[tilespmem:$0x210] =	vst v2;
	v22 =	vperm.xlane v3, v31;
	v2 =	vadd.f32 v6, v41;
	v5 =	vadd.f32 v5, v9  }
0x131: {  	[tilespmem:$0x1A0] =	vst v25;
	v6 =	vmul.f32 v47, v47;
	v9 =	vmul.f32 v49, v49;
	v4 =	vadd.f32 v4, v10  }
0x132: {  	[tilespmem:$0x1E0] =	vst v33;
	v10 =	vmul.f32 v48, v44;
	v42 =	vperm.xlane v5, v40  }
0x133: {  	[tilespmem:$0x200] =	vst v36;
	v44 =	vmul.f32 v48, v43;
	v49 =	vmul.f32 v48, v49;
	v4 =	vadd.f32 v4, v9  }
0x134: {  	[tilespmem:$0x220] =	vst v10;
	v10 =	vmul.f32 v48, v46;
	v46 =	vmul.f32 v62, v62;
	v5 =	vadd.f32 v5, v42  }
0x135: {  	[tilespmem:$0x230] =	vst v44;
	v9 =	vmul.f32 v48, v45;
	v4 =	vadd.f32 v4, v6;
	v6 =	vmul.f32 v50, v50  }
0x136: {  	[tilespmem:$0x260] =	vst v49;
	v2 =	vadd.f32 v2, v46;
	(erf) = vrcp.f32 v5;
	v5 =	vmul.f32 v37, v37  }
0x137: {  	[tilespmem:$0x250] =	vst v9;
	v9 =	vmul.f32 v48, v47;
	v4 =	vadd.f32 v4, v6;
	v6 =	vmul.f32 v56, v56  }
0x138: {  	[tilespmem:$0x240] =	vst v10;
	v10 =	vmul.f32 v48, v50;
	v2 =	vadd.f32 v2, v5;
	v5 =	vmul.f32 v1, v1  }
0x139: {  	[tilespmem:$0x270] =	vst v9;
	v9 =	vmul.f32 v48, v56;
	v4 =	vadd.f32 v4, v6;
	v6 =	vmul.f32 v57, v57  }
0x13a: {  	[tilespmem:$0x280] =	vst v10;
	v10 =	vmul.f32 v48, v57;
	v2 =	vadd.f32 v2, v5;
	v5 =	vmul.f32 v24, v24  }
0x13b: {  	[tilespmem:$0x290] =	vst v9;
	v9 =	vmul.f32 v48, v55;
	v4 =	vadd.f32 v4, v6;
	v6 =	vmul.f32 v55, v55  }
0x13c: {  	[tilespmem:$0x2A0] =	vst v10;
	v10 =	vmul.f32 v48, v54;
	v2 =	vadd.f32 v2, v5;
	v5 =	vmul.f32 v19, v19  }
0x13d: {  	[tilespmem:$0x2B0] =	vst v9;
	v9 =	vmul.f32 v48, v51;
	v4 =	vadd.f32 v4, v6;
	v6 =	vmul.f32 v54, v54  }
0x13e: {  	[tilespmem:$0x2C0] =	vst v10;
	v10 =	vmul.f32 v48, v52;
	v2 =	vadd.f32 v2, v5;
	v5 =	vmul.f32 v63, v63  }
0x13f: {  	[tilespmem:$0x2D0] =	vst v9;
	v9 =	vmul.f32 v48, v53;
	v4 =	vadd.f32 v4, v6;
	v6 =	vmul.f32 v51, v51;
	v57 =	vpop (erf)  }
0x140: {  	[tilespmem:$0x2E0] =	vst v10;
	v2 =	vadd.f32 v2, v5;
	v5 =	vmul.f32 v11, v11;
	v10 =	vmul.f32 v57, v58  }
0x141: {  	[tilespmem:$0x2F0] =	vst v9;
	v9 =	vmul.f32 v57, v59;
	v4 =	vadd.f32 v4, v6;
	v6 =	vmul.f32 v52, v52  }
0x142: {  	v0 =	vmul.f32 v57, v37;
	v2 =	vadd.f32 v2, v5;
	[tilespmem:$0x300] =	vst v10;
	v5 =	vmul.f32 v12, v12  }
0x143: {  	v3 =	vadd.f32 v22, v3;
	v1 =	vmul.f32 v57, v1;
	v10 =	vmul.f32 v57, v60;
	[tilespmem:$0x310] =	vst v9  }
0x144: {  	v13 =	vld [tilespmem:$0x1FFF0];
	v9 =	vmul.f32 v57, v61;
	[tilespmem:$0x350] =	vst v0;
	v2 =	vadd.f32 v2, v5;
	v5 =	vmul.f32 v14, v14  }
0x145: {  	v4 =	vadd.f32 v4, v6;
	v6 =	vmul.f32 v53, v53;
	v0 =	vmul.f32 v57, v24;
	[tilespmem:$0x360] =	vst v1  }
0x146: {  	v1 =	vmul.f32 v57, v19;
	[tilespmem:$0x320] =	vst v10;
	v2 =	vadd.f32 v2, v5;
	v5 =	vmul.f32 v15, v15  }
0x147: {  	v10 =	vmul.f32 v57, v62;
	[tilespmem:$0x330] =	vst v9;
	v9 =	vperm.xlane v3, v38;
	v4 =	vadd.f32 v4, v6  }
0x148: {  	[tilespmem:$0x370] =	vst v0;
	v0 =	vmul.f32 v57, v63;
	v2 =	vadd.f32 v2, v5;
	v5 =	vmul.f32 v16, v16  }
0x149: {  	[tilespmem:$0x380] =	vst v1;
	v1 =	vmul.f32 v57, v11;
	v3 =	vadd.f32 v9, v3;
	v6 =	vperm.xlane v4, v13  }
0x14a: {  	[tilespmem:$0x390] =	vst v0;
	v0 =	vmul.f32 v57, v12;
	v2 =	vadd.f32 v2, v5;
	v5 =	vmul.f32 v17, v17  }
0x14b: {  	v9 =	vperm.xlane v28, v40;
	[tilespmem:$0x3A0] =	vst v1;
	v1 =	vmul.f32 v57, v14  }
0x14c: {  	v4 =	vadd.f32 v6, v4;
	v6 =	vperm.xlane v3, v39;
	[tilespmem:$0x3B0] =	vst v0;
	v2 =	vadd.f32 v2, v5  }
0x14d: {  	v0 =	vmul.f32 v57, v15;
	[tilespmem:$0x3C0] =	vst v1;
	v1 =	vmul.f32 v57, v16  }
0x14e: {  	[tilespmem:$0x340] =	vst v10;
	v5 =	vperm.xlane v4, v38;
	v10 =	vperm.xlane v2, v13  }
0x14f: {  	v9 =	vadd.f32 v9, v28;
	v3 =	vadd.f32 v6, v3;
	[tilespmem:$0x3D0] =	vst v0;
	v0 =	vmul.f32 v57, v17  }
0x150: {  	s14 =	sand.u32 $0x70, s3;
	s15 =	sand.u32 $0x3E00, s3;
	[tilespmem:$0x3E0] =	vst v1;
	v4 =	vadd.f32 v5, v4;
	v1 =	vadd.f32 v10, v2  }
0x151: {  	s14 =	sor.u32 s14, s15;
	[tilespmem:$0x3F0] =	vst v0;
	v0 =	vld [tilespmem:$0x5400];
	v5 =	vperm.xlane v3, v40;
	v2 =	vmul.f32 v9, v7  }
0x152: {  	v6 =	vperm.xlane v4, v39;
	v10 =	vld [tilespmem:s14+$0x480];
	v9 =	vperm.xlane v1, v38  }
0x153: {  	v3 =	vadd.f32 v5, v3;
	v5 =	vld [tilespmem:s14+$0x400];
	v2 =	vmul.f32 v2, v7  }
0x154: {  	v4 =	vadd.f32 v6, v4;
	v6 =	vld [tilespmem:s14+$0x500];
	v1 =	vadd.f32 v9, v1  }
0x155: {  	v3 =	vmul.f32 v3, v8;
	v2 =	vadd.f32 $0.0e+00, v2  }
0x156: {  	v11 =	vld [tilespmem:s14+$0x580];
	v7 =	vperm.xlane v4, v40;
	v9 =	vperm.xlane v1, v39  }
0x157: {  	v3 =	vmul.f32 v3, v8;
	v8 =	vadd.s32 $0x100, v10;
	v2 =	vadd.f32 $1.000000000e+00, v2  }
0x158: {  	v4 =	vadd.f32 v7, v4;
	v1 =	vadd.f32 v9, v1  }
0x159: {  	v0 =	vmax.f32 v0, $1.000000010e-01;
	v2 =	vadd.f32 v3, v2;
	v3 =	vadd.s32 $0x200, v6  }
0x15a: {  	v0 =	vmin.f32 v0, $1.000000000e+01;
	v4 =	vmul.f32 v4, v48;
	v6 =	vperm.xlane v1, v40  }
0x15b: {  	(erf) = vrcp.f32 v0;
	v0 =	vld.idx.msk [tilespmem:v5+s3+$0x0], $0xffff;
	v5 =	vadd.s32 $0x300, v11  }
0x15c: {  	v2 =	vadd.f32 $1.000000000e+00, v2;
	v4 =	vmul.f32 v4, v48;
	v1 =	vadd.f32 v6, v1;
	v6 =	vld.idx.msk [tilespmem:v8+s3+$0x0], $0xffff;
	_ =	sdelay $0x1  }
0x15d: {  	v2 =	vadd.f32 v4, v2;
	v3 =	vld.idx.msk [tilespmem:v3+s3+$0x0], $0xffff;
	v1 =	vmul.f32 v1, v57;
	_ =	sdelay $0x1  }
0x15e: {  	v4 =	vld.idx.msk [tilespmem:v5+s3+$0x0], $0xffff;
	v2 =	vadd.f32 $1.000000000e+00, v2;
	v1 =	vmul.f32 v1, v57  }
0x15f: {  	v0 =	vadd.f32 v6, v0  }
0x160: {  	v1 =	vadd.f32 v1, v2  }
0x161: {  	v2 =	vadd.f32 v3, v0  }
0x162: {  	v3 =	vpop (erf);
	v1 =	vadd.f32 $1.000000000e+00, v1  }
0x163: {  	v0 =	vadd.f32 v3, v3;
	v2 =	vadd.f32 v4, v2;
	_ =	sdelay $0x1  }
0x164: {  	v7 =	vmul.f32 v1, v3;
	v1 =	vmul.f32 v2, v0;
	_ =	sdelay $0x1  }
0x165: {  	v1 =	vsub.f32 v1, v7;
	_ =	sdelay $0x1  }
0x166: {  	v1 =	vmul.f32 $1.442695020e+00, v1;
	_ =	sdelay $0x1  }
0x167: {  	(erf) = vpow2.f32 v1;
	_ =	sdelay $0x7  }
0x168: {  	s31 =	simm.s32 $0x10;
	s18 =	simm.s32 $0x0;
	s14 =	simm.s32 $0x40  }
0x169: {  	s16 =	sand.u32 $0x70, s31;
	s15 =	simm.s32 $0x20;
	s17 =	sand.u32 $0x3E00, s14;
	v8 =	vimm.f32 $0.0e+00;
	v9 =	vpop (erf)  }
.LBB2_2:
0x16a: {  	p0 =	sne.s32 s15, $0xFF0;
	s16 =	sor.u32 s16, s17;
	[tilespmem:s18+$0x4400] =	vst v9;
	v8 =	vadd.f32 v9, v8;
	s18 =	smov.u32 s14  }
0x16b: {  	v1 =	vld [tilespmem:s16+$0x480]  }
0x16c: {  	v2 =	vld [tilespmem:s16+$0x400]  }
0x16d: {  	v3 =	vld [tilespmem:s16+$0x500];
	_ =	sdelay $0x1  }
0x16e: {  	v4 =	vld [tilespmem:s16+$0x580]  }
0x16f: {  	v1 =	vadd.s32 $0x100, v1;
	_ =	sdelay $0x1  }
0x170: {  	v3 =	vadd.s32 $0x200, v3;
	_ =	sdelay $0x1  }
0x171: {  	v2 =	vld.idx.msk [tilespmem:v2+s3+$0x0], $0xffff;
	v4 =	vadd.s32 $0x300, v4  }
0x172: {  	v1 =	vld.idx.msk [tilespmem:v1+s3+$0x0], $0xffff;
	_ =	sdelay $0x1  }
0x173: {  	v3 =	vld.idx.msk [tilespmem:v3+s3+$0x0], $0xffff;
	_ =	sdelay $0x1  }
0x174: {  	v4 =	vld.idx.msk [tilespmem:v4+s3+$0x0], $0xffff;
	_ =	sdelay $0x1  }
0x175: {  	v1 =	vadd.f32 v1, v2;
	_ =	sdelay $0x1  }
0x176: {  	v1 =	vadd.f32 v3, v1;
	_ =	sdelay $0x1  }
0x177: {  	v1 =	vadd.f32 v4, v1;
	_ =	sdelay $0x1  }
0x178: {  	v1 =	vmul.f32 v1, v0;
	_ =	sdelay $0x1  }
0x179: {  	v1 =	vsub.f32 v1, v7;
	_ =	sdelay $0x1  }
0x17a: {  	v1 =	vmul.f32 $1.442695020e+00, v1;
	_ =	sdelay $0x1  }
0x17b: {  	(erf) = vpow2.f32 v1;
	_ =	sdelay $0x4  }
.Ltmp0:
0x17c: {  	(pc) =	sbr.rel @p0 .LBB2_2-.Ltmp0, $3  }
0x17d: {  	_ =	sdelay $0x1  }
0x17e: {  	s14 =	sadd.s32 $0x40, s14;
	s16 =	sand.u32 $0x70, s15  }
0x17f: {  	s17 =	sand.u32 $0x3E00, s14;
	s18 =	sshra.s32 s18, $0x2;
	s15 =	sadd.s32 $0x10, s15;
	v9 =	vpop (erf)  }
0x180: {  	s15 =	sor.u32 s16, s17;
	[tilespmem:s18+$0x4400] =	vst v9  }
0x181: {  	v1 =	vld [tilespmem:s15+$0x480]  }
0x182: {  	v2 =	vld [tilespmem:s15+$0x400]  }
0x183: {  	v3 =	vld [tilespmem:s15+$0x500];
	_ =	sdelay $0x1  }
0x184: {  	v4 =	vld [tilespmem:s15+$0x580]  }
0x185: {  	v1 =	vadd.s32 $0x100, v1;
	_ =	sdelay $0x1  }
0x186: {  	v3 =	vadd.s32 $0x200, v3;
	_ =	sdelay $0x1  }
0x187: {  	v4 =	vadd.s32 $0x300, v4;
	v2 =	vld.idx.msk [tilespmem:v2+s3+$0x0], $0xffff  }
0x188: {  	v1 =	vld.idx.msk [tilespmem:v1+s3+$0x0], $0xffff;
	_ =	sdelay $0x1  }
0x189: {  	v3 =	vld.idx.msk [tilespmem:v3+s3+$0x0], $0xffff;
	_ =	sdelay $0x1  }
0x18a: {  	v4 =	vld.idx.msk [tilespmem:v4+s3+$0x0], $0xffff  }
0x18b: {  	v1 =	vadd.f32 v1, v2;
	_ =	sdelay $0x1  }
0x18c: {  	v1 =	vadd.f32 v3, v1;
	_ =	sdelay $0x1  }
0x18d: {  	v1 =	vadd.f32 v4, v1;
	_ =	sdelay $0x1  }
0x18e: {  	v0 =	vmul.f32 v1, v0;
	_ =	sdelay $0x1  }
0x18f: {  	v0 =	vsub.f32 v0, v7;
	_ =	sdelay $0x1  }
0x190: {  	v0 =	vmul.f32 $1.442695020e+00, v0;
	_ =	sdelay $0x1  }
0x191: {  	(erf) = vpow2.f32 v0;
	_ =	sdelay $0x7  }
0x192: {  	v0 =	vadd.f32 v9, v8  }
0x193: {  	v1 =	vpop (erf)  }
0x194: {  	v0 =	vadd.f32 v1, v0;
	_ =	sdelay $0x1  }
0x195: {  	v2 =	vperm.xlane v0, v13;
	_ =	sdelay $0x1  }
0x196: {  	v0 =	vadd.f32 v2, v0;
	v2 =	vld [tilespmem:$0x1FF90];
	_ =	sdelay $0x4  }
0x197: {  	v2 =	vperm.xlane v0, v2;
	_ =	sdelay $0x1  }
0x198: {  	v0 =	vadd.f32 v2, v0;
	v2 =	vld [tilespmem:$0x1FFB0];
	_ =	sdelay $0x4  }
0x199: {  	v2 =	vperm.xlane v0, v2;
	_ =	sdelay $0x1  }
0x19a: {  	v0 =	vadd.f32 v2, v0;
	v2 =	vld [tilespmem:$0x1FFD0];
	_ =	sdelay $0x4  }
0x19b: {  	v2 =	vperm.xlane v0, v2;
	_ =	sdelay $0x1  }
0x19c: {  	v0 =	vadd.f32 v2, v0;
	_ =	sdelay $0x1  }
0x19d: {  	(erf) = vrcp.f32 v0;
	_ =	sdelay $0x8  }
0x19e: {  	s14 =	sshra.s32 s14, $0x2;
	vm0 =	vlt.f32 v0, $9.999999820e-14;
	v0 =	vpop (erf)  }
0x19f: {  	s15 =	simm.s32 $0x40;
	[tilespmem:s14+$0x4400] =	vst v1;
	s14 =	simm.s32 $0x0;
	v0 =	vsel vm0, $0x0, v0  }
.LBB2_4:
0x1a0: {  	p0 =	sne.s32 s15, $0x3FC0;
	v1 =	vld [tilespmem:s14+$0x4400];
	_ =	sdelay $0x2  }
.Ltmp1:
0x1a1: {  	(pc) =	sbr.rel @p0 .LBB2_4-.Ltmp1, $3  }
0x1a2: {  	_ = 	snop  }
0x1a3: {  	v1 =	vmul.f32 v1, v0;
	_ =	sdelay $0x1  }
0x1a4: {  	[tilespmem:s14+$0x4400] =	vst v1;
	s14 =	sshra.s32 s15, $0x2;
	s15 =	sadd.s32 $0x40, s15  }
0x1a5: {  	v1 =	vld [tilespmem:s14+$0x4400];
	_ =	sdelay $0x4  }
0x1a6: {  	s13 =	sadd.s32 $0x1, s13;
	v0 =	vmul.f32 v1, v0  }
0x1a7: {  	p0 =	sne.s32 s13, s7  }
.Ltmp2:
0x1a8: {  	[tilespmem:s14+$0x4400] =	vst v0;
	(pc) =	sbr.rel @p0 .LBB2_1-.Ltmp2, $4  }
0x1a9: {  	[hbm4b:s6+s8] =	stream.strided.scatter [tilespmem:s12], [sflag:$0x1], $0x1000, s9, s8, $0x38;
	[tilespmem:$0x5480] =	vst v63  }
0x1aa: {  	_ =	swait.ge [sflag:s10], $0x1000  }
0x1ab: {  	[sflag:s10] =	ssyncset.done $0x0  }
0x1ac: {  	[sflag:s10] =	ssyncadd.s32 $0xFFFFF000  }
0x1ad: {  	_ =	sfence.sel $0x180000  }
0x1ae: {  	[bflag:$0x0] =	sbarrier.arrive $0xFFFF  }
0x1af: {  	p0 =	sne.s32 s1, $0x0;
	_ =	strace $0x90000047  }
0x1b0: {  	s0 =	sadd.s32 @!p0 $0x100000, s2;
	[bflag:$0x2] =	sbarrier.arrive $0xFFFF  }
0x1b1: {  	[sflag:s0] =	ssyncadd.tile.s32 @!p0 $0x1;
	_ =	shalt  }
.Lfunc_end2:
_tile_overlayer_lowered:
.L_overlay_start_2:
0x1b2: {  	(tag) =	ssettag $0x2  }
0x1b3: {  	s0 =	rddreg [dreg:$0x0];
	s2 =	stileid.u32  }
0x1b4: {  	s1 =	rddreg [dreg:$0x1];
	p0 =	sne.s32 s2, $0x0  }
0x1b5: {  	s3 =	rddreg [dreg:$0x2];
	[bflag:$0x3] =	sbarrier.arrive $0xFFFF;
	s2 =	simm.s32 @!p0 $0x1C01  }
0x1b6: {  	[timem:s3], [sflag:s2] =	dma.local @!p0 [hbm:s0], s1  }
0x1b7: {  	s0 =	simm.s32 @!p0 $0x1  }
0x1b8: {  	_ =	swait.ge @!p0 [sflag:s0], s1  }
0x1b9: {  	s1 =	ssub.s32 @!p0 $0x0, s1;
	[sflag:s0] =	ssyncset.done @!p0 $0x0  }
0x1ba: {  	[sflag:s0] =	ssyncadd.s32 @!p0 s1  }
0x1bb: {  	[bflag:$0x3] =	sbarrier.arrive $0xFFFF  }
0x1bc: {  	_ =	shalt  }

</sc_bundles>
